<compile_context>
chip_gen: v7x
topology: tpu7x:2x2x1
jax: 0.10.2.dev20260603
libtpu: 0.0.44.dev20260713+nightly
codegen_flags: <defaults>
</compile_context>

<pallas_src>
import functools

import jax
import jax.numpy as jnp
from jax import lax
from jax.experimental import pallas as pl
from jax.experimental.pallas import tpu as pltpu
from jax.experimental.pallas import tpu_sc as plsc

N_NODES = 10000
N_EDGES = 160000
F = 256
IN_F = 256
HID_F = 512
OUT_F = 256

NC = 2
NS = 16
NW = NC * NS
L = 16

NPAD = 10240
RPT = NPAD // NW
BATCH = 64
CH = 1600
NCHUNK = N_EDGES // CH
assert CH % L == 0 and N_EDGES % CH == 0 and NCHUNK % 2 == 0
NH = CH // L // 2
CBUF2 = CH // 2 + BATCH + L
CBUF = 2 * CBUF2 + L
EPW = N_EDGES // NW

@functools.cache
def _mesh():
  return plsc.VectorSubcoreMesh(
      core_axis_name="c", subcore_axis_name="s", num_cores=NC, num_subcores=NS
  )


_SC_PARAMS = pltpu.CompilerParams(needs_layout_passes=False)


def _zero_vecs(ref, n16, dtype):
  z = jnp.zeros((L,), dtype)

  def body(i, _):
    ref[pl.ds(i * L, L)] = z
    return 0

  lax.fori_loop(0, n16, body, 0)


def _deg_body(src, dst, od, idg, sbuf, dbuf, hs, hd, tmp, acc_s, acc_d,
              sh_s, sh_d):
  c = lax.axis_index("c")
  s = lax.axis_index("s")
  wid = c * NS + s
  e0 = wid * EPW

  pltpu.sync_copy(src.at[pl.ds(e0, EPW)], sbuf.at[pl.ds(0, EPW)])
  pltpu.sync_copy(dst.at[pl.ds(e0, EPW)], dbuf.at[pl.ds(0, EPW)])

  _zero_vecs(hs, NPAD // L, jnp.int32)
  _zero_vecs(hd, NPAD // L, jnp.int32)

  ones_i = jnp.ones((L,), jnp.int32)
  nfull = EPW // L
  rem = EPW - nfull * L

  def inc(v, _):
    ks = sbuf[pl.ds(v * L, L)]
    kd = dbuf[pl.ds(v * L, L)]
    plsc.addupdate_scatter(hs, [ks], ones_i)
    plsc.addupdate_scatter(hd, [kd], ones_i)
    return 0

  lax.fori_loop(0, nfull, inc, 0)
  if rem:
    mtail = jnp.arange(L, dtype=jnp.int32) < rem
    sbuf[pl.ds(EPW, L)] = jnp.zeros((L,), jnp.int32)
    dbuf[pl.ds(EPW, L)] = jnp.zeros((L,), jnp.int32)
    ks = sbuf[pl.ds(nfull * L, L)]
    kd = dbuf[pl.ds(nfull * L, L)]
    plsc.addupdate_scatter(hs, [ks], ones_i, mask=mtail)
    plsc.addupdate_scatter(hd, [kd], ones_i, mask=mtail)

  pltpu.sync_copy(hs, sh_s.at[s])
  pltpu.sync_copy(hd, sh_d.at[s])
  plsc.subcore_barrier()

  col0 = s * (NPAD // NS)
  nv = (NPAD // NS) // L
  _zero_vecs(acc_s, nv, jnp.int32)
  _zero_vecs(acc_d, nv, jnp.int32)

  def addv(accref):
    def body(i, _):
      accref[pl.ds(i * L, L)] = accref[pl.ds(i * L, L)] + tmp[pl.ds(i * L, L)]
      return 0
    lax.fori_loop(0, nv, body, 0)

  for k in range(NS):
    pltpu.sync_copy(sh_s.at[k, pl.ds(col0, NPAD // NS)], tmp)
    addv(acc_s)
    pltpu.sync_copy(sh_d.at[k, pl.ds(col0, NPAD // NS)], tmp)
    addv(acc_d)

  pltpu.sync_copy(acc_s, od.at[c, pl.ds(col0, NPAD // NS)])
  pltpu.sync_copy(acc_d, idg.at[c, pl.ds(col0, NPAD // NS)])


@functools.partial(jax.jit, static_argnums=())
def _deg_call(src, dst):
  return pl.kernel(
      _deg_body,
      out_type=(
          jax.ShapeDtypeStruct((NC, NPAD), jnp.int32),
          jax.ShapeDtypeStruct((NC, NPAD), jnp.int32),
      ),
      mesh=_mesh(),
      compiler_params=_SC_PARAMS,
      scratch_types=[
          pltpu.VMEM((EPW + L,), jnp.int32),
          pltpu.VMEM((EPW + L,), jnp.int32),
          pltpu.VMEM((NPAD,), jnp.int32),
          pltpu.VMEM((NPAD,), jnp.int32),
          pltpu.VMEM((NPAD // NS,), jnp.int32),
          pltpu.VMEM((NPAD // NS,), jnp.int32),
          pltpu.VMEM((NPAD // NS,), jnp.int32),
          pltpu.VMEM_SHARED((NS, NPAD), jnp.int32),
          pltpu.VMEM_SHARED((NS, NPAD), jnp.int32),
      ],
  )(src, dst)


def _norm_body(od_ref, id_ref, ns_ref, nd_ref):
  do = (od_ref[0] + od_ref[1]).astype(jnp.float32)
  di = (id_ref[0] + id_ref[1]).astype(jnp.float32)
  ns_ref[...] = lax.rsqrt(jnp.maximum(do, 1.0))
  nd_ref[...] = lax.rsqrt(jnp.maximum(di, 1.0))


def _norm_call(od, idg):
  out = pl.pallas_call(
      _norm_body,
      out_shape=(
          jax.ShapeDtypeStruct((NPAD // 128, 128), jnp.float32),
          jax.ShapeDtypeStruct((NPAD // 128, 128), jnp.float32),
      ),
  )(od.reshape(NC, NPAD // 128, 128), idg.reshape(NC, NPAD // 128, 128))
  return out[0].reshape(NPAD), out[1].reshape(NPAD)


def _prep_body(src, dst, w, ns, p, we, sbuf, dbuf, wbuf, pbuf, webuf, nsv):
  c = lax.axis_index("c")
  s = lax.axis_index("s")
  wid = c * NS + s
  e0 = wid * EPW

  pltpu.sync_copy(ns, nsv)
  pltpu.sync_copy(src.at[pl.ds(e0, EPW)], sbuf.at[pl.ds(0, EPW)])
  pltpu.sync_copy(dst.at[pl.ds(e0, EPW)], dbuf.at[pl.ds(0, EPW)])
  pltpu.sync_copy(w.at[pl.ds(e0, EPW)], wbuf.at[pl.ds(0, EPW)])
  sbuf[pl.ds(EPW, L)] = jnp.zeros((L,), jnp.int32)
  dbuf[pl.ds(EPW, L)] = jnp.zeros((L,), jnp.int32)

  def body(v, _):
    ks = sbuf[pl.ds(v * L, L)]
    kd = dbuf[pl.ds(v * L, L)]
    kw = wbuf[pl.ds(v * L, L)]
    nsg = plsc.load_gather(nsv, [ks])
    pbuf[pl.ds(v * L, L)] = kd * 16384 + ks
    webuf[pl.ds(v * L, L)] = kw * nsg
    return 0

  lax.fori_loop(0, (EPW + L - 1) // L, body, 0)
  pltpu.sync_copy(pbuf.at[pl.ds(0, EPW)], p.at[pl.ds(e0, EPW)])
  pltpu.sync_copy(webuf.at[pl.ds(0, EPW)], we.at[pl.ds(e0, EPW)])


def _prep_call(src, dst, w, ns):
  return pl.kernel(
      _prep_body,
      out_type=(
          jax.ShapeDtypeStruct((N_EDGES,), jnp.int32),
          jax.ShapeDtypeStruct((N_EDGES,), jnp.float32),
      ),
      mesh=_mesh(),
      compiler_params=_SC_PARAMS,
      scratch_types=[
          pltpu.VMEM((EPW + L,), jnp.int32),
          pltpu.VMEM((EPW + L,), jnp.int32),
          pltpu.VMEM((EPW + L,), jnp.float32),
          pltpu.VMEM((EPW + L,), jnp.int32),
          pltpu.VMEM((EPW + L,), jnp.float32),
          pltpu.VMEM((NPAD,), jnp.float32),
      ],
  )(src, dst, w, ns)


def _scatter_body(table, p, we, nd, bias, out,
                  ep0, ew0, ep1, ew1, cp, cwe, rows, acc,
                  ndv, biasv, sem0, sem1, semg):
  c = lax.axis_index("c")
  s = lax.axis_index("s")
  wid = c * NS + s
  lo = wid * RPT
  plo = lo * 16384
  phi = (lo + RPT) * 16384

  pltpu.sync_copy(nd.at[pl.ds(wid * RPT, RPT)], ndv.at[pl.ds(0, RPT)])
  pltpu.sync_copy(bias, biasv)

  _zero_vecs(acc, RPT * F // L, jnp.float32)

  padg = lax.rem(wid * 313 + 17, N_NODES)
  pg = jnp.full((L,), 0, jnp.int32) + (plo + padg)
  zf = jnp.zeros((L,), jnp.float32)

  def pre(i, _):
    cp[pl.ds(i * L, L)] = pg
    cwe[pl.ds(i * L, L)] = zf
    return 0

  lax.fori_loop(0, CBUF // L, pre, 0)

  def chunk_copies(k, ebp, ebw, sem, make):
    e0 = lax.rem(k, NCHUNK) * CH
    mk = pltpu.make_async_copy if make else pltpu.async_copy
    return [
        mk(p.at[pl.ds(e0, CH)], ebp, sem),
        mk(we.at[pl.ds(e0, CH)], ebw, sem),
    ]

  def issue_chunk(k, ebp, ebw, sem):
    chunk_copies(k, ebp, ebw, sem, make=False)

  def wait_chunk(k, ebp, ebw, sem):
    for cc in chunk_copies(k, ebp, ebw, sem, make=True):
      cc.wait()

  def compress(ebp, ebw, carry):
    def comp(v, cc):
      cnts = list(cc)
      for st in range(2):
        vv = st * NH + v
        kp = ebp[pl.ds(vv * L, L)]
        kw = ebw[pl.ds(vv * L, L)]
        m = (kp >= plo) & (kp < phi)
        off = st * CBUF2 + cnts[st]
        plsc.store_compressed(cp.at[pl.ds(off, L)], kp, mask=m)
        plsc.store_compressed(cwe.at[pl.ds(off, L)], kw, mask=m)
        pc = plsc.all_reduce_population_count(m)
        cnts[st] = cnts[st] + pc[0]
      return tuple(cnts)

    return lax.fori_loop(0, NH, comp, carry)

  def run_batch(start):
    copies = []
    for j in range(BATCH // L):
      cs = cp[pl.ds(start + j * L, L)] & 16383
      copies.append(
          pltpu.async_copy(table.at[cs], rows.at[pl.ds(j * L, L)], semg))
    for j in range(BATCH // L):
      copies[j].wait()

      def srow4(q, _):
        cwv = cwe[pl.ds(start + j * L + q * 4, L)]
        cpv = cp[pl.ds(start + j * L + q * 4, L)]
        basev = (lax.shift_right_logical(cpv, 14) - lo) * F
        for u in range(4):
          ws = cwv[u]
          bb = basev[u]
          r = j * L + q * 4 + u
          for jf in range(F // L):
            v = rows[r, pl.ds(jf * L, L)] * ws
            plsc.addupdate(acc.at[pl.ds(bb + jf * L, L)], v)
        return 0

      lax.fori_loop(0, L // 4, srow4, 0)

  def stream_batches(st, wpos):
    off = st * CBUF2
    nbf = wpos // BATCH

    def batch_loop(b, _):
      run_batch(off + b * BATCH)
      return 0

    lax.fori_loop(0, nbf, batch_loop, 0)
    base = off + nbf * BATCH
    for j in range(BATCH // L):
      cp[pl.ds(off + j * L, L)] = cp[pl.ds(base + j * L, L)]
      cwe[pl.ds(off + j * L, L)] = cwe[pl.ds(base + j * L, L)]
    return wpos - nbf * BATCH

  def process(ebp, ebw, carry):
    wa, wb = compress(ebp, ebw, carry)
    wa = stream_batches(0, wa)
    wb = stream_batches(1, wb)
    return wa, wb

  issue_chunk(0, ep0, ew0, sem0)
  wait_chunk(0, ep0, ew0, sem0)
  issue_chunk(1, ep1, ew1, sem1)

  def gbody(g, carry):
    k0 = 2 * g
    carry = process(ep0, ew0, carry)
    wait_chunk(k0 + 1, ep1, ew1, sem1)
    issue_chunk(k0 + 2, ep0, ew0, sem0)
    carry = process(ep1, ew1, carry)
    wait_chunk(k0 + 2, ep0, ew0, sem0)
    issue_chunk(k0 + 3, ep1, ew1, sem1)
    return carry

  wa, wb = lax.fori_loop(0, NCHUNK // 2, gbody, (0, 0))
  wait_chunk(1, ep1, ew1, sem1)

  for j in range(BATCH // L):
    cwe[pl.ds(wa + j * L, L)] = zf
    cwe[pl.ds(CBUF2 + wb + j * L, L)] = zf
  run_batch(0)
  run_batch(CBUF2)

  for blk in range(RPT // BATCH):
    def drow(r, _):
      nds = ndv[pl.ds(blk * BATCH + r, L)][0]
      base = (blk * BATCH + r) * F
      for j in range(F // L):
        v = acc[pl.ds(base + j * L, L)]
        rows[r, pl.ds(j * L, L)] = v * nds + biasv[pl.ds(j * L, L)]
      return 0

    lax.fori_loop(0, BATCH, drow, 0)
    pltpu.sync_copy(rows, out.at[pl.ds(lo + blk * BATCH, BATCH)])


def _scatter_call(table, p, we, nd, bias):
  return pl.kernel(
      _scatter_body,
      out_type=jax.ShapeDtypeStruct((NPAD, F), jnp.float32),
      mesh=_mesh(),
      compiler_params=_SC_PARAMS,
      scratch_types=[
          pltpu.VMEM((CH,), jnp.int32),
          pltpu.VMEM((CH,), jnp.float32),
          pltpu.VMEM((CH,), jnp.int32),
          pltpu.VMEM((CH,), jnp.float32),
          pltpu.VMEM((CBUF,), jnp.int32),
          pltpu.VMEM((CBUF,), jnp.float32),
          pltpu.VMEM((BATCH, F), jnp.float32),
          pltpu.VMEM((RPT * F,), jnp.float32),
          pltpu.VMEM((RPT + L,), jnp.float32),
          pltpu.VMEM((F,), jnp.float32),
          pltpu.SemaphoreType.DMA,
          pltpu.SemaphoreType.DMA,
          pltpu.SemaphoreType.DMA,
      ],
  )(table, p, we, nd, bias)


def _mlp_body(x_ref, w1_ref, b1_ref, w2_ref, o_ref):
  x = x_ref[...]
  a = jnp.dot(x, w1_ref[...], preferred_element_type=jnp.float32,
              precision=lax.Precision.HIGHEST) + b1_ref[...]
  h = jnp.maximum(a, 0.0)
  o_ref[...] = jnp.dot(h, w2_ref[...], preferred_element_type=jnp.float32,
                       precision=lax.Precision.HIGHEST)


def _mlp_call(x, w1, b1, w2):
  blk = 512
  return pl.pallas_call(
      _mlp_body,
      grid=(NPAD // blk,),
      in_specs=[
          pl.BlockSpec((blk, IN_F), lambda i: (i, 0)),
          pl.BlockSpec((IN_F, HID_F), lambda i: (0, 0)),
          pl.BlockSpec((1, HID_F), lambda i: (0, 0)),
          pl.BlockSpec((HID_F, OUT_F), lambda i: (0, 0)),
      ],
      out_specs=pl.BlockSpec((blk, OUT_F), lambda i: (i, 0)),
      out_shape=jax.ShapeDtypeStruct((NPAD, OUT_F), jnp.float32),
  )(x, w1, b1.reshape(1, HID_F), w2)


@jax.jit
def kernel(node_feats, edge_index, edge_weight, W1, b1, W2, b2):
  src = edge_index[0].astype(jnp.int32)
  dst = edge_index[1].astype(jnp.int32)
  w = edge_weight.astype(jnp.float32)

  od, idg = _deg_call(src, dst)
  ns, nd = _norm_call(od, idg)
  p, we = _prep_call(src, dst, w, ns)

  nf_pad = jnp.pad(node_feats, ((0, NPAD - N_NODES), (0, 0)))
  zeros_f = jnp.zeros((F,), jnp.float32)
  agg1 = _scatter_call(nf_pad, p, we, nd, zeros_f)
  t = _mlp_call(agg1, W1, b1, W2)
  out = _scatter_call(t, p, we, nd, b2)
  return out[:N_NODES]

# --- scband reference (transcript-rebuilt; emitter-appended) ---
"""Pipeline reference for scband-gcnwith-weight-edge-180388626679 (READ-ONLY COPY).

The authoritative reference and input builder live on the scoring server;
editing this copy changes nothing except your own understanding.
"""

import jax, jax.numpy as jnp
import numpy as np

N_NODES = 10000
N_EDGES = 160000
IN_FEATS = 256
HIDDEN_FEATS = 512
OUT_FEATS = 256


def setup_inputs(seed: int = 0) -> dict:
    key = jax.random.key(seed)
    k1, k2, k3, k4, k5, k6 = jax.random.split(key, 6)
    node_feats = jax.random.normal(k1, (N_NODES, IN_FEATS), dtype=jnp.float32)
    edge_index = jax.random.randint(k2, (2, N_EDGES), 0, N_NODES, dtype=jnp.int64)
    edge_weight = jax.random.uniform(k3, (N_EDGES,), dtype=jnp.float32)
    # GraphConv weights (Glorot-style scale)
    W1 = jax.random.normal(k4, (IN_FEATS, HIDDEN_FEATS), dtype=jnp.float32) * (1.0 / np.sqrt(IN_FEATS))
    b1 = jnp.zeros((HIDDEN_FEATS,), dtype=jnp.float32)
    W2 = jax.random.normal(k5, (HIDDEN_FEATS, OUT_FEATS), dtype=jnp.float32) * (1.0 / np.sqrt(HIDDEN_FEATS))
    b2 = jnp.zeros((OUT_FEATS,), dtype=jnp.float32)
    return {
        "node_feats": node_feats,
        "edge_index": edge_index,
        "edge_weight": edge_weight,
        "W1": W1,
        "b1": b1,
        "W2": W2,
        "b2": b2,
    }


def _graph_conv(feat, src, dst, edge_weight, W, b, norm_src, norm_dst, n_nodes):
    # DGL GraphConv with norm='both' and edge_weight:
    #   h = D_out^{-1/2} X; m_e = h[src] * w_e; agg = scatter_add(m, dst);
    #   out = (D_in^{-1/2} agg) @ W + b
    h = feat * norm_src[:, None]
    msgs = h[src] * edge_weight[:, None]
    agg = jax.ops.segment_sum(msgs, dst, num_segments=n_nodes)
    agg = agg * norm_dst[:, None]
    return agg @ W + b


def reference(node_feats, edge_index, edge_weight, W1, b1, W2, b2):
    src = edge_index[0]
    dst = edge_index[1]
    n_nodes = node_feats.shape[0]
    ones = jnp.ones((src.shape[0],), dtype=jnp.float32)
    out_deg = jnp.clip(jax.ops.segment_sum(ones, src, num_segments=n_nodes), 1.0)
    in_deg = jnp.clip(jax.ops.segment_sum(ones, dst, num_segments=n_nodes), 1.0)
    norm_src = jax.lax.rsqrt(out_deg)
    norm_dst = jax.lax.rsqrt(in_deg)
    h = _graph_conv(node_feats, src, dst, edge_weight, W1, b1, norm_src, norm_dst, n_nodes)
    h = jax.nn.relu(h)
    out = _graph_conv(h, src, dst, edge_weight, W2, b2, norm_src, norm_dst, n_nodes)
    return out

if __name__ == "__main__":
    import jax
    _d = setup_inputs()
    print(jax.jit(kernel)(*tuple(_d.values())))

</pallas_src>

<mosaic_0001>
#map = affine_map<(d0, d1) -> (0)>
#map1 = affine_map<(d0, d1) -> (0, 0)>
module attributes {stable_mosaic.version = 14 : i64} {
  func.func @_deg_body(%arg0: i32, %arg1: i32, %arg2: memref<160000xi32, #tpu.memory_space<hbm>>, %arg3: memref<160000xi32, #tpu.memory_space<hbm>>, %arg4: memref<2x10240xi32, #tpu.memory_space<hbm>>, %arg5: memref<2x10240xi32, #tpu.memory_space<hbm>>, %arg6: memref<5016xi32, #tpu.memory_space<vmem>>, %arg7: memref<5016xi32, #tpu.memory_space<vmem>>, %arg8: memref<10240xi32, #tpu.memory_space<vmem>>, %arg9: memref<10240xi32, #tpu.memory_space<vmem>>, %arg10: memref<640xi32, #tpu.memory_space<vmem>>, %arg11: memref<640xi32, #tpu.memory_space<vmem>>, %arg12: memref<640xi32, #tpu.memory_space<vmem>>, %arg13: memref<16x10240xi32, #tpu.memory_space<vmem_shared>>, %arg14: memref<16x10240xi32, #tpu.memory_space<vmem_shared>>) attributes {dimension_semantics = [#tpu.dimension_semantics<core_parallel>, #tpu.dimension_semantics<subcore_parallel>], iteration_bounds = array<i64: 2, 16>, scalar_prefetch = 0 : i64, scratch_operands = 9 : i64, tpu.core_type = #tpu.core_type<sc_vector_subcore>, window_params = [{transform_indices = #map}, {transform_indices = #map}, {transform_indices = #map1}, {transform_indices = #map1}]} {
    %mul3A = arith.constant 16 : i32
    %mul3A_0 = arith.muli %arg0, %mul3A : i32
    %add3A = arith.addi %mul3A_0, %arg1 : i32
    %mul3A_1 = arith.constant 5000 : i32
    %mul3A_2 = arith.muli %add3A, %mul3A_1 : i32
    "tpu.region"() ({
      %run_scoped3A_315 = tpu.sem_alloc : memref<!tpu.dma_semaphore, #tpu.memory_space<semaphore_mem>>
      %dma_start3A = arith.constant 0 : i32
      %dma_start3A_316 = tpu.memref_slice %arg6[%dma_start3A] : memref<5016xi32, #tpu.memory_space<vmem>> -> memref<5000xi32, #tpu.memory_space<vmem>>
      %dma_start3A_317 = tpu.memref_slice %arg2[%mul3A_2] : memref<160000xi32, #tpu.memory_space<hbm>> -> memref<5000xi32, #tpu.memory_space<hbm>>
      %dma_start3A_318 = arith.constant 0 : i32
      %dma_start3A_319 = tpu.memref_slice %arg6[%dma_start3A_318] : memref<5016xi32, #tpu.memory_space<vmem>> -> memref<5000xi32, #tpu.memory_space<vmem>>
      %dma_start3A_320 = tpu.memref_slice %arg2[%mul3A_2] : memref<160000xi32, #tpu.memory_space<hbm>> -> memref<5000xi32, #tpu.memory_space<hbm>>
      tpu.enqueue_dma source(%dma_start3A_320 : memref<5000xi32, #tpu.memory_space<hbm>>) target(%dma_start3A_319 : memref<5000xi32, #tpu.memory_space<vmem>>) target_semaphore(%run_scoped3A_315 : memref<!tpu.dma_semaphore, #tpu.memory_space<semaphore_mem>>)
      %dma_wait3A = arith.constant 0 : i32
      %dma_wait3A_321 = tpu.memref_slice %arg6[%dma_wait3A] : memref<5016xi32, #tpu.memory_space<vmem>> -> memref<5000xi32, #tpu.memory_space<vmem>>
      %dma_wait3A_322 = tpu.memref_slice %arg2[%mul3A_2] : memref<160000xi32, #tpu.memory_space<hbm>> -> memref<5000xi32, #tpu.memory_space<hbm>>
      %dma_wait3A_323 = arith.constant 0 : i32
      %dma_wait3A_324 = tpu.memref_slice %arg6[%dma_wait3A_323] : memref<5016xi32, #tpu.memory_space<vmem>> -> memref<5000xi32, #tpu.memory_space<vmem>>
      %dma_wait3A_325 = tpu.memref_slice %arg2[%mul3A_2] : memref<160000xi32, #tpu.memory_space<hbm>> -> memref<5000xi32, #tpu.memory_space<hbm>>
      tpu.wait_dma2 semaphore(%run_scoped3A_315 : memref<!tpu.dma_semaphore, #tpu.memory_space<semaphore_mem>>) src(%dma_wait3A_325 : memref<5000xi32, #tpu.memory_space<hbm>>) dst(%dma_wait3A_324 : memref<5000xi32, #tpu.memory_space<vmem>>)
      tpu.yield
    }) : () -> ()
    "tpu.region"() ({
      %run_scoped3A_315 = tpu.sem_alloc : memref<!tpu.dma_semaphore, #tpu.memory_space<semaphore_mem>>
      %dma_start3A = arith.constant 0 : i32
      %dma_start3A_316 = tpu.memref_slice %arg7[%dma_start3A] : memref<5016xi32, #tpu.memory_space<vmem>> -> memref<5000xi32, #tpu.memory_space<vmem>>
      %dma_start3A_317 = tpu.memref_slice %arg3[%mul3A_2] : memref<160000xi32, #tpu.memory_space<hbm>> -> memref<5000xi32, #tpu.memory_space<hbm>>
      %dma_start3A_318 = arith.constant 0 : i32
      %dma_start3A_319 = tpu.memref_slice %arg7[%dma_start3A_318] : memref<5016xi32, #tpu.memory_space<vmem>> -> memref<5000xi32, #tpu.memory_space<vmem>>
      %dma_start3A_320 = tpu.memref_slice %arg3[%mul3A_2] : memref<160000xi32, #tpu.memory_space<hbm>> -> memref<5000xi32, #tpu.memory_space<hbm>>
      tpu.enqueue_dma source(%dma_start3A_320 : memref<5000xi32, #tpu.memory_space<hbm>>) target(%dma_start3A_319 : memref<5000xi32, #tpu.memory_space<vmem>>) target_semaphore(%run_scoped3A_315 : memref<!tpu.dma_semaphore, #tpu.memory_space<semaphore_mem>>)
      %dma_wait3A = arith.constant 0 : i32
      %dma_wait3A_321 = tpu.memref_slice %arg7[%dma_wait3A] : memref<5016xi32, #tpu.memory_space<vmem>> -> memref<5000xi32, #tpu.memory_space<vmem>>
      %dma_wait3A_322 = tpu.memref_slice %arg3[%mul3A_2] : memref<160000xi32, #tpu.memory_space<hbm>> -> memref<5000xi32, #tpu.memory_space<hbm>>
      %dma_wait3A_323 = arith.constant 0 : i32
      %dma_wait3A_324 = tpu.memref_slice %arg7[%dma_wait3A_323] : memref<5016xi32, #tpu.memory_space<vmem>> -> memref<5000xi32, #tpu.memory_space<vmem>>
      %dma_wait3A_325 = tpu.memref_slice %arg3[%mul3A_2] : memref<160000xi32, #tpu.memory_space<hbm>> -> memref<5000xi32, #tpu.memory_space<hbm>>
      tpu.wait_dma2 semaphore(%run_scoped3A_315 : memref<!tpu.dma_semaphore, #tpu.memory_space<semaphore_mem>>) src(%dma_wait3A_325 : memref<5000xi32, #tpu.memory_space<hbm>>) dst(%dma_wait3A_324 : memref<5000xi32, #tpu.memory_space<vmem>>)
      tpu.yield
    }) : () -> ()
    %broadcast_in_dim3A = arith.constant 0 : i32
    %broadcast_in_dim3A_3 = vector.broadcast %broadcast_in_dim3A : i32 to vector<16xi32>
    %scan3A = arith.constant 0 : i32
    %scan3A_4 = arith.constant 0 : i32
    %scan3A_5 = arith.constant 640 : i32
    %scan3A_6 = arith.addi %scan3A_4, %scan3A_5 : i32
    %scan3A_7 = arith.constant 1 : i32
    %scan3A_8 = scf.for %scan3A_315 = %scan3A_4 to %scan3A_6 step %scan3A_7 iter_args(%scan3A_316 = %scan3A) -> (i32)  : i32 {
      %mul3A_317 = arith.constant 16 : i32
      %mul3A_318 = arith.muli %scan3A_315, %mul3A_317 : i32
      %swap3A_319 = arith.index_cast %mul3A_318 : i32 to index
      %swap3A_320 = tpu.vector_load %arg8[%swap3A_319] {strides = array<i32>} : memref<10240xi32, #tpu.memory_space<vmem>>, vector<16xi32>,
      tpu.vector_store %arg8[%swap3A_319], %broadcast_in_dim3A_3 {strides = array<i32>} : memref<10240xi32, #tpu.memory_space<vmem>>, vector<16xi32>,
      %scan3A_321 = arith.constant 0 : i32
      scf.yield %scan3A_321 : i32
    }
    %scan3A_9 = arith.constant 640 : i32
    %broadcast_in_dim3A_10 = arith.constant 0 : i32
    %broadcast_in_dim3A_11 = vector.broadcast %broadcast_in_dim3A_10 : i32 to vector<16xi32>
    %scan3A_12 = arith.constant 0 : i32
    %scan3A_13 = arith.constant 0 : i32
    %scan3A_14 = arith.constant 640 : i32
    %scan3A_15 = arith.addi %scan3A_13, %scan3A_14 : i32
    %scan3A_16 = arith.constant 1 : i32
    %scan3A_17 = scf.for %scan3A_315 = %scan3A_13 to %scan3A_15 step %scan3A_16 iter_args(%scan3A_316 = %scan3A_12) -> (i32)  : i32 {
      %mul3A_317 = arith.constant 16 : i32
      %mul3A_318 = arith.muli %scan3A_315, %mul3A_317 : i32
      %swap3A_319 = arith.index_cast %mul3A_318 : i32 to index
      %swap3A_320 = tpu.vector_load %arg9[%swap3A_319] {strides = array<i32>} : memref<10240xi32, #tpu.memory_space<vmem>>, vector<16xi32>,
      tpu.vector_store %arg9[%swap3A_319], %broadcast_in_dim3A_11 {strides = array<i32>} : memref<10240xi32, #tpu.memory_space<vmem>>, vector<16xi32>,
      %scan3A_321 = arith.constant 0 : i32
      scf.yield %scan3A_321 : i32
    }
    %scan3A_18 = arith.constant 640 : i32
    %broadcast_in_dim3A_19 = arith.constant 1 : i32
    %broadcast_in_dim3A_20 = vector.broadcast %broadcast_in_dim3A_19 : i32 to vector<16xi32>
    %scan3A_21 = arith.constant 0 : i32
    %scan3A_22 = arith.constant 0 : i32
    %scan3A_23 = arith.constant 312 : i32
    %scan3A_24 = arith.addi %scan3A_22, %scan3A_23 : i32
    %scan3A_25 = arith.constant 1 : i32
    %scan3A_26 = scf.for %scan3A_315 = %scan3A_22 to %scan3A_24 step %scan3A_25 iter_args(%scan3A_316 = %scan3A_21) -> (i32)  : i32 {
      %mul3A_317 = arith.constant 16 : i32
      %mul3A_318 = arith.muli %scan3A_315, %mul3A_317 : i32
      %get3A_319 = arith.index_cast %mul3A_318 : i32 to index
      %get3A_320 = tpu.vector_load %arg6[%get3A_319] {strides = array<i32>} : memref<5016xi32, #tpu.memory_space<vmem>>, vector<16xi32>,
      %mul3A_321 = arith.constant 16 : i32
      %mul3A_322 = arith.muli %scan3A_315, %mul3A_321 : i32
      %get3A_323 = arith.index_cast %mul3A_322 : i32 to index
      %get3A_324 = tpu.vector_load %arg7[%get3A_323] {strides = array<i32>} : memref<5016xi32, #tpu.memory_space<vmem>>, vector<16xi32>,
      tpu.vector_store_idx %arg8[%get3A_320], %broadcast_in_dim3A_20 {add = true} : memref<10240xi32, #tpu.memory_space<vmem>>[vector<16xi32>], vector<16xi32>,
      tpu.vector_store_idx %arg9[%get3A_324], %broadcast_in_dim3A_20 {add = true} : memref<10240xi32, #tpu.memory_space<vmem>>[vector<16xi32>], vector<16xi32>,
      %scan3A_325 = arith.constant 0 : i32
      scf.yield %scan3A_325 : i32
    }
    %scan3A_27 = arith.constant 312 : i32
    %iota3A = tpu.iota {dimensions = array<i32: 0>} : vector<16xi32>
    %lt3A = arith.constant 8 : i32
    %lt3A_28 = vector.broadcast %lt3A : i32 to vector<16xi32>
    %lt3A_29 = arith.cmpi slt, %iota3A, %lt3A_28 : vector<16xi32>
    %broadcast_in_dim3A_30 = arith.constant 0 : i32
    %broadcast_in_dim3A_31 = vector.broadcast %broadcast_in_dim3A_30 : i32 to vector<16xi32>
    %swap3A = arith.constant 5000 : index
    %swap3A_32 = tpu.vector_load %arg6[%swap3A] {strides = array<i32>} : memref<5016xi32, #tpu.memory_space<vmem>>, vector<16xi32>,
    tpu.vector_store %arg6[%swap3A], %broadcast_in_dim3A_31 {strides = array<i32>} : memref<5016xi32, #tpu.memory_space<vmem>>, vector<16xi32>,
    %broadcast_in_dim3A_33 = arith.constant 0 : i32
    %broadcast_in_dim3A_34 = vector.broadcast %broadcast_in_dim3A_33 : i32 to vector<16xi32>
    %swap3A_35 = arith.constant 5000 : index
    %swap3A_36 = tpu.vector_load %arg7[%swap3A_35] {strides = array<i32>} : memref<5016xi32, #tpu.memory_space<vmem>>, vector<16xi32>,
    tpu.vector_store %arg7[%swap3A_35], %broadcast_in_dim3A_34 {strides = array<i32>} : memref<5016xi32, #tpu.memory_space<vmem>>, vector<16xi32>,
    %get3A = arith.constant 4992 : index
    %get3A_37 = tpu.vector_load %arg6[%get3A] {strides = array<i32>} : memref<5016xi32, #tpu.memory_space<vmem>>, vector<16xi32>,
    %get3A_38 = arith.constant 4992 : index
    %get3A_39 = tpu.vector_load %arg7[%get3A_38] {strides = array<i32>} : memref<5016xi32, #tpu.memory_space<vmem>>, vector<16xi32>,
    tpu.vector_store_idx %arg8[%get3A_37], %broadcast_in_dim3A_20 masked %lt3A_29 {add = true} : memref<10240xi32, #tpu.memory_space<vmem>>[vector<16xi32>], vector<16xi32>, vector<16xi1>
    tpu.vector_store_idx %arg9[%get3A_39], %broadcast_in_dim3A_20 masked %lt3A_29 {add = true} : memref<10240xi32, #tpu.memory_space<vmem>>[vector<16xi32>], vector<16xi32>, vector<16xi1>
    "tpu.region"() ({
      %run_scoped3A_315 = tpu.sem_alloc : memref<!tpu.dma_semaphore, #tpu.memory_space<semaphore_mem>>
      %dma_start3A = arith.constant 0 : i32
      %dma_start3A_316 = tpu.memref_slice %arg13[%arg1, %dma_start3A] : memref<16x10240xi32, #tpu.memory_space<vmem_shared>> -> memref<1x10240xi32, #tpu.memory_space<vmem_shared>>
      %dma_start3A_317 = tpu.memref_squeeze %dma_start3A_316 : memref<1x10240xi32, #tpu.memory_space<vmem_shared>> -> memref<10240xi32, #tpu.memory_space<vmem_shared>>
      %dma_start3A_318 = arith.constant 0 : i32
      %dma_start3A_319 = tpu.memref_slice %arg13[%arg1, %dma_start3A_318] : memref<16x10240xi32, #tpu.memory_space<vmem_shared>> -> memref<1x10240xi32, #tpu.memory_space<vmem_shared>>
      %dma_start3A_320 = tpu.memref_squeeze %dma_start3A_319 : memref<1x10240xi32, #tpu.memory_space<vmem_shared>> -> memref<10240xi32, #tpu.memory_space<vmem_shared>>
      tpu.enqueue_dma source(%arg8 : memref<10240xi32, #tpu.memory_space<vmem>>) target(%dma_start3A_320 : memref<10240xi32, #tpu.memory_space<vmem_shared>>) target_semaphore(%run_scoped3A_315 : memref<!tpu.dma_semaphore, #tpu.memory_space<semaphore_mem>>)
      %dma_wait3A = arith.constant 0 : i32
      %dma_wait3A_321 = tpu.memref_slice %arg13[%arg1, %dma_wait3A] : memref<16x10240xi32, #tpu.memory_space<vmem_shared>> -> memref<1x10240xi32, #tpu.memory_space<vmem_shared>>
      %dma_wait3A_322 = tpu.memref_squeeze %dma_wait3A_321 : memref<1x10240xi32, #tpu.memory_space<vmem_shared>> -> memref<10240xi32, #tpu.memory_space<vmem_shared>>
      %dma_wait3A_323 = arith.constant 0 : i32
      %dma_wait3A_324 = tpu.memref_slice %arg13[%arg1, %dma_wait3A_323] : memref<16x10240xi32, #tpu.memory_space<vmem_shared>> -> memref<1x10240xi32, #tpu.memory_space<vmem_shared>>
      %dma_wait3A_325 = tpu.memref_squeeze %dma_wait3A_324 : memref<1x10240xi32, #tpu.memory_space<vmem_shared>> -> memref<10240xi32, #tpu.memory_space<vmem_shared>>
      tpu.wait_dma2 semaphore(%run_scoped3A_315 : memref<!tpu.dma_semaphore, #tpu.memory_space<semaphore_mem>>) src(%arg8 : memref<10240xi32, #tpu.memory_space<vmem>>) dst(%dma_wait3A_325 : memref<10240xi32, #tpu.memory_space<vmem_shared>>)
      tpu.yield
    }) : () -> ()
    "tpu.region"() ({
      %run_scoped3A_315 = tpu.sem_alloc : memref<!tpu.dma_semaphore, #tpu.memory_space<semaphore_mem>>
      %dma_start3A = arith.constant 0 : i32
      %dma_start3A_316 = tpu.memref_slice %arg14[%arg1, %dma_start3A] : memref<16x10240xi32, #tpu.memory_space<vmem_shared>> -> memref<1x10240xi32, #tpu.memory_space<vmem_shared>>
      %dma_start3A_317 = tpu.memref_squeeze %dma_start3A_316 : memref<1x10240xi32, #tpu.memory_space<vmem_shared>> -> memref<10240xi32, #tpu.memory_space<vmem_shared>>
      %dma_start3A_318 = arith.constant 0 : i32
      %dma_start3A_319 = tpu.memref_slice %arg14[%arg1, %dma_start3A_318] : memref<16x10240xi32, #tpu.memory_space<vmem_shared>> -> memref<1x10240xi32, #tpu.memory_space<vmem_shared>>
      %dma_start3A_320 = tpu.memref_squeeze %dma_start3A_319 : memref<1x10240xi32, #tpu.memory_space<vmem_shared>> -> memref<10240xi32, #tpu.memory_space<vmem_shared>>
      tpu.enqueue_dma source(%arg9 : memref<10240xi32, #tpu.memory_space<vmem>>) target(%dma_start3A_320 : memref<10240xi32, #tpu.memory_space<vmem_shared>>) target_semaphore(%run_scoped3A_315 : memref<!tpu.dma_semaphore, #tpu.memory_space<semaphore_mem>>)
      %dma_wait3A = arith.constant 0 : i32
      %dma_wait3A_321 = tpu.memref_slice %arg14[%arg1, %dma_wait3A] : memref<16x10240xi32, #tpu.memory_space<vmem_shared>> -> memref<1x10240xi32, #tpu.memory_space<vmem_shared>>
      %dma_wait3A_322 = tpu.memref_squeeze %dma_wait3A_321 : memref<1x10240xi32, #tpu.memory_space<vmem_shared>> -> memref<10240xi32, #tpu.memory_space<vmem_shared>>
      %dma_wait3A_323 = arith.constant 0 : i32
      %dma_wait3A_324 = tpu.memref_slice %arg14[%arg1, %dma_wait3A_323] : memref<16x10240xi32, #tpu.memory_space<vmem_shared>> -> memref<1x10240xi32, #tpu.memory_space<vmem_shared>>
      %dma_wait3A_325 = tpu.memref_squeeze %dma_wait3A_324 : memref<1x10240xi32, #tpu.memory_space<vmem_shared>> -> memref<10240xi32, #tpu.memory_space<vmem_shared>>
      tpu.wait_dma2 semaphore(%run_scoped3A_315 : memref<!tpu.dma_semaphore, #tpu.memory_space<semaphore_mem>>) src(%arg9 : memref<10240xi32, #tpu.memory_space<vmem>>) dst(%dma_wait3A_325 : memref<10240xi32, #tpu.memory_space<vmem_shared>>)
      tpu.yield
    }) : () -> ()
    %barrier3A = arith.constant 0 : index
    tpu.barrier barrier_id(%barrier3A)
    %mul3A_40 = arith.constant 640 : i32
    %mul3A_41 = arith.muli %arg1, %mul3A_40 : i32
    %broadcast_in_dim3A_42 = arith.constant 0 : i32
    %broadcast_in_dim3A_43 = vector.broadcast %broadcast_in_dim3A_42 : i32 to vector<16xi32>
    %scan3A_44 = arith.constant 0 : i32
    %scan3A_45 = arith.constant 0 : i32
    %scan3A_46 = arith.constant 40 : i32
    %scan3A_47 = arith.addi %scan3A_45, %scan3A_46 : i32
    %scan3A_48 = arith.constant 1 : i32
    %scan3A_49 = scf.for %scan3A_315 = %scan3A_45 to %scan3A_47 step %scan3A_48 iter_args(%scan3A_316 = %scan3A_44) -> (i32)  : i32 {
      %mul3A_317 = arith.constant 16 : i32
      %mul3A_318 = arith.muli %scan3A_315, %mul3A_317 : i32
      %swap3A_319 = arith.index_cast %mul3A_318 : i32 to index
      %swap3A_320 = tpu.vector_load %arg11[%swap3A_319] {strides = array<i32>} : memref<640xi32, #tpu.memory_space<vmem>>, vector<16xi32>,
      tpu.vector_store %arg11[%swap3A_319], %broadcast_in_dim3A_43 {strides = array<i32>} : memref<640xi32, #tpu.memory_space<vmem>>, vector<16xi32>,
      %scan3A_321 = arith.constant 0 : i32
      scf.yield %scan3A_321 : i32
    }
    %scan3A_50 = arith.constant 40 : i32
    %broadcast_in_dim3A_51 = arith.constant 0 : i32
    %broadcast_in_dim3A_52 = vector.broadcast %broadcast_in_dim3A_51 : i32 to vector<16xi32>
    %scan3A_53 = arith.constant 0 : i32
    %scan3A_54 = arith.constant 0 : i32
    %scan3A_55 = arith.constant 40 : i32
    %scan3A_56 = arith.addi %scan3A_54, %scan3A_55 : i32
    %scan3A_57 = arith.constant 1 : i32
    %scan3A_58 = scf.for %scan3A_315 = %scan3A_54 to %scan3A_56 step %scan3A_57 iter_args(%scan3A_316 = %scan3A_53) -> (i32)  : i32 {
      %mul3A_317 = arith.constant 16 : i32
      %mul3A_318 = arith.muli %scan3A_315, %mul3A_317 : i32
      %swap3A_319 = arith.index_cast %mul3A_318 : i32 to index
      %swap3A_320 = tpu.vector_load %arg12[%swap3A_319] {strides = array<i32>} : memref<640xi32, #tpu.memory_space<vmem>>, vector<16xi32>,
      tpu.vector_store %arg12[%swap3A_319], %broadcast_in_dim3A_52 {strides = array<i32>} : memref<640xi32, #tpu.memory_space<vmem>>, vector<16xi32>,
      %scan3A_321 = arith.constant 0 : i32
      scf.yield %scan3A_321 : i32
    }
    %scan3A_59 = arith.constant 40 : i32
    %run_scoped3A = arith.constant 0 : i32
    "tpu.region"() ({
      %run_scoped3A_315 = tpu.sem_alloc : memref<!tpu.dma_semaphore, #tpu.memory_space<semaphore_mem>>
      %dma_start3A = tpu.memref_slice %arg13[%run_scoped3A, %mul3A_41] : memref<16x10240xi32, #tpu.memory_space<vmem_shared>> -> memref<1x640xi32, #tpu.memory_space<vmem_shared>>
      %dma_start3A_316 = tpu.memref_squeeze %dma_start3A : memref<1x640xi32, #tpu.memory_space<vmem_shared>> -> memref<640xi32, #tpu.memory_space<vmem_shared>>
      %dma_start3A_317 = tpu.memref_slice %arg13[%run_scoped3A, %mul3A_41] : memref<16x10240xi32, #tpu.memory_space<vmem_shared>> -> memref<1x640xi32, #tpu.memory_space<vmem_shared>>
      %dma_start3A_318 = tpu.memref_squeeze %dma_start3A_317 : memref<1x640xi32, #tpu.memory_space<vmem_shared>> -> memref<640xi32, #tpu.memory_space<vmem_shared>>
      tpu.enqueue_dma source(%dma_start3A_318 : memref<640xi32, #tpu.memory_space<vmem_shared>>) target(%arg10 : memref<640xi32, #tpu.memory_space<vmem>>) target_semaphore(%run_scoped3A_315 : memref<!tpu.dma_semaphore, #tpu.memory_space<semaphore_mem>>)
      %dma_wait3A = tpu.memref_slice %arg13[%run_scoped3A, %mul3A_41] : memref<16x10240xi32, #tpu.memory_space<vmem_shared>> -> memref<1x640xi32, #tpu.memory_space<vmem_shared>>
      %dma_wait3A_319 = tpu.memref_squeeze %dma_wait3A : memref<1x640xi32, #tpu.memory_space<vmem_shared>> -> memref<640xi32, #tpu.memory_space<vmem_shared>>
      %dma_wait3A_320 = tpu.memref_slice %arg13[%run_scoped3A, %mul3A_41] : memref<16x10240xi32, #tpu.memory_space<vmem_shared>> -> memref<1x640xi32, #tpu.memory_space<vmem_shared>>
      %dma_wait3A_321 = tpu.memref_squeeze %dma_wait3A_320 : memref<1x640xi32, #tpu.memory_space<vmem_shared>> -> memref<640xi32, #tpu.memory_space<vmem_shared>>
      tpu.wait_dma2 semaphore(%run_scoped3A_315 : memref<!tpu.dma_semaphore, #tpu.memory_space<semaphore_mem>>) src(%dma_wait3A_321 : memref<640xi32, #tpu.memory_space<vmem_shared>>) dst(%arg10 : memref<640xi32, #tpu.memory_space<vmem>>)
      tpu.yield
    }) : () -> ()
    %scan3A_60 = arith.constant 0 : i32
    %scan3A_61 = arith.constant 0 : i32
    %scan3A_62 = arith.constant 40 : i32
    %scan3A_63 = arith.addi %scan3A_61, %scan3A_62 : i32
    %scan3A_64 = arith.constant 1 : i32
    %scan3A_65 = scf.for %scan3A_315 = %scan3A_61 to %scan3A_63 step %scan3A_64 iter_args(%scan3A_316 = %scan3A_60) -> (i32)  : i32 {
      %mul3A_317 = arith.constant 16 : i32
      %mul3A_318 = arith.muli %scan3A_315, %mul3A_317 : i32
      %get3A_319 = arith.index_cast %mul3A_318 : i32 to index
      %get3A_320 = tpu.vector_load %arg11[%get3A_319] {strides = array<i32>} : memref<640xi32, #tpu.memory_space<vmem>>, vector<16xi32>,
      %mul3A_321 = arith.constant 16 : i32
      %mul3A_322 = arith.muli %scan3A_315, %mul3A_321 : i32
      %get3A_323 = arith.index_cast %mul3A_322 : i32 to index
      %get3A_324 = tpu.vector_load %arg10[%get3A_323] {strides = array<i32>} : memref<640xi32, #tpu.memory_space<vmem>>, vector<16xi32>,
      %add3A_325 = arith.addi %get3A_320, %get3A_324 : vector<16xi32>
      %mul3A_326 = arith.constant 16 : i32
      %mul3A_327 = arith.muli %scan3A_315, %mul3A_326 : i32
      %swap3A_328 = arith.index_cast %mul3A_327 : i32 to index
      %swap3A_329 = tpu.vector_load %arg11[%swap3A_328] {strides = array<i32>} : memref<640xi32, #tpu.memory_space<vmem>>, vector<16xi32>,
      tpu.vector_store %arg11[%swap3A_328], %add3A_325 {strides = array<i32>} : memref<640xi32, #tpu.memory_space<vmem>>, vector<16xi32>,
      %scan3A_330 = arith.constant 0 : i32
      scf.yield %scan3A_330 : i32
    }
    %scan3A_66 = arith.constant 40 : i32
    %run_scoped3A_67 = arith.constant 0 : i32
    "tpu.region"() ({
      %run_scoped3A_315 = tpu.sem_alloc : memref<!tpu.dma_semaphore, #tpu.memory_space<semaphore_mem>>
      %dma_start3A = tpu.memref_slice %arg14[%run_scoped3A_67, %mul3A_41] : memref<16x10240xi32, #tpu.memory_space<vmem_shared>> -> memref<1x640xi32, #tpu.memory_space<vmem_shared>>
      %dma_start3A_316 = tpu.memref_squeeze %dma_start3A : memref<1x640xi32, #tpu.memory_space<vmem_shared>> -> memref<640xi32, #tpu.memory_space<vmem_shared>>
      %dma_start3A_317 = tpu.memref_slice %arg14[%run_scoped3A_67, %mul3A_41] : memref<16x10240xi32, #tpu.memory_space<vmem_shared>> -> memref<1x640xi32, #tpu.memory_space<vmem_shared>>
      %dma_start3A_318 = tpu.memref_squeeze %dma_start3A_317 : memref<1x640xi32, #tpu.memory_space<vmem_shared>> -> memref<640xi32, #tpu.memory_space<vmem_shared>>
      tpu.enqueue_dma source(%dma_start3A_318 : memref<640xi32, #tpu.memory_space<vmem_shared>>) target(%arg10 : memref<640xi32, #tpu.memory_space<vmem>>) target_semaphore(%run_scoped3A_315 : memref<!tpu.dma_semaphore, #tpu.memory_space<semaphore_mem>>)
      %dma_wait3A = tpu.memref_slice %arg14[%run_scoped3A_67, %mul3A_41] : memref<16x10240xi32, #tpu.memory_space<vmem_shared>> -> memref<1x640xi32, #tpu.memory_space<vmem_shared>>
      %dma_wait3A_319 = tpu.memref_squeeze %dma_wait3A : memref<1x640xi32, #tpu.memory_space<vmem_shared>> -> memref<640xi32, #tpu.memory_space<vmem_shared>>
      %dma_wait3A_320 = tpu.memref_slice %arg14[%run_scoped3A_67, %mul3A_41] : memref<16x10240xi32, #tpu.memory_space<vmem_shared>> -> memref<1x640xi32, #tpu.memory_space<vmem_shared>>
      %dma_wait3A_321 = tpu.memref_squeeze %dma_wait3A_320 : memref<1x640xi32, #tpu.memory_space<vmem_shared>> -> memref<640xi32, #tpu.memory_space<vmem_shared>>
      tpu.wait_dma2 semaphore(%run_scoped3A_315 : memref<!tpu.dma_semaphore, #tpu.memory_space<semaphore_mem>>) src(%dma_wait3A_321 : memref<640xi32, #tpu.memory_space<vmem_shared>>) dst(%arg10 : memref<640xi32, #tpu.memory_space<vmem>>)
      tpu.yield
    }) : () -> ()
    %scan3A_68 = arith.constant 0 : i32
    %scan3A_69 = arith.constant 0 : i32
    %scan3A_70 = arith.constant 40 : i32
    %scan3A_71 = arith.addi %scan3A_69, %scan3A_70 : i32
    %scan3A_72 = arith.constant 1 : i32
    %scan3A_73 = scf.for %scan3A_315 = %scan3A_69 to %scan3A_71 step %scan3A_72 iter_args(%scan3A_316 = %scan3A_68) -> (i32)  : i32 {
      %mul3A_317 = arith.constant 16 : i32
      %mul3A_318 = arith.muli %scan3A_315, %mul3A_317 : i32
      %get3A_319 = arith.index_cast %mul3A_318 : i32 to index
      %get3A_320 = tpu.vector_load %arg12[%get3A_319] {strides = array<i32>} : memref<640xi32, #tpu.memory_space<vmem>>, vector<16xi32>,
      %mul3A_321 = arith.constant 16 : i32
      %mul3A_322 = arith.muli %scan3A_315, %mul3A_321 : i32
      %get3A_323 = arith.index_cast %mul3A_322 : i32 to index
      %get3A_324 = tpu.vector_load %arg10[%get3A_323] {strides = array<i32>} : memref<640xi32, #tpu.memory_space<vmem>>, vector<16xi32>,
      %add3A_325 = arith.addi %get3A_320, %get3A_324 : vector<16xi32>
      %mul3A_326 = arith.constant 16 : i32
      %mul3A_327 = arith.muli %scan3A_315, %mul3A_326 : i32
      %swap3A_328 = arith.index_cast %mul3A_327 : i32 to index
      %swap3A_329 = tpu.vector_load %arg12[%swap3A_328] {strides = array<i32>} : memref<640xi32, #tpu.memory_space<vmem>>, vector<16xi32>,
      tpu.vector_store %arg12[%swap3A_328], %add3A_325 {strides = array<i32>} : memref<640xi32, #tpu.memory_space<vmem>>, vector<16xi32>,
      %scan3A_330 = arith.constant 0 : i32
      scf.yield %scan3A_330 : i32
    }
    %scan3A_74 = arith.constant 40 : i32
    %run_scoped3A_75 = arith.constant 1 : i32
    "tpu.region"() ({
      %run_scoped3A_315 = tpu.sem_alloc : memref<!tpu.dma_semaphore, #tpu.memory_space<semaphore_mem>>
      %dma_start3A = tpu.memref_slice %arg13[%run_scoped3A_75, %mul3A_41] : memref<16x10240xi32, #tpu.memory_space<vmem_shared>> -> memref<1x640xi32, #tpu.memory_space<vmem_shared>>
      %dma_start3A_316 = tpu.memref_squeeze %dma_start3A : memref<1x640xi32, #tpu.memory_space<vmem_shared>> -> memref<640xi32, #tpu.memory_space<vmem_shared>>
      %dma_start3A_317 = tpu.memref_slice %arg13[%run_scoped3A_75, %mul3A_41] : memref<16x10240xi32, #tpu.memory_space<vmem_shared>> -> memref<1x640xi32, #tpu.memory_space<vmem_shared>>
      %dma_start3A_318 = tpu.memref_squeeze %dma_start3A_317 : memref<1x640xi32, #tpu.memory_space<vmem_shared>> -> memref<640xi32, #tpu.memory_space<vmem_shared>>
      tpu.enqueue_dma source(%dma_start3A_318 : memref<640xi32, #tpu.memory_space<vmem_shared>>) target(%arg10 : memref<640xi32, #tpu.memory_space<vmem>>) target_semaphore(%run_scoped3A_315 : memref<!tpu.dma_semaphore, #tpu.memory_space<semaphore_mem>>)
      %dma_wait3A = tpu.memref_slice %arg13[%run_scoped3A_75, %mul3A_41] : memref<16x10240xi32, #tpu.memory_space<vmem_shared>> -> memref<1x640xi32, #tpu.memory_space<vmem_shared>>
      %dma_wait3A_319 = tpu.memref_squeeze %dma_wait3A : memref<1x640xi32, #tpu.memory_space<vmem_shared>> -> memref<640xi32, #tpu.memory_space<vmem_shared>>
      %dma_wait3A_320 = tpu.memref_slice %arg13[%run_scoped3A_75, %mul3A_41] : memref<16x10240xi32, #tpu.memory_space<vmem_shared>> -> memref<1x640xi32, #tpu.memory_space<vmem_shared>>
      %dma_wait3A_321 = tpu.memref_squeeze %dma_wait3A_320 : memref<1x640xi32, #tpu.memory_space<vmem_shared>> -> memref<640xi32, #tpu.memory_space<vmem_shared>>
      tpu.wait_dma2 semaphore(%run_scoped3A_315 : memref<!tpu.dma_semaphore, #tpu.memory_space<semaphore_mem>>) src(%dma_wait3A_321 : memref<640xi32, #tpu.memory_space<vmem_shared>>) dst(%arg10 : memref<640xi32, #tpu.memory_space<vmem>>)
      tpu.yield
    }) : () -> ()
    %scan3A_76 = arith.constant 0 : i32
    %scan3A_77 = arith.constant 0 : i32
    %scan3A_78 = arith.constant 40 : i32
    %scan3A_79 = arith.addi %scan3A_77, %scan3A_78 : i32
    %scan3A_80 = arith.constant 1 : i32
    %scan3A_81 = scf.for %scan3A_315 = %scan3A_77 to %scan3A_79 step %scan3A_80 iter_args(%scan3A_316 = %scan3A_76) -> (i32)  : i32 {
      %mul3A_317 = arith.constant 16 : i32
      %mul3A_318 = arith.muli %scan3A_315, %mul3A_317 : i32
      %get3A_319 = arith.index_cast %mul3A_318 : i32 to index
      %get3A_320 = tpu.vector_load %arg11[%get3A_319] {strides = array<i32>} : memref<640xi32, #tpu.memory_space<vmem>>, vector<16xi32>,
      %mul3A_321 = arith.constant 16 : i32
      %mul3A_322 = arith.muli %scan3A_315, %mul3A_321 : i32
      %get3A_323 = arith.index_cast %mul3A_322 : i32 to index
      %get3A_324 = tpu.vector_load %arg10[%get3A_323] {strides = array<i32>} : memref<640xi32, #tpu.memory_space<vmem>>, vector<16xi32>,
      %add3A_325 = arith.addi %get3A_320, %get3A_324 : vector<16xi32>
      %mul3A_326 = arith.constant 16 : i32
      %mul3A_327 = arith.muli %scan3A_315, %mul3A_326 : i32
      %swap3A_328 = arith.index_cast %mul3A_327 : i32 to index
      %swap3A_329 = tpu.vector_load %arg11[%swap3A_328] {strides = array<i32>} : memref<640xi32, #tpu.memory_space<vmem>>, vector<16xi32>,
      tpu.vector_store %arg11[%swap3A_328], %add3A_325 {strides = array<i32>} : memref<640xi32, #tpu.memory_space<vmem>>, vector<16xi32>,
      %scan3A_330 = arith.constant 0 : i32
      scf.yield %scan3A_330 : i32
    }
    %scan3A_82 = arith.constant 40 : i32
    %run_scoped3A_83 = arith.constant 1 : i32
    "tpu.region"() ({
      %run_scoped3A_315 = tpu.sem_alloc : memref<!tpu.dma_semaphore, #tpu.memory_space<semaphore_mem>>
      %dma_start3A = tpu.memref_slice %arg14[%run_scoped3A_83, %mul3A_41] : memref<16x10240xi32, #tpu.memory_space<vmem_shared>> -> memref<1x640xi32, #tpu.memory_space<vmem_shared>>
      %dma_start3A_316 = tpu.memref_squeeze %dma_start3A : memref<1x640xi32, #tpu.memory_space<vmem_shared>> -> memref<640xi32, #tpu.memory_space<vmem_shared>>
      %dma_start3A_317 = tpu.memref_slice %arg14[%run_scoped3A_83, %mul3A_41] : memref<16x10240xi32, #tpu.memory_space<vmem_shared>> -> memref<1x640xi32, #tpu.memory_space<vmem_shared>>
      %dma_start3A_318 = tpu.memref_squeeze %dma_start3A_317 : memref<1x640xi32, #tpu.memory_space<vmem_shared>> -> memref<640xi32, #tpu.memory_space<vmem_shared>>
      tpu.enqueue_dma source(%dma_start3A_318 : memref<640xi32, #tpu.memory_space<vmem_shared>>) target(%arg10 : memref<640xi32, #tpu.memory_space<vmem>>) target_semaphore(%run_scoped3A_315 : memref<!tpu.dma_semaphore, #tpu.memory_space<semaphore_mem>>)
      %dma_wait3A = tpu.memref_slice %arg14[%run_scoped3A_83, %mul3A_41] : memref<16x10240xi32, #tpu.memory_space<vmem_shared>> -> memref<1x640xi32, #tpu.memory_space<vmem_shared>>
      %dma_wait3A_319 = tpu.memref_squeeze %dma_wait3A : memref<1x640xi32, #tpu.memory_space<vmem_shared>> -> memref<640xi32, #tpu.memory_space<vmem_shared>>
      %dma_wait3A_320 = tpu.memref_slice %arg14[%run_scoped3A_83, %mul3A_41] : memref<16x10240xi32, #tpu.memory_space<vmem_shared>> -> memref<1x640xi32, #tpu.memory_space<vmem_shared>>
      %dma_wait3A_321 = tpu.memref_squeeze %dma_wait3A_320 : memref<1x640xi32, #tpu.memory_space<vmem_shared>> -> memref<640xi32, #tpu.memory_space<vmem_shared>>
      tpu.wait_dma2 semaphore(%run_scoped3A_315 : memref<!tpu.dma_semaphore, #tpu.memory_space<semaphore_mem>>) src(%dma_wait3A_321 : memref<640xi32, #tpu.memory_space<vmem_shared>>) dst(%arg10 : memref<640xi32, #tpu.memory_space<vmem>>)
      tpu.yield
    }) : () -> ()
    %scan3A_84 = arith.constant 0 : i32
    %scan3A_85 = arith.constant 0 : i32
    %scan3A_86 = arith.constant 40 : i32
    %scan3A_87 = arith.addi %scan3A_85, %scan3A_86 : i32
    %scan3A_88 = arith.constant 1 : i32
    %scan3A_89 = scf.for %scan3A_315 = %scan3A_85 to %scan3A_87 step %scan3A_88 iter_args(%scan3A_316 = %scan3A_84) -> (i32)  : i32 {
      %mul3A_317 = arith.constant 16 : i32
      %mul3A_318 = arith.muli %scan3A_315, %mul3A_317 : i32
      %get3A_319 = arith.index_cast %mul3A_318 : i32 to index
      %get3A_320 = tpu.vector_load %arg12[%get3A_319] {strides = array<i32>} : memref<640xi32, #tpu.memory_space<vmem>>, vector<16xi32>,
      %mul3A_321 = arith.constant 16 : i32
      %mul3A_322 = arith.muli %scan3A_315, %mul3A_321 : i32
      %get3A_323 = arith.index_cast %mul3A_322 : i32 to index
      %get3A_324 = tpu.vector_load %arg10[%get3A_323] {strides = array<i32>} : memref<640xi32, #tpu.memory_space<vmem>>, vector<16xi32>,
      %add3A_325 = arith.addi %get3A_320, %get3A_324 : vector<16xi32>
      %mul3A_326 = arith.constant 16 : i32
      %mul3A_327 = arith.muli %scan3A_315, %mul3A_326 : i32
      %swap3A_328 = arith.index_cast %mul3A_327 : i32 to index
      %swap3A_329 = tpu.vector_load %arg12[%swap3A_328] {strides = array<i32>} : memref<640xi32, #tpu.memory_space<vmem>>, vector<16xi32>,
      tpu.vector_store %arg12[%swap3A_328], %add3A_325 {strides = array<i32>} : memref<640xi32, #tpu.memory_space<vmem>>, vector<16xi32>,
      %scan3A_330 = arith.constant 0 : i32
      scf.yield %scan3A_330 : i32
    }
    %scan3A_90 = arith.constant 40 : i32
    %run_scoped3A_91 = arith.constant 2 : i32
    "tpu.region"() ({
      %run_scoped3A_315 = tpu.sem_alloc : memref<!tpu.dma_semaphore, #tpu.memory_space<semaphore_mem>>
      %dma_start3A = tpu.memref_slice %arg13[%run_scoped3A_91, %mul3A_41] : memref<16x10240xi32, #tpu.memory_space<vmem_shared>> -> memref<1x640xi32, #tpu.memory_space<vmem_shared>>
      %dma_start3A_316 = tpu.memref_squeeze %dma_start3A : memref<1x640xi32, #tpu.memory_space<vmem_shared>> -> memref<640xi32, #tpu.memory_space<vmem_shared>>
      %dma_start3A_317 = tpu.memref_slice %arg13[%run_scoped3A_91, %mul3A_41] : memref<16x10240xi32, #tpu.memory_space<vmem_shared>> -> memref<1x640xi32, #tpu.memory_space<vmem_shared>>
      %dma_start3A_318 = tpu.memref_squeeze %dma_start3A_317 : memref<1x640xi32, #tpu.memory_space<vmem_shared>> -> memref<640xi32, #tpu.memory_space<vmem_shared>>
      tpu.enqueue_dma source(%dma_start3A_318 : memref<640xi32, #tpu.memory_space<vmem_shared>>) target(%arg10 : memref<640xi32, #tpu.memory_space<vmem>>) target_semaphore(%run_scoped3A_315 : memref<!tpu.dma_semaphore, #tpu.memory_space<semaphore_mem>>)
      %dma_wait3A = tpu.memref_slice %arg13[%run_scoped3A_91, %mul3A_41] : memref<16x10240xi32, #tpu.memory_space<vmem_shared>> -> memref<1x640xi32, #tpu.memory_space<vmem_shared>>
      %dma_wait3A_319 = tpu.memref_squeeze %dma_wait3A : memref<1x640xi32, #tpu.memory_space<vmem_shared>> -> memref<640xi32, #tpu.memory_space<vmem_shared>>
      %dma_wait3A_320 = tpu.memref_slice %arg13[%run_scoped3A_91, %mul3A_41] : memref<16x10240xi32, #tpu.memory_space<vmem_shared>> -> memref<1x640xi32, #tpu.memory_space<vmem_shared>>
      %dma_wait3A_321 = tpu.memref_squeeze %dma_wait3A_320 : memref<1x640xi32, #tpu.memory_space<vmem_shared>> -> memref<640xi32, #tpu.memory_space<vmem_shared>>
      tpu.wait_dma2 semaphore(%run_scoped3A_315 : memref<!tpu.dma_semaphore, #tpu.memory_space<semaphore_mem>>) src(%dma_wait3A_321 : memref<640xi32, #tpu.memory_space<vmem_shared>>) dst(%arg10 : memref<640xi32, #tpu.memory_space<vmem>>)
      tpu.yield
    }) : () -> ()
    %scan3A_92 = arith.constant 0 : i32
    %scan3A_93 = arith.constant 0 : i32
    %scan3A_94 = arith.constant 40 : i32
    %scan3A_95 = arith.addi %scan3A_93, %scan3A_94 : i32
    %scan3A_96 = arith.constant 1 : i32
    %scan3A_97 = scf.for %scan3A_315 = %scan3A_93 to %scan3A_95 step %scan3A_96 iter_args(%scan3A_316 = %scan3A_92) -> (i32)  : i32 {
      %mul3A_317 = arith.constant 16 : i32
      %mul3A_318 = arith.muli %scan3A_315, %mul3A_317 : i32
      %get3A_319 = arith.index_cast %mul3A_318 : i32 to index
      %get3A_320 = tpu.vector_load %arg11[%get3A_319] {strides = array<i32>} : memref<640xi32, #tpu.memory_space<vmem>>, vector<16xi32>,
      %mul3A_321 = arith.constant 16 : i32
      %mul3A_322 = arith.muli %scan3A_315, %mul3A_321 : i32
      %get3A_323 = arith.index_cast %mul3A_322 : i32 to index
      %get3A_324 = tpu.vector_load %arg10[%get3A_323] {strides = array<i32>} : memref<640xi32, #tpu.memory_space<vmem>>, vector<16xi32>,
      %add3A_325 = arith.addi %get3A_320, %get3A_324 : vector<16xi32>
      %mul3A_326 = arith.constant 16 : i32
      %mul3A_327 = arith.muli %scan3A_315, %mul3A_326 : i32
      %swap3A_328 = arith.index_cast %mul3A_327 : i32 to index
      %swap3A_329 = tpu.vector_load %arg11[%swap3A_328] {strides = array<i32>} : memref<640xi32, #tpu.memory_space<vmem>>, vector<16xi32>,
      tpu.vector_store %arg11[%swap3A_328], %add3A_325 {strides = array<i32>} : memref<640xi32, #tpu.memory_space<vmem>>, vector<16xi32>,
      %scan3A_330 = arith.constant 0 : i32
      scf.yield %scan3A_330 : i32
    }
    %scan3A_98 = arith.constant 40 : i32
    %run_scoped3A_99 = arith.constant 2 : i32
    "tpu.region"() ({
      %run_scoped3A_315 = tpu.sem_alloc : memref<!tpu.dma_semaphore, #tpu.memory_space<semaphore_mem>>
      %dma_start3A = tpu.memref_slice %arg14[%run_scoped3A_99, %mul3A_41] : memref<16x10240xi32, #tpu.memory_space<vmem_shared>> -> memref<1x640xi32, #tpu.memory_space<vmem_shared>>
      %dma_start3A_316 = tpu.memref_squeeze %dma_start3A : memref<1x640xi32, #tpu.memory_space<vmem_shared>> -> memref<640xi32, #tpu.memory_space<vmem_shared>>
      %dma_start3A_317 = tpu.memref_slice %arg14[%run_scoped3A_99, %mul3A_41] : memref<16x10240xi32, #tpu.memory_space<vmem_shared>> -> memref<1x640xi32, #tpu.memory_space<vmem_shared>>
      %dma_start3A_318 = tpu.memref_squeeze %dma_start3A_317 : memref<1x640xi32, #tpu.memory_space<vmem_shared>> -> memref<640xi32, #tpu.memory_space<vmem_shared>>
      tpu.enqueue_dma source(%dma_start3A_318 : memref<640xi32, #tpu.memory_space<vmem_shared>>) target(%arg10 : memref<640xi32, #tpu.memory_space<vmem>>) target_semaphore(%run_scoped3A_315 : memref<!tpu.dma_semaphore, #tpu.memory_space<semaphore_mem>>)
      %dma_wait3A = tpu.memref_slice %arg14[%run_scoped3A_99, %mul3A_41] : memref<16x10240xi32, #tpu.memory_space<vmem_shared>> -> memref<1x640xi32, #tpu.memory_space<vmem_shared>>
      %dma_wait3A_319 = tpu.memref_squeeze %dma_wait3A : memref<1x640xi32, #tpu.memory_space<vmem_shared>> -> memref<640xi32, #tpu.memory_space<vmem_shared>>
      %dma_wait3A_320 = tpu.memref_slice %arg14[%run_scoped3A_99, %mul3A_41] : memref<16x10240xi32, #tpu.memory_space<vmem_shared>> -> memref<1x640xi32, #tpu.memory_space<vmem_shared>>
      %dma_wait3A_321 = tpu.memref_squeeze %dma_wait3A_320 : memref<1x640xi32, #tpu.memory_space<vmem_shared>> -> memref<640xi32, #tpu.memory_space<vmem_shared>>
      tpu.wait_dma2 semaphore(%run_scoped3A_315 : memref<!tpu.dma_semaphore, #tpu.memory_space<semaphore_mem>>) src(%dma_wait3A_321 : memref<640xi32, #tpu.memory_space<vmem_shared>>) dst(%arg10 : memref<640xi32, #tpu.memory_space<vmem>>)
      tpu.yield
    }) : () -> ()
    %scan3A_100 = arith.constant 0 : i32
    %scan3A_101 = arith.constant 0 : i32
    %scan3A_102 = arith.constant 40 : i32
    %scan3A_103 = arith.addi %scan3A_101, %scan3A_102 : i32
    %scan3A_104 = arith.constant 1 : i32
    %scan3A_105 = scf.for %scan3A_315 = %scan3A_101 to %scan3A_103 step %scan3A_104 iter_args(%scan3A_316 = %scan3A_100) -> (i32)  : i32 {
      %mul3A_317 = arith.constant 16 : i32
      %mul3A_318 = arith.muli %scan3A_315, %mul3A_317 : i32
      %get3A_319 = arith.index_cast %mul3A_318 : i32 to index
      %get3A_320 = tpu.vector_load %arg12[%get3A_319] {strides = array<i32>} : memref<640xi32, #tpu.memory_space<vmem>>, vector<16xi32>,
      %mul3A_321 = arith.constant 16 : i32
      %mul3A_322 = arith.muli %scan3A_315, %mul3A_321 : i32
      %get3A_323 = arith.index_cast %mul3A_322 : i32 to index
      %get3A_324 = tpu.vector_load %arg10[%get3A_323] {strides = array<i32>} : memref<640xi32, #tpu.memory_space<vmem>>, vector<16xi32>,
      %add3A_325 = arith.addi %get3A_320, %get3A_324 : vector<16xi32>
      %mul3A_326 = arith.constant 16 : i32
      %mul3A_327 = arith.muli %scan3A_315, %mul3A_326 : i32
      %swap3A_328 = arith.index_cast %mul3A_327 : i32 to index
      %swap3A_329 = tpu.vector_load %arg12[%swap3A_328] {strides = array<i32>} : memref<640xi32, #tpu.memory_space<vmem>>, vector<16xi32>,
      tpu.vector_store %arg12[%swap3A_328], %add3A_325 {strides = array<i32>} : memref<640xi32, #tpu.memory_space<vmem>>, vector<16xi32>,
      %scan3A_330 = arith.constant 0 : i32
      scf.yield %scan3A_330 : i32
    }
    %scan3A_106 = arith.constant 40 : i32
    %run_scoped3A_107 = arith.constant 3 : i32
    "tpu.region"() ({
      %run_scoped3A_315 = tpu.sem_alloc : memref<!tpu.dma_semaphore, #tpu.memory_space<semaphore_mem>>
      %dma_start3A = tpu.memref_slice %arg13[%run_scoped3A_107, %mul3A_41] : memref<16x10240xi32, #tpu.memory_space<vmem_shared>> -> memref<1x640xi32, #tpu.memory_space<vmem_shared>>
      %dma_start3A_316 = tpu.memref_squeeze %dma_start3A : memref<1x640xi32, #tpu.memory_space<vmem_shared>> -> memref<640xi32, #tpu.memory_space<vmem_shared>>
      %dma_start3A_317 = tpu.memref_slice %arg13[%run_scoped3A_107, %mul3A_41] : memref<16x10240xi32, #tpu.memory_space<vmem_shared>> -> memref<1x640xi32, #tpu.memory_space<vmem_shared>>
      %dma_start3A_318 = tpu.memref_squeeze %dma_start3A_317 : memref<1x640xi32, #tpu.memory_space<vmem_shared>> -> memref<640xi32, #tpu.memory_space<vmem_shared>>
      tpu.enqueue_dma source(%dma_start3A_318 : memref<640xi32, #tpu.memory_space<vmem_shared>>) target(%arg10 : memref<640xi32, #tpu.memory_space<vmem>>) target_semaphore(%run_scoped3A_315 : memref<!tpu.dma_semaphore, #tpu.memory_space<semaphore_mem>>)
      %dma_wait3A = tpu.memref_slice %arg13[%run_scoped3A_107, %mul3A_41] : memref<16x10240xi32, #tpu.memory_space<vmem_shared>> -> memref<1x640xi32, #tpu.memory_space<vmem_shared>>
      %dma_wait3A_319 = tpu.memref_squeeze %dma_wait3A : memref<1x640xi32, #tpu.memory_space<vmem_shared>> -> memref<640xi32, #tpu.memory_space<vmem_shared>>
      %dma_wait3A_320 = tpu.memref_slice %arg13[%run_scoped3A_107, %mul3A_41] : memref<16x10240xi32, #tpu.memory_space<vmem_shared>> -> memref<1x640xi32, #tpu.memory_space<vmem_shared>>
      %dma_wait3A_321 = tpu.memref_squeeze %dma_wait3A_320 : memref<1x640xi32, #tpu.memory_space<vmem_shared>> -> memref<640xi32, #tpu.memory_space<vmem_shared>>
      tpu.wait_dma2 semaphore(%run_scoped3A_315 : memref<!tpu.dma_semaphore, #tpu.memory_space<semaphore_mem>>) src(%dma_wait3A_321 : memref<640xi32, #tpu.memory_space<vmem_shared>>) dst(%arg10 : memref<640xi32, #tpu.memory_space<vmem>>)
      tpu.yield
    }) : () -> ()
    %scan3A_108 = arith.constant 0 : i32
    %scan3A_109 = arith.constant 0 : i32
    %scan3A_110 = arith.constant 40 : i32
    %scan3A_111 = arith.addi %scan3A_109, %scan3A_110 : i32
    %scan3A_112 = arith.constant 1 : i32
    %scan3A_113 = scf.for %scan3A_315 = %scan3A_109 to %scan3A_111 step %scan3A_112 iter_args(%scan3A_316 = %scan3A_108) -> (i32)  : i32 {
      %mul3A_317 = arith.constant 16 : i32
      %mul3A_318 = arith.muli %scan3A_315, %mul3A_317 : i32
      %get3A_319 = arith.index_cast %mul3A_318 : i32 to index
      %get3A_320 = tpu.vector_load %arg11[%get3A_319] {strides = array<i32>} : memref<640xi32, #tpu.memory_space<vmem>>, vector<16xi32>,
      %mul3A_321 = arith.constant 16 : i32
      %mul3A_322 = arith.muli %scan3A_315, %mul3A_321 : i32
      %get3A_323 = arith.index_cast %mul3A_322 : i32 to index
      %get3A_324 = tpu.vector_load %arg10[%get3A_323] {strides = array<i32>} : memref<640xi32, #tpu.memory_space<vmem>>, vector<16xi32>,
      %add3A_325 = arith.addi %get3A_320, %get3A_324 : vector<16xi32>
      %mul3A_326 = arith.constant 16 : i32
      %mul3A_327 = arith.muli %scan3A_315, %mul3A_326 : i32
      %swap3A_328 = arith.index_cast %mul3A_327 : i32 to index
      %swap3A_329 = tpu.vector_load %arg11[%swap3A_328] {strides = array<i32>} : memref<640xi32, #tpu.memory_space<vmem>>, vector<16xi32>,
      tpu.vector_store %arg11[%swap3A_328], %add3A_325 {strides = array<i32>} : memref<640xi32, #tpu.memory_space<vmem>>, vector<16xi32>,
      %scan3A_330 = arith.constant 0 : i32
      scf.yield %scan3A_330 : i32
    }
    %scan3A_114 = arith.constant 40 : i32
    %run_scoped3A_115 = arith.constant 3 : i32
    "tpu.region"() ({
      %run_scoped3A_315 = tpu.sem_alloc : memref<!tpu.dma_semaphore, #tpu.memory_space<semaphore_mem>>
      %dma_start3A = tpu.memref_slice %arg14[%run_scoped3A_115, %mul3A_41] : memref<16x10240xi32, #tpu.memory_space<vmem_shared>> -> memref<1x640xi32, #tpu.memory_space<vmem_shared>>
      %dma_start3A_316 = tpu.memref_squeeze %dma_start3A : memref<1x640xi32, #tpu.memory_space<vmem_shared>> -> memref<640xi32, #tpu.memory_space<vmem_shared>>
      %dma_start3A_317 = tpu.memref_slice %arg14[%run_scoped3A_115, %mul3A_41] : memref<16x10240xi32, #tpu.memory_space<vmem_shared>> -> memref<1x640xi32, #tpu.memory_space<vmem_shared>>
      %dma_start3A_318 = tpu.memref_squeeze %dma_start3A_317 : memref<1x640xi32, #tpu.memory_space<vmem_shared>> -> memref<640xi32, #tpu.memory_space<vmem_shared>>
      tpu.enqueue_dma source(%dma_start3A_318 : memref<640xi32, #tpu.memory_space<vmem_shared>>) target(%arg10 : memref<640xi32, #tpu.memory_space<vmem>>) target_semaphore(%run_scoped3A_315 : memref<!tpu.dma_semaphore, #tpu.memory_space<semaphore_mem>>)
      %dma_wait3A = tpu.memref_slice %arg14[%run_scoped3A_115, %mul3A_41] : memref<16x10240xi32, #tpu.memory_space<vmem_shared>> -> memref<1x640xi32, #tpu.memory_space<vmem_shared>>
      %dma_wait3A_319 = tpu.memref_squeeze %dma_wait3A : memref<1x640xi32, #tpu.memory_space<vmem_shared>> -> memref<640xi32, #tpu.memory_space<vmem_shared>>
      %dma_wait3A_320 = tpu.memref_slice %arg14[%run_scoped3A_115, %mul3A_41] : memref<16x10240xi32, #tpu.memory_space<vmem_shared>> -> memref<1x640xi32, #tpu.memory_space<vmem_shared>>
      %dma_wait3A_321 = tpu.memref_squeeze %dma_wait3A_320 : memref<1x640xi32, #tpu.memory_space<vmem_shared>> -> memref<640xi32, #tpu.memory_space<vmem_shared>>
      tpu.wait_dma2 semaphore(%run_scoped3A_315 : memref<!tpu.dma_semaphore, #tpu.memory_space<semaphore_mem>>) src(%dma_wait3A_321 : memref<640xi32, #tpu.memory_space<vmem_shared>>) dst(%arg10 : memref<640xi32, #tpu.memory_space<vmem>>)
      tpu.yield
    }) : () -> ()
    %scan3A_116 = arith.constant 0 : i32
    %scan3A_117 = arith.constant 0 : i32
    %scan3A_118 = arith.constant 40 : i32
    %scan3A_119 = arith.addi %scan3A_117, %scan3A_118 : i32
    %scan3A_120 = arith.constant 1 : i32
    %scan3A_121 = scf.for %scan3A_315 = %scan3A_117 to %scan3A_119 step %scan3A_120 iter_args(%scan3A_316 = %scan3A_116) -> (i32)  : i32 {
      %mul3A_317 = arith.constant 16 : i32
      %mul3A_318 = arith.muli %scan3A_315, %mul3A_317 : i32
      %get3A_319 = arith.index_cast %mul3A_318 : i32 to index
      %get3A_320 = tpu.vector_load %arg12[%get3A_319] {strides = array<i32>} : memref<640xi32, #tpu.memory_space<vmem>>, vector<16xi32>,
      %mul3A_321 = arith.constant 16 : i32
      %mul3A_322 = arith.muli %scan3A_315, %mul3A_321 : i32
      %get3A_323 = arith.index_cast %mul3A_322 : i32 to index
      %get3A_324 = tpu.vector_load %arg10[%get3A_323] {strides = array<i32>} : memref<640xi32, #tpu.memory_space<vmem>>, vector<16xi32>,
      %add3A_325 = arith.addi %get3A_320, %get3A_324 : vector<16xi32>
      %mul3A_326 = arith.constant 16 : i32
      %mul3A_327 = arith.muli %scan3A_315, %mul3A_326 : i32
      %swap3A_328 = arith.index_cast %mul3A_327 : i32 to index
      %swap3A_329 = tpu.vector_load %arg12[%swap3A_328] {strides = array<i32>} : memref<640xi32, #tpu.memory_space<vmem>>, vector<16xi32>,
      tpu.vector_store %arg12[%swap3A_328], %add3A_325 {strides = array<i32>} : memref<640xi32, #tpu.memory_space<vmem>>, vector<16xi32>,
      %scan3A_330 = arith.constant 0 : i32
      scf.yield %scan3A_330 : i32
    }
    %scan3A_122 = arith.constant 40 : i32
    %run_scoped3A_123 = arith.constant 4 : i32
    "tpu.region"() ({
      %run_scoped3A_315 = tpu.sem_alloc : memref<!tpu.dma_semaphore, #tpu.memory_space<semaphore_mem>>
      %dma_start3A = tpu.memref_slice %arg13[%run_scoped3A_123, %mul3A_41] : memref<16x10240xi32, #tpu.memory_space<vmem_shared>> -> memref<1x640xi32, #tpu.memory_space<vmem_shared>>
      %dma_start3A_316 = tpu.memref_squeeze %dma_start3A : memref<1x640xi32, #tpu.memory_space<vmem_shared>> -> memref<640xi32, #tpu.memory_space<vmem_shared>>
      %dma_start3A_317 = tpu.memref_slice %arg13[%run_scoped3A_123, %mul3A_41] : memref<16x10240xi32, #tpu.memory_space<vmem_shared>> -> memref<1x640xi32, #tpu.memory_space<vmem_shared>>
      %dma_start3A_318 = tpu.memref_squeeze %dma_start3A_317 : memref<1x640xi32, #tpu.memory_space<vmem_shared>> -> memref<640xi32, #tpu.memory_space<vmem_shared>>
      tpu.enqueue_dma source(%dma_start3A_318 : memref<640xi32, #tpu.memory_space<vmem_shared>>) target(%arg10 : memref<640xi32, #tpu.memory_space<vmem>>) target_semaphore(%run_scoped3A_315 : memref<!tpu.dma_semaphore, #tpu.memory_space<semaphore_mem>>)
      %dma_wait3A = tpu.memref_slice %arg13[%run_scoped3A_123, %mul3A_41] : memref<16x10240xi32, #tpu.memory_space<vmem_shared>> -> memref<1x640xi32, #tpu.memory_space<vmem_shared>>
      %dma_wait3A_319 = tpu.memref_squeeze %dma_wait3A : memref<1x640xi32, #tpu.memory_space<vmem_shared>> -> memref<640xi32, #tpu.memory_space<vmem_shared>>
      %dma_wait3A_320 = tpu.memref_slice %arg13[%run_scoped3A_123, %mul3A_41] : memref<16x10240xi32, #tpu.memory_space<vmem_shared>> -> memref<1x640xi32, #tpu.memory_space<vmem_shared>>
      %dma_wait3A_321 = tpu.memref_squeeze %dma_wait3A_320 : memref<1x640xi32, #tpu.memory_space<vmem_shared>> -> memref<640xi32, #tpu.memory_space<vmem_shared>>
      tpu.wait_dma2 semaphore(%run_scoped3A_315 : memref<!tpu.dma_semaphore, #tpu.memory_space<semaphore_mem>>) src(%dma_wait3A_321 : memref<640xi32, #tpu.memory_space<vmem_shared>>) dst(%arg10 : memref<640xi32, #tpu.memory_space<vmem>>)
      tpu.yield
    }) : () -> ()
    %scan3A_124 = arith.constant 0 : i32
    %scan3A_125 = arith.constant 0 : i32
    %scan3A_126 = arith.constant 40 : i32
    %scan3A_127 = arith.addi %scan3A_125, %scan3A_126 : i32
    %scan3A_128 = arith.constant 1 : i32
    %scan3A_129 = scf.for %scan3A_315 = %scan3A_125 to %scan3A_127 step %scan3A_128 iter_args(%scan3A_316 = %scan3A_124) -> (i32)  : i32 {
      %mul3A_317 = arith.constant 16 : i32
      %mul3A_318 = arith.muli %scan3A_315, %mul3A_317 : i32
      %get3A_319 = arith.index_cast %mul3A_318 : i32 to index
      %get3A_320 = tpu.vector_load %arg11[%get3A_319] {strides = array<i32>} : memref<640xi32, #tpu.memory_space<vmem>>, vector<16xi32>,
      %mul3A_321 = arith.constant 16 : i32
      %mul3A_322 = arith.muli %scan3A_315, %mul3A_321 : i32
      %get3A_323 = arith.index_cast %mul3A_322 : i32 to index
      %get3A_324 = tpu.vector_load %arg10[%get3A_323] {strides = array<i32>} : memref<640xi32, #tpu.memory_space<vmem>>, vector<16xi32>,
      %add3A_325 = arith.addi %get3A_320, %get3A_324 : vector<16xi32>
      %mul3A_326 = arith.constant 16 : i32
      %mul3A_327 = arith.muli %scan3A_315, %mul3A_326 : i32
      %swap3A_328 = arith.index_cast %mul3A_327 : i32 to index
      %swap3A_329 = tpu.vector_load %arg11[%swap3A_328] {strides = array<i32>} : memref<640xi32, #tpu.memory_space<vmem>>, vector<16xi32>,
      tpu.vector_store %arg11[%swap3A_328], %add3A_325 {strides = array<i32>} : memref<640xi32, #tpu.memory_space<vmem>>, vector<16xi32>,
      %scan3A_330 = arith.constant 0 : i32
      scf.yield %scan3A_330 : i32
    }
    %scan3A_130 = arith.constant 40 : i32
    %run_scoped3A_131 = arith.constant 4 : i32
    "tpu.region"() ({
      %run_scoped3A_315 = tpu.sem_alloc : memref<!tpu.dma_semaphore, #tpu.memory_space<semaphore_mem>>
      %dma_start3A = tpu.memref_slice %arg14[%run_scoped3A_131, %mul3A_41] : memref<16x10240xi32, #tpu.memory_space<vmem_shared>> -> memref<1x640xi32, #tpu.memory_space<vmem_shared>>
      %dma_start3A_316 = tpu.memref_squeeze %dma_start3A : memref<1x640xi32, #tpu.memory_space<vmem_shared>> -> memref<640xi32, #tpu.memory_space<vmem_shared>>
      %dma_start3A_317 = tpu.memref_slice %arg14[%run_scoped3A_131, %mul3A_41] : memref<16x10240xi32, #tpu.memory_space<vmem_shared>> -> memref<1x640xi32, #tpu.memory_space<vmem_shared>>
      %dma_start3A_318 = tpu.memref_squeeze %dma_start3A_317 : memref<1x640xi32, #tpu.memory_space<vmem_shared>> -> memref<640xi32, #tpu.memory_space<vmem_shared>>
      tpu.enqueue_dma source(%dma_start3A_318 : memref<640xi32, #tpu.memory_space<vmem_shared>>) target(%arg10 : memref<640xi32, #tpu.memory_space<vmem>>) target_semaphore(%run_scoped3A_315 : memref<!tpu.dma_semaphore, #tpu.memory_space<semaphore_mem>>)
      %dma_wait3A = tpu.memref_slice %arg14[%run_scoped3A_131, %mul3A_41] : memref<16x10240xi32, #tpu.memory_space<vmem_shared>> -> memref<1x640xi32, #tpu.memory_space<vmem_shared>>
      %dma_wait3A_319 = tpu.memref_squeeze %dma_wait3A : memref<1x640xi32, #tpu.memory_space<vmem_shared>> -> memref<640xi32, #tpu.memory_space<vmem_shared>>
      %dma_wait3A_320 = tpu.memref_slice %arg14[%run_scoped3A_131, %mul3A_41] : memref<16x10240xi32, #tpu.memory_space<vmem_shared>> -> memref<1x640xi32, #tpu.memory_space<vmem_shared>>
      %dma_wait3A_321 = tpu.memref_squeeze %dma_wait3A_320 : memref<1x640xi32, #tpu.memory_space<vmem_shared>> -> memref<640xi32, #tpu.memory_space<vmem_shared>>
      tpu.wait_dma2 semaphore(%run_scoped3A_315 : memref<!tpu.dma_semaphore, #tpu.memory_space<semaphore_mem>>) src(%dma_wait3A_321 : memref<640xi32, #tpu.memory_space<vmem_shared>>) dst(%arg10 : memref<640xi32, #tpu.memory_space<vmem>>)
      tpu.yield
    }) : () -> ()
    %scan3A_132 = arith.constant 0 : i32
    %scan3A_133 = arith.constant 0 : i32
    %scan3A_134 = arith.constant 40 : i32
    %scan3A_135 = arith.addi %scan3A_133, %scan3A_134 : i32
    %scan3A_136 = arith.constant 1 : i32
    %scan3A_137 = scf.for %scan3A_315 = %scan3A_133 to %scan3A_135 step %scan3A_136 iter_args(%scan3A_316 = %scan3A_132) -> (i32)  : i32 {
      %mul3A_317 = arith.constant 16 : i32
      %mul3A_318 = arith.muli %scan3A_315, %mul3A_317 : i32
      %get3A_319 = arith.index_cast %mul3A_318 : i32 to index
      %get3A_320 = tpu.vector_load %arg12[%get3A_319] {strides = array<i32>} : memref<640xi32, #tpu.memory_space<vmem>>, vector<16xi32>,
      %mul3A_321 = arith.constant 16 : i32
      %mul3A_322 = arith.muli %scan3A_315, %mul3A_321 : i32
      %get3A_323 = arith.index_cast %mul3A_322 : i32 to index
      %get3A_324 = tpu.vector_load %arg10[%get3A_323] {strides = array<i32>} : memref<640xi32, #tpu.memory_space<vmem>>, vector<16xi32>,
      %add3A_325 = arith.addi %get3A_320, %get3A_324 : vector<16xi32>
      %mul3A_326 = arith.constant 16 : i32
      %mul3A_327 = arith.muli %scan3A_315, %mul3A_326 : i32
      %swap3A_328 = arith.index_cast %mul3A_327 : i32 to index
      %swap3A_329 = tpu.vector_load %arg12[%swap3A_328] {strides = array<i32>} : memref<640xi32, #tpu.memory_space<vmem>>, vector<16xi32>,
      tpu.vector_store %arg12[%swap3A_328], %add3A_325 {strides = array<i32>} : memref<640xi32, #tpu.memory_space<vmem>>, vector<16xi32>,
      %scan3A_330 = arith.constant 0 : i32
      scf.yield %scan3A_330 : i32
    }
    %scan3A_138 = arith.constant 40 : i32
    %run_scoped3A_139 = arith.constant 5 : i32
    "tpu.region"() ({
      %run_scoped3A_315 = tpu.sem_alloc : memref<!tpu.dma_semaphore, #tpu.memory_space<semaphore_mem>>
      %dma_start3A = tpu.memref_slice %arg13[%run_scoped3A_139, %mul3A_41] : memref<16x10240xi32, #tpu.memory_space<vmem_shared>> -> memref<1x640xi32, #tpu.memory_space<vmem_shared>>
      %dma_start3A_316 = tpu.memref_squeeze %dma_start3A : memref<1x640xi32, #tpu.memory_space<vmem_shared>> -> memref<640xi32, #tpu.memory_space<vmem_shared>>
      %dma_start3A_317 = tpu.memref_slice %arg13[%run_scoped3A_139, %mul3A_41] : memref<16x10240xi32, #tpu.memory_space<vmem_shared>> -> memref<1x640xi32, #tpu.memory_space<vmem_shared>>
      %dma_start3A_318 = tpu.memref_squeeze %dma_start3A_317 : memref<1x640xi32, #tpu.memory_space<vmem_shared>> -> memref<640xi32, #tpu.memory_space<vmem_shared>>
      tpu.enqueue_dma source(%dma_start3A_318 : memref<640xi32, #tpu.memory_space<vmem_shared>>) target(%arg10 : memref<640xi32, #tpu.memory_space<vmem>>) target_semaphore(%run_scoped3A_315 : memref<!tpu.dma_semaphore, #tpu.memory_space<semaphore_mem>>)
      %dma_wait3A = tpu.memref_slice %arg13[%run_scoped3A_139, %mul3A_41] : memref<16x10240xi32, #tpu.memory_space<vmem_shared>> -> memref<1x640xi32, #tpu.memory_space<vmem_shared>>
      %dma_wait3A_319 = tpu.memref_squeeze %dma_wait3A : memref<1x640xi32, #tpu.memory_space<vmem_shared>> -> memref<640xi32, #tpu.memory_space<vmem_shared>>
      %dma_wait3A_320 = tpu.memref_slice %arg13[%run_scoped3A_139, %mul3A_41] : memref<16x10240xi32, #tpu.memory_space<vmem_shared>> -> memref<1x640xi32, #tpu.memory_space<vmem_shared>>
      %dma_wait3A_321 = tpu.memref_squeeze %dma_wait3A_320 : memref<1x640xi32, #tpu.memory_space<vmem_shared>> -> memref<640xi32, #tpu.memory_space<vmem_shared>>
      tpu.wait_dma2 semaphore(%run_scoped3A_315 : memref<!tpu.dma_semaphore, #tpu.memory_space<semaphore_mem>>) src(%dma_wait3A_321 : memref<640xi32, #tpu.memory_space<vmem_shared>>) dst(%arg10 : memref<640xi32, #tpu.memory_space<vmem>>)
      tpu.yield
    }) : () -> ()
    %scan3A_140 = arith.constant 0 : i32
    %scan3A_141 = arith.constant 0 : i32
    %scan3A_142 = arith.constant 40 : i32
    %scan3A_143 = arith.addi %scan3A_141, %scan3A_142 : i32
    %scan3A_144 = arith.constant 1 : i32
    %scan3A_145 = scf.for %scan3A_315 = %scan3A_141 to %scan3A_143 step %scan3A_144 iter_args(%scan3A_316 = %scan3A_140) -> (i32)  : i32 {
      %mul3A_317 = arith.constant 16 : i32
      %mul3A_318 = arith.muli %scan3A_315, %mul3A_317 : i32
      %get3A_319 = arith.index_cast %mul3A_318 : i32 to index
      %get3A_320 = tpu.vector_load %arg11[%get3A_319] {strides = array<i32>} : memref<640xi32, #tpu.memory_space<vmem>>, vector<16xi32>,
      %mul3A_321 = arith.constant 16 : i32
      %mul3A_322 = arith.muli %scan3A_315, %mul3A_321 : i32
      %get3A_323 = arith.index_cast %mul3A_322 : i32 to index
      %get3A_324 = tpu.vector_load %arg10[%get3A_323] {strides = array<i32>} : memref<640xi32, #tpu.memory_space<vmem>>, vector<16xi32>,
      %add3A_325 = arith.addi %get3A_320, %get3A_324 : vector<16xi32>
      %mul3A_326 = arith.constant 16 : i32
      %mul3A_327 = arith.muli %scan3A_315, %mul3A_326 : i32
      %swap3A_328 = arith.index_cast %mul3A_327 : i32 to index
      %swap3A_329 = tpu.vector_load %arg11[%swap3A_328] {strides = array<i32>} : memref<640xi32, #tpu.memory_space<vmem>>, vector<16xi32>,
      tpu.vector_store %arg11[%swap3A_328], %add3A_325 {strides = array<i32>} : memref<640xi32, #tpu.memory_space<vmem>>, vector<16xi32>,
      %scan3A_330 = arith.constant 0 : i32
      scf.yield %scan3A_330 : i32
    }
    %scan3A_146 = arith.constant 40 : i32
    %run_scoped3A_147 = arith.constant 5 : i32
    "tpu.region"() ({
      %run_scoped3A_315 = tpu.sem_alloc : memref<!tpu.dma_semaphore, #tpu.memory_space<semaphore_mem>>
      %dma_start3A = tpu.memref_slice %arg14[%run_scoped3A_147, %mul3A_41] : memref<16x10240xi32, #tpu.memory_space<vmem_shared>> -> memref<1x640xi32, #tpu.memory_space<vmem_shared>>
      %dma_start3A_316 = tpu.memref_squeeze %dma_start3A : memref<1x640xi32, #tpu.memory_space<vmem_shared>> -> memref<640xi32, #tpu.memory_space<vmem_shared>>
      %dma_start3A_317 = tpu.memref_slice %arg14[%run_scoped3A_147, %mul3A_41] : memref<16x10240xi32, #tpu.memory_space<vmem_shared>> -> memref<1x640xi32, #tpu.memory_space<vmem_shared>>
      %dma_start3A_318 = tpu.memref_squeeze %dma_start3A_317 : memref<1x640xi32, #tpu.memory_space<vmem_shared>> -> memref<640xi32, #tpu.memory_space<vmem_shared>>
      tpu.enqueue_dma source(%dma_start3A_318 : memref<640xi32, #tpu.memory_space<vmem_shared>>) target(%arg10 : memref<640xi32, #tpu.memory_space<vmem>>) target_semaphore(%run_scoped3A_315 : memref<!tpu.dma_semaphore, #tpu.memory_space<semaphore_mem>>)
      %dma_wait3A = tpu.memref_slice %arg14[%run_scoped3A_147, %mul3A_41] : memref<16x10240xi32, #tpu.memory_space<vmem_shared>> -> memref<1x640xi32, #tpu.memory_space<vmem_shared>>
      %dma_wait3A_319 = tpu.memref_squeeze %dma_wait3A : memref<1x640xi32, #tpu.memory_space<vmem_shared>> -> memref<640xi32, #tpu.memory_space<vmem_shared>>
      %dma_wait3A_320 = tpu.memref_slice %arg14[%run_scoped3A_147, %mul3A_41] : memref<16x10240xi32, #tpu.memory_space<vmem_shared>> -> memref<1x640xi32, #tpu.memory_space<vmem_shared>>
      %dma_wait3A_321 = tpu.memref_squeeze %dma_wait3A_320 : memref<1x640xi32, #tpu.memory_space<vmem_shared>> -> memref<640xi32, #tpu.memory_space<vmem_shared>>
      tpu.wait_dma2 semaphore(%run_scoped3A_315 : memref<!tpu.dma_semaphore, #tpu.memory_space<semaphore_mem>>) src(%dma_wait3A_321 : memref<640xi32, #tpu.memory_space<vmem_shared>>) dst(%arg10 : memref<640xi32, #tpu.memory_space<vmem>>)
      tpu.yield
    }) : () -> ()
    %scan3A_148 = arith.constant 0 : i32
    %scan3A_149 = arith.constant 0 : i32
    %scan3A_150 = arith.constant 40 : i32
    %scan3A_151 = arith.addi %scan3A_149, %scan3A_150 : i32
    %scan3A_152 = arith.constant 1 : i32
    %scan3A_153 = scf.for %scan3A_315 = %scan3A_149 to %scan3A_151 step %scan3A_152 iter_args(%scan3A_316 = %scan3A_148) -> (i32)  : i32 {
      %mul3A_317 = arith.constant 16 : i32
      %mul3A_318 = arith.muli %scan3A_315, %mul3A_317 : i32
      %get3A_319 = arith.index_cast %mul3A_318 : i32 to index
      %get3A_320 = tpu.vector_load %arg12[%get3A_319] {strides = array<i32>} : memref<640xi32, #tpu.memory_space<vmem>>, vector<16xi32>,
      %mul3A_321 = arith.constant 16 : i32
      %mul3A_322 = arith.muli %scan3A_315, %mul3A_321 : i32
      %get3A_323 = arith.index_cast %mul3A_322 : i32 to index
      %get3A_324 = tpu.vector_load %arg10[%get3A_323] {strides = array<i32>} : memref<640xi32, #tpu.memory_space<vmem>>, vector<16xi32>,
      %add3A_325 = arith.addi %get3A_320, %get3A_324 : vector<16xi32>
      %mul3A_326 = arith.constant 16 : i32
      %mul3A_327 = arith.muli %scan3A_315, %mul3A_326 : i32
      %swap3A_328 = arith.index_cast %mul3A_327 : i32 to index
      %swap3A_329 = tpu.vector_load %arg12[%swap3A_328] {strides = array<i32>} : memref<640xi32, #tpu.memory_space<vmem>>, vector<16xi32>,
      tpu.vector_store %arg12[%swap3A_328], %add3A_325 {strides = array<i32>} : memref<640xi32, #tpu.memory_space<vmem>>, vector<16xi32>,
      %scan3A_330 = arith.constant 0 : i32
      scf.yield %scan3A_330 : i32
    }
    %scan3A_154 = arith.constant 40 : i32
    %run_scoped3A_155 = arith.constant 6 : i32
    "tpu.region"() ({
      %run_scoped3A_315 = tpu.sem_alloc : memref<!tpu.dma_semaphore, #tpu.memory_space<semaphore_mem>>
      %dma_start3A = tpu.memref_slice %arg13[%run_scoped3A_155, %mul3A_41] : memref<16x10240xi32, #tpu.memory_space<vmem_shared>> -> memref<1x640xi32, #tpu.memory_space<vmem_shared>>
      %dma_start3A_316 = tpu.memref_squeeze %dma_start3A : memref<1x640xi32, #tpu.memory_space<vmem_shared>> -> memref<640xi32, #tpu.memory_space<vmem_shared>>
      %dma_start3A_317 = tpu.memref_slice %arg13[%run_scoped3A_155, %mul3A_41] : memref<16x10240xi32, #tpu.memory_space<vmem_shared>> -> memref<1x640xi32, #tpu.memory_space<vmem_shared>>
      %dma_start3A_318 = tpu.memref_squeeze %dma_start3A_317 : memref<1x640xi32, #tpu.memory_space<vmem_shared>> -> memref<640xi32, #tpu.memory_space<vmem_shared>>
      tpu.enqueue_dma source(%dma_start3A_318 : memref<640xi32, #tpu.memory_space<vmem_shared>>) target(%arg10 : memref<640xi32, #tpu.memory_space<vmem>>) target_semaphore(%run_scoped3A_315 : memref<!tpu.dma_semaphore, #tpu.memory_space<semaphore_mem>>)
      %dma_wait3A = tpu.memref_slice %arg13[%run_scoped3A_155, %mul3A_41] : memref<16x10240xi32, #tpu.memory_space<vmem_shared>> -> memref<1x640xi32, #tpu.memory_space<vmem_shared>>
      %dma_wait3A_319 = tpu.memref_squeeze %dma_wait3A : memref<1x640xi32, #tpu.memory_space<vmem_shared>> -> memref<640xi32, #tpu.memory_space<vmem_shared>>
      %dma_wait3A_320 = tpu.memref_slice %arg13[%run_scoped3A_155, %mul3A_41] : memref<16x10240xi32, #tpu.memory_space<vmem_shared>> -> memref<1x640xi32, #tpu.memory_space<vmem_shared>>
      %dma_wait3A_321 = tpu.memref_squeeze %dma_wait3A_320 : memref<1x640xi32, #tpu.memory_space<vmem_shared>> -> memref<640xi32, #tpu.memory_space<vmem_shared>>
      tpu.wait_dma2 semaphore(%run_scoped3A_315 : memref<!tpu.dma_semaphore, #tpu.memory_space<semaphore_mem>>) src(%dma_wait3A_321 : memref<640xi32, #tpu.memory_space<vmem_shared>>) dst(%arg10 : memref<640xi32, #tpu.memory_space<vmem>>)
      tpu.yield
    }) : () -> ()
    %scan3A_156 = arith.constant 0 : i32
    %scan3A_157 = arith.constant 0 : i32
    %scan3A_158 = arith.constant 40 : i32
    %scan3A_159 = arith.addi %scan3A_157, %scan3A_158 : i32
    %scan3A_160 = arith.constant 1 : i32
    %scan3A_161 = scf.for %scan3A_315 = %scan3A_157 to %scan3A_159 step %scan3A_160 iter_args(%scan3A_316 = %scan3A_156) -> (i32)  : i32 {
      %mul3A_317 = arith.constant 16 : i32
      %mul3A_318 = arith.muli %scan3A_315, %mul3A_317 : i32
      %get3A_319 = arith.index_cast %mul3A_318 : i32 to index
      %get3A_320 = tpu.vector_load %arg11[%get3A_319] {strides = array<i32>} : memref<640xi32, #tpu.memory_space<vmem>>, vector<16xi32>,
      %mul3A_321 = arith.constant 16 : i32
      %mul3A_322 = arith.muli %scan3A_315, %mul3A_321 : i32
      %get3A_323 = arith.index_cast %mul3A_322 : i32 to index
      %get3A_324 = tpu.vector_load %arg10[%get3A_323] {strides = array<i32>} : memref<640xi32, #tpu.memory_space<vmem>>, vector<16xi32>,
      %add3A_325 = arith.addi %get3A_320, %get3A_324 : vector<16xi32>
      %mul3A_326 = arith.constant 16 : i32
      %mul3A_327 = arith.muli %scan3A_315, %mul3A_326 : i32
      %swap3A_328 = arith.index_cast %mul3A_327 : i32 to index
      %swap3A_329 = tpu.vector_load %arg11[%swap3A_328] {strides = array<i32>} : memref<640xi32, #tpu.memory_space<vmem>>, vector<16xi32>,
      tpu.vector_store %arg11[%swap3A_328], %add3A_325 {strides = array<i32>} : memref<640xi32, #tpu.memory_space<vmem>>, vector<16xi32>,
      %scan3A_330 = arith.constant 0 : i32
      scf.yield %scan3A_330 : i32
    }
    %scan3A_162 = arith.constant 40 : i32
    %run_scoped3A_163 = arith.constant 6 : i32
    "tpu.region"() ({
      %run_scoped3A_315 = tpu.sem_alloc : memref<!tpu.dma_semaphore, #tpu.memory_space<semaphore_mem>>
      %dma_start3A = tpu.memref_slice %arg14[%run_scoped3A_163, %mul3A_41] : memref<16x10240xi32, #tpu.memory_space<vmem_shared>> -> memref<1x640xi32, #tpu.memory_space<vmem_shared>>
      %dma_start3A_316 = tpu.memref_squeeze %dma_start3A : memref<1x640xi32, #tpu.memory_space<vmem_shared>> -> memref<640xi32, #tpu.memory_space<vmem_shared>>
      %dma_start3A_317 = tpu.memref_slice %arg14[%run_scoped3A_163, %mul3A_41] : memref<16x10240xi32, #tpu.memory_space<vmem_shared>> -> memref<1x640xi32, #tpu.memory_space<vmem_shared>>
      %dma_start3A_318 = tpu.memref_squeeze %dma_start3A_317 : memref<1x640xi32, #tpu.memory_space<vmem_shared>> -> memref<640xi32, #tpu.memory_space<vmem_shared>>
      tpu.enqueue_dma source(%dma_start3A_318 : memref<640xi32, #tpu.memory_space<vmem_shared>>) target(%arg10 : memref<640xi32, #tpu.memory_space<vmem>>) target_semaphore(%run_scoped3A_315 : memref<!tpu.dma_semaphore, #tpu.memory_space<semaphore_mem>>)
      %dma_wait3A = tpu.memref_slice %arg14[%run_scoped3A_163, %mul3A_41] : memref<16x10240xi32, #tpu.memory_space<vmem_shared>> -> memref<1x640xi32, #tpu.memory_space<vmem_shared>>
      %dma_wait3A_319 = tpu.memref_squeeze %dma_wait3A : memref<1x640xi32, #tpu.memory_space<vmem_shared>> -> memref<640xi32, #tpu.memory_space<vmem_shared>>
      %dma_wait3A_320 = tpu.memref_slice %arg14[%run_scoped3A_163, %mul3A_41] : memref<16x10240xi32, #tpu.memory_space<vmem_shared>> -> memref<1x640xi32, #tpu.memory_space<vmem_shared>>
      %dma_wait3A_321 = tpu.memref_squeeze %dma_wait3A_320 : memref<1x640xi32, #tpu.memory_space<vmem_shared>> -> memref<640xi32, #tpu.memory_space<vmem_shared>>
      tpu.wait_dma2 semaphore(%run_scoped3A_315 : memref<!tpu.dma_semaphore, #tpu.memory_space<semaphore_mem>>) src(%dma_wait3A_321 : memref<640xi32, #tpu.memory_space<vmem_shared>>) dst(%arg10 : memref<640xi32, #tpu.memory_space<vmem>>)
      tpu.yield
    }) : () -> ()
    %scan3A_164 = arith.constant 0 : i32
    %scan3A_165 = arith.constant 0 : i32
    %scan3A_166 = arith.constant 40 : i32
    %scan3A_167 = arith.addi %scan3A_165, %scan3A_166 : i32
    %scan3A_168 = arith.constant 1 : i32
    %scan3A_169 = scf.for %scan3A_315 = %scan3A_165 to %scan3A_167 step %scan3A_168 iter_args(%scan3A_316 = %scan3A_164) -> (i32)  : i32 {
      %mul3A_317 = arith.constant 16 : i32
      %mul3A_318 = arith.muli %scan3A_315, %mul3A_317 : i32
      %get3A_319 = arith.index_cast %mul3A_318 : i32 to index
      %get3A_320 = tpu.vector_load %arg12[%get3A_319] {strides = array<i32>} : memref<640xi32, #tpu.memory_space<vmem>>, vector<16xi32>,
      %mul3A_321 = arith.constant 16 : i32
      %mul3A_322 = arith.muli %scan3A_315, %mul3A_321 : i32
      %get3A_323 = arith.index_cast %mul3A_322 : i32 to index
      %get3A_324 = tpu.vector_load %arg10[%get3A_323] {strides = array<i32>} : memref<640xi32, #tpu.memory_space<vmem>>, vector<16xi32>,
      %add3A_325 = arith.addi %get3A_320, %get3A_324 : vector<16xi32>
      %mul3A_326 = arith.constant 16 : i32
      %mul3A_327 = arith.muli %scan3A_315, %mul3A_326 : i32
      %swap3A_328 = arith.index_cast %mul3A_327 : i32 to index
      %swap3A_329 = tpu.vector_load %arg12[%swap3A_328] {strides = array<i32>} : memref<640xi32, #tpu.memory_space<vmem>>, vector<16xi32>,
      tpu.vector_store %arg12[%swap3A_328], %add3A_325 {strides = array<i32>} : memref<640xi32, #tpu.memory_space<vmem>>, vector<16xi32>,
      %scan3A_330 = arith.constant 0 : i32
      scf.yield %scan3A_330 : i32
    }
    %scan3A_170 = arith.constant 40 : i32
    %run_scoped3A_171 = arith.constant 7 : i32
    "tpu.region"() ({
      %run_scoped3A_315 = tpu.sem_alloc : memref<!tpu.dma_semaphore, #tpu.memory_space<semaphore_mem>>
      %dma_start3A = tpu.memref_slice %arg13[%run_scoped3A_171, %mul3A_41] : memref<16x10240xi32, #tpu.memory_space<vmem_shared>> -> memref<1x640xi32, #tpu.memory_space<vmem_shared>>
      %dma_start3A_316 = tpu.memref_squeeze %dma_start3A : memref<1x640xi32, #tpu.memory_space<vmem_shared>> -> memref<640xi32, #tpu.memory_space<vmem_shared>>
      %dma_start3A_317 = tpu.memref_slice %arg13[%run_scoped3A_171, %mul3A_41] : memref<16x10240xi32, #tpu.memory_space<vmem_shared>> -> memref<1x640xi32, #tpu.memory_space<vmem_shared>>
      %dma_start3A_318 = tpu.memref_squeeze %dma_start3A_317 : memref<1x640xi32, #tpu.memory_space<vmem_shared>> -> memref<640xi32, #tpu.memory_space<vmem_shared>>
      tpu.enqueue_dma source(%dma_start3A_318 : memref<640xi32, #tpu.memory_space<vmem_shared>>) target(%arg10 : memref<640xi32, #tpu.memory_space<vmem>>) target_semaphore(%run_scoped3A_315 : memref<!tpu.dma_semaphore, #tpu.memory_space<semaphore_mem>>)
      %dma_wait3A = tpu.memref_slice %arg13[%run_scoped3A_171, %mul3A_41] : memref<16x10240xi32, #tpu.memory_space<vmem_shared>> -> memref<1x640xi32, #tpu.memory_space<vmem_shared>>
      %dma_wait3A_319 = tpu.memref_squeeze %dma_wait3A : memref<1x640xi32, #tpu.memory_space<vmem_shared>> -> memref<640xi32, #tpu.memory_space<vmem_shared>>
      %dma_wait3A_320 = tpu.memref_slice %arg13[%run_scoped3A_171, %mul3A_41] : memref<16x10240xi32, #tpu.memory_space<vmem_shared>> -> memref<1x640xi32, #tpu.memory_space<vmem_shared>>
      %dma_wait3A_321 = tpu.memref_squeeze %dma_wait3A_320 : memref<1x640xi32, #tpu.memory_space<vmem_shared>> -> memref<640xi32, #tpu.memory_space<vmem_shared>>
      tpu.wait_dma2 semaphore(%run_scoped3A_315 : memref<!tpu.dma_semaphore, #tpu.memory_space<semaphore_mem>>) src(%dma_wait3A_321 : memref<640xi32, #tpu.memory_space<vmem_shared>>) dst(%arg10 : memref<640xi32, #tpu.memory_space<vmem>>)
      tpu.yield
    }) : () -> ()
    %scan3A_172 = arith.constant 0 : i32
    %scan3A_173 = arith.constant 0 : i32
    %scan3A_174 = arith.constant 40 : i32
    %scan3A_175 = arith.addi %scan3A_173, %scan3A_174 : i32
    %scan3A_176 = arith.constant 1 : i32
    %scan3A_177 = scf.for %scan3A_315 = %scan3A_173 to %scan3A_175 step %scan3A_176 iter_args(%scan3A_316 = %scan3A_172) -> (i32)  : i32 {
      %mul3A_317 = arith.constant 16 : i32
      %mul3A_318 = arith.muli %scan3A_315, %mul3A_317 : i32
      %get3A_319 = arith.index_cast %mul3A_318 : i32 to index
      %get3A_320 = tpu.vector_load %arg11[%get3A_319] {strides = array<i32>} : memref<640xi32, #tpu.memory_space<vmem>>, vector<16xi32>,
      %mul3A_321 = arith.constant 16 : i32
      %mul3A_322 = arith.muli %scan3A_315, %mul3A_321 : i32
      %get3A_323 = arith.index_cast %mul3A_322 : i32 to index
      %get3A_324 = tpu.vector_load %arg10[%get3A_323] {strides = array<i32>} : memref<640xi32, #tpu.memory_space<vmem>>, vector<16xi32>,
      %add3A_325 = arith.addi %get3A_320, %get3A_324 : vector<16xi32>
      %mul3A_326 = arith.constant 16 : i32
      %mul3A_327 = arith.muli %scan3A_315, %mul3A_326 : i32
      %swap3A_328 = arith.index_cast %mul3A_327 : i32 to index
      %swap3A_329 = tpu.vector_load %arg11[%swap3A_328] {strides = array<i32>} : memref<640xi32, #tpu.memory_space<vmem>>, vector<16xi32>,
      tpu.vector_store %arg11[%swap3A_328], %add3A_325 {strides = array<i32>} : memref<640xi32, #tpu.memory_space<vmem>>, vector<16xi32>,
      %scan3A_330 = arith.constant 0 : i32
      scf.yield %scan3A_330 : i32
    }
    %scan3A_178 = arith.constant 40 : i32
    %run_scoped3A_179 = arith.constant 7 : i32
    "tpu.region"() ({
      %run_scoped3A_315 = tpu.sem_alloc : memref<!tpu.dma_semaphore, #tpu.memory_space<semaphore_mem>>
      %dma_start3A = tpu.memref_slice %arg14[%run_scoped3A_179, %mul3A_41] : memref<16x10240xi32, #tpu.memory_space<vmem_shared>> -> memref<1x640xi32, #tpu.memory_space<vmem_shared>>
      %dma_start3A_316 = tpu.memref_squeeze %dma_start3A : memref<1x640xi32, #tpu.memory_space<vmem_shared>> -> memref<640xi32, #tpu.memory_space<vmem_shared>>
      %dma_start3A_317 = tpu.memref_slice %arg14[%run_scoped3A_179, %mul3A_41] : memref<16x10240xi32, #tpu.memory_space<vmem_shared>> -> memref<1x640xi32, #tpu.memory_space<vmem_shared>>
      %dma_start3A_318 = tpu.memref_squeeze %dma_start3A_317 : memref<1x640xi32, #tpu.memory_space<vmem_shared>> -> memref<640xi32, #tpu.memory_space<vmem_shared>>
      tpu.enqueue_dma source(%dma_start3A_318 : memref<640xi32, #tpu.memory_space<vmem_shared>>) target(%arg10 : memref<640xi32, #tpu.memory_space<vmem>>) target_semaphore(%run_scoped3A_315 : memref<!tpu.dma_semaphore, #tpu.memory_space<semaphore_mem>>)
      %dma_wait3A = tpu.memref_slice %arg14[%run_scoped3A_179, %mul3A_41] : memref<16x10240xi32, #tpu.memory_space<vmem_shared>> -> memref<1x640xi32, #tpu.memory_space<vmem_shared>>
      %dma_wait3A_319 = tpu.memref_squeeze %dma_wait3A : memref<1x640xi32, #tpu.memory_space<vmem_shared>> -> memref<640xi32, #tpu.memory_space<vmem_shared>>
      %dma_wait3A_320 = tpu.memref_slice %arg14[%run_scoped3A_179, %mul3A_41] : memref<16x10240xi32, #tpu.memory_space<vmem_shared>> -> memref<1x640xi32, #tpu.memory_space<vmem_shared>>
      %dma_wait3A_321 = tpu.memref_squeeze %dma_wait3A_320 : memref<1x640xi32, #tpu.memory_space<vmem_shared>> -> memref<640xi32, #tpu.memory_space<vmem_shared>>
      tpu.wait_dma2 semaphore(%run_scoped3A_315 : memref<!tpu.dma_semaphore, #tpu.memory_space<semaphore_mem>>) src(%dma_wait3A_321 : memref<640xi32, #tpu.memory_space<vmem_shared>>) dst(%arg10 : memref<640xi32, #tpu.memory_space<vmem>>)
      tpu.yield
    }) : () -> ()
    %scan3A_180 = arith.constant 0 : i32
    %scan3A_181 = arith.constant 0 : i32
    %scan3A_182 = arith.constant 40 : i32
    %scan3A_183 = arith.addi %scan3A_181, %scan3A_182 : i32
    %scan3A_184 = arith.constant 1 : i32
    %scan3A_185 = scf.for %scan3A_315 = %scan3A_181 to %scan3A_183 step %scan3A_184 iter_args(%scan3A_316 = %scan3A_180) -> (i32)  : i32 {
      %mul3A_317 = arith.constant 16 : i32
      %mul3A_318 = arith.muli %scan3A_315, %mul3A_317 : i32
      %get3A_319 = arith.index_cast %mul3A_318 : i32 to index
      %get3A_320 = tpu.vector_load %arg12[%get3A_319] {strides = array<i32>} : memref<640xi32, #tpu.memory_space<vmem>>, vector<16xi32>,
      %mul3A_321 = arith.constant 16 : i32
      %mul3A_322 = arith.muli %scan3A_315, %mul3A_321 : i32
      %get3A_323 = arith.index_cast %mul3A_322 : i32 to index
      %get3A_324 = tpu.vector_load %arg10[%get3A_323] {strides = array<i32>} : memref<640xi32, #tpu.memory_space<vmem>>, vector<16xi32>,
      %add3A_325 = arith.addi %get3A_320, %get3A_324 : vector<16xi32>
      %mul3A_326 = arith.constant 16 : i32
      %mul3A_327 = arith.muli %scan3A_315, %mul3A_326 : i32
      %swap3A_328 = arith.index_cast %mul3A_327 : i32 to index
      %swap3A_329 = tpu.vector_load %arg12[%swap3A_328] {strides = array<i32>} : memref<640xi32, #tpu.memory_space<vmem>>, vector<16xi32>,
      tpu.vector_store %arg12[%swap3A_328], %add3A_325 {strides = array<i32>} : memref<640xi32, #tpu.memory_space<vmem>>, vector<16xi32>,
      %scan3A_330 = arith.constant 0 : i32
      scf.yield %scan3A_330 : i32
    }
    %scan3A_186 = arith.constant 40 : i32
    %run_scoped3A_187 = arith.constant 8 : i32
    "tpu.region"() ({
      %run_scoped3A_315 = tpu.sem_alloc : memref<!tpu.dma_semaphore, #tpu.memory_space<semaphore_mem>>
      %dma_start3A = tpu.memref_slice %arg13[%run_scoped3A_187, %mul3A_41] : memref<16x10240xi32, #tpu.memory_space<vmem_shared>> -> memref<1x640xi32, #tpu.memory_space<vmem_shared>>
      %dma_start3A_316 = tpu.memref_squeeze %dma_start3A : memref<1x640xi32, #tpu.memory_space<vmem_shared>> -> memref<640xi32, #tpu.memory_space<vmem_shared>>
      %dma_start3A_317 = tpu.memref_slice %arg13[%run_scoped3A_187, %mul3A_41] : memref<16x10240xi32, #tpu.memory_space<vmem_shared>> -> memref<1x640xi32, #tpu.memory_space<vmem_shared>>
      %dma_start3A_318 = tpu.memref_squeeze %dma_start3A_317 : memref<1x640xi32, #tpu.memory_space<vmem_shared>> -> memref<640xi32, #tpu.memory_space<vmem_shared>>
      tpu.enqueue_dma source(%dma_start3A_318 : memref<640xi32, #tpu.memory_space<vmem_shared>>) target(%arg10 : memref<640xi32, #tpu.memory_space<vmem>>) target_semaphore(%run_scoped3A_315 : memref<!tpu.dma_semaphore, #tpu.memory_space<semaphore_mem>>)
      %dma_wait3A = tpu.memref_slice %arg13[%run_scoped3A_187, %mul3A_41] : memref<16x10240xi32, #tpu.memory_space<vmem_shared>> -> memref<1x640xi32, #tpu.memory_space<vmem_shared>>
      %dma_wait3A_319 = tpu.memref_squeeze %dma_wait3A : memref<1x640xi32, #tpu.memory_space<vmem_shared>> -> memref<640xi32, #tpu.memory_space<vmem_shared>>
      %dma_wait3A_320 = tpu.memref_slice %arg13[%run_scoped3A_187, %mul3A_41] : memref<16x10240xi32, #tpu.memory_space<vmem_shared>> -> memref<1x640xi32, #tpu.memory_space<vmem_shared>>
      %dma_wait3A_321 = tpu.memref_squeeze %dma_wait3A_320 : memref<1x640xi32, #tpu.memory_space<vmem_shared>> -> memref<640xi32, #tpu.memory_space<vmem_shared>>
      tpu.wait_dma2 semaphore(%run_scoped3A_315 : memref<!tpu.dma_semaphore, #tpu.memory_space<semaphore_mem>>) src(%dma_wait3A_321 : memref<640xi32, #tpu.memory_space<vmem_shared>>) dst(%arg10 : memref<640xi32, #tpu.memory_space<vmem>>)
      tpu.yield
    }) : () -> ()
    %scan3A_188 = arith.constant 0 : i32
    %scan3A_189 = arith.constant 0 : i32
    %scan3A_190 = arith.constant 40 : i32
    %scan3A_191 = arith.addi %scan3A_189, %scan3A_190 : i32
    %scan3A_192 = arith.constant 1 : i32
    %scan3A_193 = scf.for %scan3A_315 = %scan3A_189 to %scan3A_191 step %scan3A_192 iter_args(%scan3A_316 = %scan3A_188) -> (i32)  : i32 {
      %mul3A_317 = arith.constant 16 : i32
      %mul3A_318 = arith.muli %scan3A_315, %mul3A_317 : i32
      %get3A_319 = arith.index_cast %mul3A_318 : i32 to index
      %get3A_320 = tpu.vector_load %arg11[%get3A_319] {strides = array<i32>} : memref<640xi32, #tpu.memory_space<vmem>>, vector<16xi32>,
      %mul3A_321 = arith.constant 16 : i32
      %mul3A_322 = arith.muli %scan3A_315, %mul3A_321 : i32
      %get3A_323 = arith.index_cast %mul3A_322 : i32 to index
      %get3A_324 = tpu.vector_load %arg10[%get3A_323] {strides = array<i32>} : memref<640xi32, #tpu.memory_space<vmem>>, vector<16xi32>,
      %add3A_325 = arith.addi %get3A_320, %get3A_324 : vector<16xi32>
      %mul3A_326 = arith.constant 16 : i32
      %mul3A_327 = arith.muli %scan3A_315, %mul3A_326 : i32
      %swap3A_328 = arith.index_cast %mul3A_327 : i32 to index
      %swap3A_329 = tpu.vector_load %arg11[%swap3A_328] {strides = array<i32>} : memref<640xi32, #tpu.memory_space<vmem>>, vector<16xi32>,
      tpu.vector_store %arg11[%swap3A_328], %add3A_325 {strides = array<i32>} : memref<640xi32, #tpu.memory_space<vmem>>, vector<16xi32>,
      %scan3A_330 = arith.constant 0 : i32
      scf.yield %scan3A_330 : i32
    }
    %scan3A_194 = arith.constant 40 : i32
    %run_scoped3A_195 = arith.constant 8 : i32
    "tpu.region"() ({
      %run_scoped3A_315 = tpu.sem_alloc : memref<!tpu.dma_semaphore, #tpu.memory_space<semaphore_mem>>
      %dma_start3A = tpu.memref_slice %arg14[%run_scoped3A_195, %mul3A_41] : memref<16x10240xi32, #tpu.memory_space<vmem_shared>> -> memref<1x640xi32, #tpu.memory_space<vmem_shared>>
      %dma_start3A_316 = tpu.memref_squeeze %dma_start3A : memref<1x640xi32, #tpu.memory_space<vmem_shared>> -> memref<640xi32, #tpu.memory_space<vmem_shared>>
      %dma_start3A_317 = tpu.memref_slice %arg14[%run_scoped3A_195, %mul3A_41] : memref<16x10240xi32, #tpu.memory_space<vmem_shared>> -> memref<1x640xi32, #tpu.memory_space<vmem_shared>>
      %dma_start3A_318 = tpu.memref_squeeze %dma_start3A_317 : memref<1x640xi32, #tpu.memory_space<vmem_shared>> -> memref<640xi32, #tpu.memory_space<vmem_shared>>
      tpu.enqueue_dma source(%dma_start3A_318 : memref<640xi32, #tpu.memory_space<vmem_shared>>) target(%arg10 : memref<640xi32, #tpu.memory_space<vmem>>) target_semaphore(%run_scoped3A_315 : memref<!tpu.dma_semaphore, #tpu.memory_space<semaphore_mem>>)
      %dma_wait3A = tpu.memref_slice %arg14[%run_scoped3A_195, %mul3A_41] : memref<16x10240xi32, #tpu.memory_space<vmem_shared>> -> memref<1x640xi32, #tpu.memory_space<vmem_shared>>
      %dma_wait3A_319 = tpu.memref_squeeze %dma_wait3A : memref<1x640xi32, #tpu.memory_space<vmem_shared>> -> memref<640xi32, #tpu.memory_space<vmem_shared>>
      %dma_wait3A_320 = tpu.memref_slice %arg14[%run_scoped3A_195, %mul3A_41] : memref<16x10240xi32, #tpu.memory_space<vmem_shared>> -> memref<1x640xi32, #tpu.memory_space<vmem_shared>>
      %dma_wait3A_321 = tpu.memref_squeeze %dma_wait3A_320 : memref<1x640xi32, #tpu.memory_space<vmem_shared>> -> memref<640xi32, #tpu.memory_space<vmem_shared>>
      tpu.wait_dma2 semaphore(%run_scoped3A_315 : memref<!tpu.dma_semaphore, #tpu.memory_space<semaphore_mem>>) src(%dma_wait3A_321 : memref<640xi32, #tpu.memory_space<vmem_shared>>) dst(%arg10 : memref<640xi32, #tpu.memory_space<vmem>>)
      tpu.yield
    }) : () -> ()
    %scan3A_196 = arith.constant 0 : i32
    %scan3A_197 = arith.constant 0 : i32
    %scan3A_198 = arith.constant 40 : i32
    %scan3A_199 = arith.addi %scan3A_197, %scan3A_198 : i32
    %scan3A_200 = arith.constant 1 : i32
    %scan3A_201 = scf.for %scan3A_315 = %scan3A_197 to %scan3A_199 step %scan3A_200 iter_args(%scan3A_316 = %scan3A_196) -> (i32)  : i32 {
      %mul3A_317 = arith.constant 16 : i32
      %mul3A_318 = arith.muli %scan3A_315, %mul3A_317 : i32
      %get3A_319 = arith.index_cast %mul3A_318 : i32 to index
      %get3A_320 = tpu.vector_load %arg12[%get3A_319] {strides = array<i32>} : memref<640xi32, #tpu.memory_space<vmem>>, vector<16xi32>,
      %mul3A_321 = arith.constant 16 : i32
      %mul3A_322 = arith.muli %scan3A_315, %mul3A_321 : i32
      %get3A_323 = arith.index_cast %mul3A_322 : i32 to index
      %get3A_324 = tpu.vector_load %arg10[%get3A_323] {strides = array<i32>} : memref<640xi32, #tpu.memory_space<vmem>>, vector<16xi32>,
      %add3A_325 = arith.addi %get3A_320, %get3A_324 : vector<16xi32>
      %mul3A_326 = arith.constant 16 : i32
      %mul3A_327 = arith.muli %scan3A_315, %mul3A_326 : i32
      %swap3A_328 = arith.index_cast %mul3A_327 : i32 to index
      %swap3A_329 = tpu.vector_load %arg12[%swap3A_328] {strides = array<i32>} : memref<640xi32, #tpu.memory_space<vmem>>, vector<16xi32>,
      tpu.vector_store %arg12[%swap3A_328], %add3A_325 {strides = array<i32>} : memref<640xi32, #tpu.memory_space<vmem>>, vector<16xi32>,
      %scan3A_330 = arith.constant 0 : i32
      scf.yield %scan3A_330 : i32
    }
    %scan3A_202 = arith.constant 40 : i32
    %run_scoped3A_203 = arith.constant 9 : i32
    "tpu.region"() ({
      %run_scoped3A_315 = tpu.sem_alloc : memref<!tpu.dma_semaphore, #tpu.memory_space<semaphore_mem>>
      %dma_start3A = tpu.memref_slice %arg13[%run_scoped3A_203, %mul3A_41] : memref<16x10240xi32, #tpu.memory_space<vmem_shared>> -> memref<1x640xi32, #tpu.memory_space<vmem_shared>>
      %dma_start3A_316 = tpu.memref_squeeze %dma_start3A : memref<1x640xi32, #tpu.memory_space<vmem_shared>> -> memref<640xi32, #tpu.memory_space<vmem_shared>>
      %dma_start3A_317 = tpu.memref_slice %arg13[%run_scoped3A_203, %mul3A_41] : memref<16x10240xi32, #tpu.memory_space<vmem_shared>> -> memref<1x640xi32, #tpu.memory_space<vmem_shared>>
      %dma_start3A_318 = tpu.memref_squeeze %dma_start3A_317 : memref<1x640xi32, #tpu.memory_space<vmem_shared>> -> memref<640xi32, #tpu.memory_space<vmem_shared>>
      tpu.enqueue_dma source(%dma_start3A_318 : memref<640xi32, #tpu.memory_space<vmem_shared>>) target(%arg10 : memref<640xi32, #tpu.memory_space<vmem>>) target_semaphore(%run_scoped3A_315 : memref<!tpu.dma_semaphore, #tpu.memory_space<semaphore_mem>>)
      %dma_wait3A = tpu.memref_slice %arg13[%run_scoped3A_203, %mul3A_41] : memref<16x10240xi32, #tpu.memory_space<vmem_shared>> -> memref<1x640xi32, #tpu.memory_space<vmem_shared>>
      %dma_wait3A_319 = tpu.memref_squeeze %dma_wait3A : memref<1x640xi32, #tpu.memory_space<vmem_shared>> -> memref<640xi32, #tpu.memory_space<vmem_shared>>
      %dma_wait3A_320 = tpu.memref_slice %arg13[%run_scoped3A_203, %mul3A_41] : memref<16x10240xi32, #tpu.memory_space<vmem_shared>> -> memref<1x640xi32, #tpu.memory_space<vmem_shared>>
      %dma_wait3A_321 = tpu.memref_squeeze %dma_wait3A_320 : memref<1x640xi32, #tpu.memory_space<vmem_shared>> -> memref<640xi32, #tpu.memory_space<vmem_shared>>
      tpu.wait_dma2 semaphore(%run_scoped3A_315 : memref<!tpu.dma_semaphore, #tpu.memory_space<semaphore_mem>>) src(%dma_wait3A_321 : memref<640xi32, #tpu.memory_space<vmem_shared>>) dst(%arg10 : memref<640xi32, #tpu.memory_space<vmem>>)
      tpu.yield
    }) : () -> ()
    %scan3A_204 = arith.constant 0 : i32
    %scan3A_205 = arith.constant 0 : i32
    %scan3A_206 = arith.constant 40 : i32
    %scan3A_207 = arith.addi %scan3A_205, %scan3A_206 : i32
    %scan3A_208 = arith.constant 1 : i32
    %scan3A_209 = scf.for %scan3A_315 = %scan3A_205 to %scan3A_207 step %scan3A_208 iter_args(%scan3A_316 = %scan3A_204) -> (i32)  : i32 {
      %mul3A_317 = arith.constant 16 : i32
      %mul3A_318 = arith.muli %scan3A_315, %mul3A_317 : i32
      %get3A_319 = arith.index_cast %mul3A_318 : i32 to index
      %get3A_320 = tpu.vector_load %arg11[%get3A_319] {strides = array<i32>} : memref<640xi32, #tpu.memory_space<vmem>>, vector<16xi32>,
      %mul3A_321 = arith.constant 16 : i32
      %mul3A_322 = arith.muli %scan3A_315, %mul3A_321 : i32
      %get3A_323 = arith.index_cast %mul3A_322 : i32 to index
      %get3A_324 = tpu.vector_load %arg10[%get3A_323] {strides = array<i32>} : memref<640xi32, #tpu.memory_space<vmem>>, vector<16xi32>,
      %add3A_325 = arith.addi %get3A_320, %get3A_324 : vector<16xi32>
      %mul3A_326 = arith.constant 16 : i32
      %mul3A_327 = arith.muli %scan3A_315, %mul3A_326 : i32
      %swap3A_328 = arith.index_cast %mul3A_327 : i32 to index
      %swap3A_329 = tpu.vector_load %arg11[%swap3A_328] {strides = array<i32>} : memref<640xi32, #tpu.memory_space<vmem>>, vector<16xi32>,
      tpu.vector_store %arg11[%swap3A_328], %add3A_325 {strides = array<i32>} : memref<640xi32, #tpu.memory_space<vmem>>, vector<16xi32>,
      %scan3A_330 = arith.constant 0 : i32
      scf.yield %scan3A_330 : i32
    }
    %scan3A_210 = arith.constant 40 : i32
    %run_scoped3A_211 = arith.constant 9 : i32
    "tpu.region"() ({
      %run_scoped3A_315 = tpu.sem_alloc : memref<!tpu.dma_semaphore, #tpu.memory_space<semaphore_mem>>
      %dma_start3A = tpu.memref_slice %arg14[%run_scoped3A_211, %mul3A_41] : memref<16x10240xi32, #tpu.memory_space<vmem_shared>> -> memref<1x640xi32, #tpu.memory_space<vmem_shared>>
      %dma_start3A_316 = tpu.memref_squeeze %dma_start3A : memref<1x640xi32, #tpu.memory_space<vmem_shared>> -> memref<640xi32, #tpu.memory_space<vmem_shared>>
      %dma_start3A_317 = tpu.memref_slice %arg14[%run_scoped3A_211, %mul3A_41] : memref<16x10240xi32, #tpu.memory_space<vmem_shared>> -> memref<1x640xi32, #tpu.memory_space<vmem_shared>>
      %dma_start3A_318 = tpu.memref_squeeze %dma_start3A_317 : memref<1x640xi32, #tpu.memory_space<vmem_shared>> -> memref<640xi32, #tpu.memory_space<vmem_shared>>
      tpu.enqueue_dma source(%dma_start3A_318 : memref<640xi32, #tpu.memory_space<vmem_shared>>) target(%arg10 : memref<640xi32, #tpu.memory_space<vmem>>) target_semaphore(%run_scoped3A_315 : memref<!tpu.dma_semaphore, #tpu.memory_space<semaphore_mem>>)
      %dma_wait3A = tpu.memref_slice %arg14[%run_scoped3A_211, %mul3A_41] : memref<16x10240xi32, #tpu.memory_space<vmem_shared>> -> memref<1x640xi32, #tpu.memory_space<vmem_shared>>
      %dma_wait3A_319 = tpu.memref_squeeze %dma_wait3A : memref<1x640xi32, #tpu.memory_space<vmem_shared>> -> memref<640xi32, #tpu.memory_space<vmem_shared>>
      %dma_wait3A_320 = tpu.memref_slice %arg14[%run_scoped3A_211, %mul3A_41] : memref<16x10240xi32, #tpu.memory_space<vmem_shared>> -> memref<1x640xi32, #tpu.memory_space<vmem_shared>>
      %dma_wait3A_321 = tpu.memref_squeeze %dma_wait3A_320 : memref<1x640xi32, #tpu.memory_space<vmem_shared>> -> memref<640xi32, #tpu.memory_space<vmem_shared>>
      tpu.wait_dma2 semaphore(%run_scoped3A_315 : memref<!tpu.dma_semaphore, #tpu.memory_space<semaphore_mem>>) src(%dma_wait3A_321 : memref<640xi32, #tpu.memory_space<vmem_shared>>) dst(%arg10 : memref<640xi32, #tpu.memory_space<vmem>>)
      tpu.yield
    }) : () -> ()
    %scan3A_212 = arith.constant 0 : i32
    %scan3A_213 = arith.constant 0 : i32
    %scan3A_214 = arith.constant 40 : i32
    %scan3A_215 = arith.addi %scan3A_213, %scan3A_214 : i32
    %scan3A_216 = arith.constant 1 : i32
    %scan3A_217 = scf.for %scan3A_315 = %scan3A_213 to %scan3A_215 step %scan3A_216 iter_args(%scan3A_316 = %scan3A_212) -> (i32)  : i32 {
      %mul3A_317 = arith.constant 16 : i32
      %mul3A_318 = arith.muli %scan3A_315, %mul3A_317 : i32
      %get3A_319 = arith.index_cast %mul3A_318 : i32 to index
      %get3A_320 = tpu.vector_load %arg12[%get3A_319] {strides = array<i32>} : memref<640xi32, #tpu.memory_space<vmem>>, vector<16xi32>,
      %mul3A_321 = arith.constant 16 : i32
      %mul3A_322 = arith.muli %scan3A_315, %mul3A_321 : i32
      %get3A_323 = arith.index_cast %mul3A_322 : i32 to index
      %get3A_324 = tpu.vector_load %arg10[%get3A_323] {strides = array<i32>} : memref<640xi32, #tpu.memory_space<vmem>>, vector<16xi32>,
      %add3A_325 = arith.addi %get3A_320, %get3A_324 : vector<16xi32>
      %mul3A_326 = arith.constant 16 : i32
      %mul3A_327 = arith.muli %scan3A_315, %mul3A_326 : i32
      %swap3A_328 = arith.index_cast %mul3A_327 : i32 to index
      %swap3A_329 = tpu.vector_load %arg12[%swap3A_328] {strides = array<i32>} : memref<640xi32, #tpu.memory_space<vmem>>, vector<16xi32>,
      tpu.vector_store %arg12[%swap3A_328], %add3A_325 {strides = array<i32>} : memref<640xi32, #tpu.memory_space<vmem>>, vector<16xi32>,
      %scan3A_330 = arith.constant 0 : i32
      scf.yield %scan3A_330 : i32
    }
    %scan3A_218 = arith.constant 40 : i32
    %run_scoped3A_219 = arith.constant 10 : i32
    "tpu.region"() ({
      %run_scoped3A_315 = tpu.sem_alloc : memref<!tpu.dma_semaphore, #tpu.memory_space<semaphore_mem>>
      %dma_start3A = tpu.memref_slice %arg13[%run_scoped3A_219, %mul3A_41] : memref<16x10240xi32, #tpu.memory_space<vmem_shared>> -> memref<1x640xi32, #tpu.memory_space<vmem_shared>>
      %dma_start3A_316 = tpu.memref_squeeze %dma_start3A : memref<1x640xi32, #tpu.memory_space<vmem_shared>> -> memref<640xi32, #tpu.memory_space<vmem_shared>>
      %dma_start3A_317 = tpu.memref_slice %arg13[%run_scoped3A_219, %mul3A_41] : memref<16x10240xi32, #tpu.memory_space<vmem_shared>> -> memref<1x640xi32, #tpu.memory_space<vmem_shared>>
      %dma_start3A_318 = tpu.memref_squeeze %dma_start3A_317 : memref<1x640xi32, #tpu.memory_space<vmem_shared>> -> memref<640xi32, #tpu.memory_space<vmem_shared>>
      tpu.enqueue_dma source(%dma_start3A_318 : memref<640xi32, #tpu.memory_space<vmem_shared>>) target(%arg10 : memref<640xi32, #tpu.memory_space<vmem>>) target_semaphore(%run_scoped3A_315 : memref<!tpu.dma_semaphore, #tpu.memory_space<semaphore_mem>>)
      %dma_wait3A = tpu.memref_slice %arg13[%run_scoped3A_219, %mul3A_41] : memref<16x10240xi32, #tpu.memory_space<vmem_shared>> -> memref<1x640xi32, #tpu.memory_space<vmem_shared>>
      %dma_wait3A_319 = tpu.memref_squeeze %dma_wait3A : memref<1x640xi32, #tpu.memory_space<vmem_shared>> -> memref<640xi32, #tpu.memory_space<vmem_shared>>
      %dma_wait3A_320 = tpu.memref_slice %arg13[%run_scoped3A_219, %mul3A_41] : memref<16x10240xi32, #tpu.memory_space<vmem_shared>> -> memref<1x640xi32, #tpu.memory_space<vmem_shared>>
      %dma_wait3A_321 = tpu.memref_squeeze %dma_wait3A_320 : memref<1x640xi32, #tpu.memory_space<vmem_shared>> -> memref<640xi32, #tpu.memory_space<vmem_shared>>
      tpu.wait_dma2 semaphore(%run_scoped3A_315 : memref<!tpu.dma_semaphore, #tpu.memory_space<semaphore_mem>>) src(%dma_wait3A_321 : memref<640xi32, #tpu.memory_space<vmem_shared>>) dst(%arg10 : memref<640xi32, #tpu.memory_space<vmem>>)
      tpu.yield
    }) : () -> ()
    %scan3A_220 = arith.constant 0 : i32
    %scan3A_221 = arith.constant 0 : i32
    %scan3A_222 = arith.constant 40 : i32
    %scan3A_223 = arith.addi %scan3A_221, %scan3A_222 : i32
    %scan3A_224 = arith.constant 1 : i32
    %scan3A_225 = scf.for %scan3A_315 = %scan3A_221 to %scan3A_223 step %scan3A_224 iter_args(%scan3A_316 = %scan3A_220) -> (i32)  : i32 {
      %mul3A_317 = arith.constant 16 : i32
      %mul3A_318 = arith.muli %scan3A_315, %mul3A_317 : i32
      %get3A_319 = arith.index_cast %mul3A_318 : i32 to index
      %get3A_320 = tpu.vector_load %arg11[%get3A_319] {strides = array<i32>} : memref<640xi32, #tpu.memory_space<vmem>>, vector<16xi32>,
      %mul3A_321 = arith.constant 16 : i32
      %mul3A_322 = arith.muli %scan3A_315, %mul3A_321 : i32
      %get3A_323 = arith.index_cast %mul3A_322 : i32 to index
      %get3A_324 = tpu.vector_load %arg10[%get3A_323] {strides = array<i32>} : memref<640xi32, #tpu.memory_space<vmem>>, vector<16xi32>,
      %add3A_325 = arith.addi %get3A_320, %get3A_324 : vector<16xi32>
      %mul3A_326 = arith.constant 16 : i32
      %mul3A_327 = arith.muli %scan3A_315, %mul3A_326 : i32
      %swap3A_328 = arith.index_cast %mul3A_327 : i32 to index
      %swap3A_329 = tpu.vector_load %arg11[%swap3A_328] {strides = array<i32>} : memref<640xi32, #tpu.memory_space<vmem>>, vector<16xi32>,
      tpu.vector_store %arg11[%swap3A_328], %add3A_325 {strides = array<i32>} : memref<640xi32, #tpu.memory_space<vmem>>, vector<16xi32>,
      %scan3A_330 = arith.constant 0 : i32
      scf.yield %scan3A_330 : i32
    }
    %scan3A_226 = arith.constant 40 : i32
    %run_scoped3A_227 = arith.constant 10 : i32
    "tpu.region"() ({
      %run_scoped3A_315 = tpu.sem_alloc : memref<!tpu.dma_semaphore, #tpu.memory_space<semaphore_mem>>
      %dma_start3A = tpu.memref_slice %arg14[%run_scoped3A_227, %mul3A_41] : memref<16x10240xi32, #tpu.memory_space<vmem_shared>> -> memref<1x640xi32, #tpu.memory_space<vmem_shared>>
      %dma_start3A_316 = tpu.memref_squeeze %dma_start3A : memref<1x640xi32, #tpu.memory_space<vmem_shared>> -> memref<640xi32, #tpu.memory_space<vmem_shared>>
      %dma_start3A_317 = tpu.memref_slice %arg14[%run_scoped3A_227, %mul3A_41] : memref<16x10240xi32, #tpu.memory_space<vmem_shared>> -> memref<1x640xi32, #tpu.memory_space<vmem_shared>>
      %dma_start3A_318 = tpu.memref_squeeze %dma_start3A_317 : memref<1x640xi32, #tpu.memory_space<vmem_shared>> -> memref<640xi32, #tpu.memory_space<vmem_shared>>
      tpu.enqueue_dma source(%dma_start3A_318 : memref<640xi32, #tpu.memory_space<vmem_shared>>) target(%arg10 : memref<640xi32, #tpu.memory_space<vmem>>) target_semaphore(%run_scoped3A_315 : memref<!tpu.dma_semaphore, #tpu.memory_space<semaphore_mem>>)
      %dma_wait3A = tpu.memref_slice %arg14[%run_scoped3A_227, %mul3A_41] : memref<16x10240xi32, #tpu.memory_space<vmem_shared>> -> memref<1x640xi32, #tpu.memory_space<vmem_shared>>
      %dma_wait3A_319 = tpu.memref_squeeze %dma_wait3A : memref<1x640xi32, #tpu.memory_space<vmem_shared>> -> memref<640xi32, #tpu.memory_space<vmem_shared>>
      %dma_wait3A_320 = tpu.memref_slice %arg14[%run_scoped3A_227, %mul3A_41] : memref<16x10240xi32, #tpu.memory_space<vmem_shared>> -> memref<1x640xi32, #tpu.memory_space<vmem_shared>>
      %dma_wait3A_321 = tpu.memref_squeeze %dma_wait3A_320 : memref<1x640xi32, #tpu.memory_space<vmem_shared>> -> memref<640xi32, #tpu.memory_space<vmem_shared>>
      tpu.wait_dma2 semaphore(%run_scoped3A_315 : memref<!tpu.dma_semaphore, #tpu.memory_space<semaphore_mem>>) src(%dma_wait3A_321 : memref<640xi32, #tpu.memory_space<vmem_shared>>) dst(%arg10 : memref<640xi32, #tpu.memory_space<vmem>>)
      tpu.yield
    }) : () -> ()
    %scan3A_228 = arith.constant 0 : i32
    %scan3A_229 = arith.constant 0 : i32
    %scan3A_230 = arith.constant 40 : i32
    %scan3A_231 = arith.addi %scan3A_229, %scan3A_230 : i32
    %scan3A_232 = arith.constant 1 : i32
    %scan3A_233 = scf.for %scan3A_315 = %scan3A_229 to %scan3A_231 step %scan3A_232 iter_args(%scan3A_316 = %scan3A_228) -> (i32)  : i32 {
      %mul3A_317 = arith.constant 16 : i32
      %mul3A_318 = arith.muli %scan3A_315, %mul3A_317 : i32
      %get3A_319 = arith.index_cast %mul3A_318 : i32 to index
      %get3A_320 = tpu.vector_load %arg12[%get3A_319] {strides = array<i32>} : memref<640xi32, #tpu.memory_space<vmem>>, vector<16xi32>,
      %mul3A_321 = arith.constant 16 : i32
      %mul3A_322 = arith.muli %scan3A_315, %mul3A_321 : i32
      %get3A_323 = arith.index_cast %mul3A_322 : i32 to index
      %get3A_324 = tpu.vector_load %arg10[%get3A_323] {strides = array<i32>} : memref<640xi32, #tpu.memory_space<vmem>>, vector<16xi32>,
      %add3A_325 = arith.addi %get3A_320, %get3A_324 : vector<16xi32>
      %mul3A_326 = arith.constant 16 : i32
      %mul3A_327 = arith.muli %scan3A_315, %mul3A_326 : i32
      %swap3A_328 = arith.index_cast %mul3A_327 : i32 to index
      %swap3A_329 = tpu.vector_load %arg12[%swap3A_328] {strides = array<i32>} : memref<640xi32, #tpu.memory_space<vmem>>, vector<16xi32>,
      tpu.vector_store %arg12[%swap3A_328], %add3A_325 {strides = array<i32>} : memref<640xi32, #tpu.memory_space<vmem>>, vector<16xi32>,
      %scan3A_330 = arith.constant 0 : i32
      scf.yield %scan3A_330 : i32
    }
    %scan3A_234 = arith.constant 40 : i32
    %run_scoped3A_235 = arith.constant 11 : i32
    "tpu.region"() ({
      %run_scoped3A_315 = tpu.sem_alloc : memref<!tpu.dma_semaphore, #tpu.memory_space<semaphore_mem>>
      %dma_start3A = tpu.memref_slice %arg13[%run_scoped3A_235, %mul3A_41] : memref<16x10240xi32, #tpu.memory_space<vmem_shared>> -> memref<1x640xi32, #tpu.memory_space<vmem_shared>>
      %dma_start3A_316 = tpu.memref_squeeze %dma_start3A : memref<1x640xi32, #tpu.memory_space<vmem_shared>> -> memref<640xi32, #tpu.memory_space<vmem_shared>>
      %dma_start3A_317 = tpu.memref_slice %arg13[%run_scoped3A_235, %mul3A_41] : memref<16x10240xi32, #tpu.memory_space<vmem_shared>> -> memref<1x640xi32, #tpu.memory_space<vmem_shared>>
      %dma_start3A_318 = tpu.memref_squeeze %dma_start3A_317 : memref<1x640xi32, #tpu.memory_space<vmem_shared>> -> memref<640xi32, #tpu.memory_space<vmem_shared>>
      tpu.enqueue_dma source(%dma_start3A_318 : memref<640xi32, #tpu.memory_space<vmem_shared>>) target(%arg10 : memref<640xi32, #tpu.memory_space<vmem>>) target_semaphore(%run_scoped3A_315 : memref<!tpu.dma_semaphore, #tpu.memory_space<semaphore_mem>>)
      %dma_wait3A = tpu.memref_slice %arg13[%run_scoped3A_235, %mul3A_41] : memref<16x10240xi32, #tpu.memory_space<vmem_shared>> -> memref<1x640xi32, #tpu.memory_space<vmem_shared>>
      %dma_wait3A_319 = tpu.memref_squeeze %dma_wait3A : memref<1x640xi32, #tpu.memory_space<vmem_shared>> -> memref<640xi32, #tpu.memory_space<vmem_shared>>
      %dma_wait3A_320 = tpu.memref_slice %arg13[%run_scoped3A_235, %mul3A_41] : memref<16x10240xi32, #tpu.memory_space<vmem_shared>> -> memref<1x640xi32, #tpu.memory_space<vmem_shared>>
      %dma_wait3A_321 = tpu.memref_squeeze %dma_wait3A_320 : memref<1x640xi32, #tpu.memory_space<vmem_shared>> -> memref<640xi32, #tpu.memory_space<vmem_shared>>
      tpu.wait_dma2 semaphore(%run_scoped3A_315 : memref<!tpu.dma_semaphore, #tpu.memory_space<semaphore_mem>>) src(%dma_wait3A_321 : memref<640xi32, #tpu.memory_space<vmem_shared>>) dst(%arg10 : memref<640xi32, #tpu.memory_space<vmem>>)
      tpu.yield
    }) : () -> ()
    %scan3A_236 = arith.constant 0 : i32
    %scan3A_237 = arith.constant 0 : i32
    %scan3A_238 = arith.constant 40 : i32
    %scan3A_239 = arith.addi %scan3A_237, %scan3A_238 : i32
    %scan3A_240 = arith.constant 1 : i32
    %scan3A_241 = scf.for %scan3A_315 = %scan3A_237 to %scan3A_239 step %scan3A_240 iter_args(%scan3A_316 = %scan3A_236) -> (i32)  : i32 {
      %mul3A_317 = arith.constant 16 : i32
      %mul3A_318 = arith.muli %scan3A_315, %mul3A_317 : i32
      %get3A_319 = arith.index_cast %mul3A_318 : i32 to index
      %get3A_320 = tpu.vector_load %arg11[%get3A_319] {strides = array<i32>} : memref<640xi32, #tpu.memory_space<vmem>>, vector<16xi32>,
      %mul3A_321 = arith.constant 16 : i32
      %mul3A_322 = arith.muli %scan3A_315, %mul3A_321 : i32
      %get3A_323 = arith.index_cast %mul3A_322 : i32 to index
      %get3A_324 = tpu.vector_load %arg10[%get3A_323] {strides = array<i32>} : memref<640xi32, #tpu.memory_space<vmem>>, vector<16xi32>,
      %add3A_325 = arith.addi %get3A_320, %get3A_324 : vector<16xi32>
      %mul3A_326 = arith.constant 16 : i32
      %mul3A_327 = arith.muli %scan3A_315, %mul3A_326 : i32
      %swap3A_328 = arith.index_cast %mul3A_327 : i32 to index
      %swap3A_329 = tpu.vector_load %arg11[%swap3A_328] {strides = array<i32>} : memref<640xi32, #tpu.memory_space<vmem>>, vector<16xi32>,
      tpu.vector_store %arg11[%swap3A_328], %add3A_325 {strides = array<i32>} : memref<640xi32, #tpu.memory_space<vmem>>, vector<16xi32>,
      %scan3A_330 = arith.constant 0 : i32
      scf.yield %scan3A_330 : i32
    }
    %scan3A_242 = arith.constant 40 : i32
    %run_scoped3A_243 = arith.constant 11 : i32
    "tpu.region"() ({
      %run_scoped3A_315 = tpu.sem_alloc : memref<!tpu.dma_semaphore, #tpu.memory_space<semaphore_mem>>
      %dma_start3A = tpu.memref_slice %arg14[%run_scoped3A_243, %mul3A_41] : memref<16x10240xi32, #tpu.memory_space<vmem_shared>> -> memref<1x640xi32, #tpu.memory_space<vmem_shared>>
      %dma_start3A_316 = tpu.memref_squeeze %dma_start3A : memref<1x640xi32, #tpu.memory_space<vmem_shared>> -> memref<640xi32, #tpu.memory_space<vmem_shared>>
      %dma_start3A_317 = tpu.memref_slice %arg14[%run_scoped3A_243, %mul3A_41] : memref<16x10240xi32, #tpu.memory_space<vmem_shared>> -> memref<1x640xi32, #tpu.memory_space<vmem_shared>>
      %dma_start3A_318 = tpu.memref_squeeze %dma_start3A_317 : memref<1x640xi32, #tpu.memory_space<vmem_shared>> -> memref<640xi32, #tpu.memory_space<vmem_shared>>
      tpu.enqueue_dma source(%dma_start3A_318 : memref<640xi32, #tpu.memory_space<vmem_shared>>) target(%arg10 : memref<640xi32, #tpu.memory_space<vmem>>) target_semaphore(%run_scoped3A_315 : memref<!tpu.dma_semaphore, #tpu.memory_space<semaphore_mem>>)
      %dma_wait3A = tpu.memref_slice %arg14[%run_scoped3A_243, %mul3A_41] : memref<16x10240xi32, #tpu.memory_space<vmem_shared>> -> memref<1x640xi32, #tpu.memory_space<vmem_shared>>
      %dma_wait3A_319 = tpu.memref_squeeze %dma_wait3A : memref<1x640xi32, #tpu.memory_space<vmem_shared>> -> memref<640xi32, #tpu.memory_space<vmem_shared>>
      %dma_wait3A_320 = tpu.memref_slice %arg14[%run_scoped3A_243, %mul3A_41] : memref<16x10240xi32, #tpu.memory_space<vmem_shared>> -> memref<1x640xi32, #tpu.memory_space<vmem_shared>>
      %dma_wait3A_321 = tpu.memref_squeeze %dma_wait3A_320 : memref<1x640xi32, #tpu.memory_space<vmem_shared>> -> memref<640xi32, #tpu.memory_space<vmem_shared>>
      tpu.wait_dma2 semaphore(%run_scoped3A_315 : memref<!tpu.dma_semaphore, #tpu.memory_space<semaphore_mem>>) src(%dma_wait3A_321 : memref<640xi32, #tpu.memory_space<vmem_shared>>) dst(%arg10 : memref<640xi32, #tpu.memory_space<vmem>>)
      tpu.yield
    }) : () -> ()
    %scan3A_244 = arith.constant 0 : i32
    %scan3A_245 = arith.constant 0 : i32
    %scan3A_246 = arith.constant 40 : i32
    %scan3A_247 = arith.addi %scan3A_245, %scan3A_246 : i32
    %scan3A_248 = arith.constant 1 : i32
    %scan3A_249 = scf.for %scan3A_315 = %scan3A_245 to %scan3A_247 step %scan3A_248 iter_args(%scan3A_316 = %scan3A_244) -> (i32)  : i32 {
      %mul3A_317 = arith.constant 16 : i32
      %mul3A_318 = arith.muli %scan3A_315, %mul3A_317 : i32
      %get3A_319 = arith.index_cast %mul3A_318 : i32 to index
      %get3A_320 = tpu.vector_load %arg12[%get3A_319] {strides = array<i32>} : memref<640xi32, #tpu.memory_space<vmem>>, vector<16xi32>,
      %mul3A_321 = arith.constant 16 : i32
      %mul3A_322 = arith.muli %scan3A_315, %mul3A_321 : i32
      %get3A_323 = arith.index_cast %mul3A_322 : i32 to index
      %get3A_324 = tpu.vector_load %arg10[%get3A_323] {strides = array<i32>} : memref<640xi32, #tpu.memory_space<vmem>>, vector<16xi32>,
      %add3A_325 = arith.addi %get3A_320, %get3A_324 : vector<16xi32>
      %mul3A_326 = arith.constant 16 : i32
      %mul3A_327 = arith.muli %scan3A_315, %mul3A_326 : i32
      %swap3A_328 = arith.index_cast %mul3A_327 : i32 to index
      %swap3A_329 = tpu.vector_load %arg12[%swap3A_328] {strides = array<i32>} : memref<640xi32, #tpu.memory_space<vmem>>, vector<16xi32>,
      tpu.vector_store %arg12[%swap3A_328], %add3A_325 {strides = array<i32>} : memref<640xi32, #tpu.memory_space<vmem>>, vector<16xi32>,
      %scan3A_330 = arith.constant 0 : i32
      scf.yield %scan3A_330 : i32
    }
    %scan3A_250 = arith.constant 40 : i32
    %run_scoped3A_251 = arith.constant 12 : i32
    "tpu.region"() ({
      %run_scoped3A_315 = tpu.sem_alloc : memref<!tpu.dma_semaphore, #tpu.memory_space<semaphore_mem>>
      %dma_start3A = tpu.memref_slice %arg13[%run_scoped3A_251, %mul3A_41] : memref<16x10240xi32, #tpu.memory_space<vmem_shared>> -> memref<1x640xi32, #tpu.memory_space<vmem_shared>>
      %dma_start3A_316 = tpu.memref_squeeze %dma_start3A : memref<1x640xi32, #tpu.memory_space<vmem_shared>> -> memref<640xi32, #tpu.memory_space<vmem_shared>>
      %dma_start3A_317 = tpu.memref_slice %arg13[%run_scoped3A_251, %mul3A_41] : memref<16x10240xi32, #tpu.memory_space<vmem_shared>> -> memref<1x640xi32, #tpu.memory_space<vmem_shared>>
      %dma_start3A_318 = tpu.memref_squeeze %dma_start3A_317 : memref<1x640xi32, #tpu.memory_space<vmem_shared>> -> memref<640xi32, #tpu.memory_space<vmem_shared>>
      tpu.enqueue_dma source(%dma_start3A_318 : memref<640xi32, #tpu.memory_space<vmem_shared>>) target(%arg10 : memref<640xi32, #tpu.memory_space<vmem>>) target_semaphore(%run_scoped3A_315 : memref<!tpu.dma_semaphore, #tpu.memory_space<semaphore_mem>>)
      %dma_wait3A = tpu.memref_slice %arg13[%run_scoped3A_251, %mul3A_41] : memref<16x10240xi32, #tpu.memory_space<vmem_shared>> -> memref<1x640xi32, #tpu.memory_space<vmem_shared>>
      %dma_wait3A_319 = tpu.memref_squeeze %dma_wait3A : memref<1x640xi32, #tpu.memory_space<vmem_shared>> -> memref<640xi32, #tpu.memory_space<vmem_shared>>
      %dma_wait3A_320 = tpu.memref_slice %arg13[%run_scoped3A_251, %mul3A_41] : memref<16x10240xi32, #tpu.memory_space<vmem_shared>> -> memref<1x640xi32, #tpu.memory_space<vmem_shared>>
      %dma_wait3A_321 = tpu.memref_squeeze %dma_wait3A_320 : memref<1x640xi32, #tpu.memory_space<vmem_shared>> -> memref<640xi32, #tpu.memory_space<vmem_shared>>
      tpu.wait_dma2 semaphore(%run_scoped3A_315 : memref<!tpu.dma_semaphore, #tpu.memory_space<semaphore_mem>>) src(%dma_wait3A_321 : memref<640xi32, #tpu.memory_space<vmem_shared>>) dst(%arg10 : memref<640xi32, #tpu.memory_space<vmem>>)
      tpu.yield
    }) : () -> ()
    %scan3A_252 = arith.constant 0 : i32
    %scan3A_253 = arith.constant 0 : i32
    %scan3A_254 = arith.constant 40 : i32
    %scan3A_255 = arith.addi %scan3A_253, %scan3A_254 : i32
    %scan3A_256 = arith.constant 1 : i32
    %scan3A_257 = scf.for %scan3A_315 = %scan3A_253 to %scan3A_255 step %scan3A_256 iter_args(%scan3A_316 = %scan3A_252) -> (i32)  : i32 {
      %mul3A_317 = arith.constant 16 : i32
      %mul3A_318 = arith.muli %scan3A_315, %mul3A_317 : i32
      %get3A_319 = arith.index_cast %mul3A_318 : i32 to index
      %get3A_320 = tpu.vector_load %arg11[%get3A_319] {strides = array<i32>} : memref<640xi32, #tpu.memory_space<vmem>>, vector<16xi32>,
      %mul3A_321 = arith.constant 16 : i32
      %mul3A_322 = arith.muli %scan3A_315, %mul3A_321 : i32
      %get3A_323 = arith.index_cast %mul3A_322 : i32 to index
      %get3A_324 = tpu.vector_load %arg10[%get3A_323] {strides = array<i32>} : memref<640xi32, #tpu.memory_space<vmem>>, vector<16xi32>,
      %add3A_325 = arith.addi %get3A_320, %get3A_324 : vector<16xi32>
      %mul3A_326 = arith.constant 16 : i32
      %mul3A_327 = arith.muli %scan3A_315, %mul3A_326 : i32
      %swap3A_328 = arith.index_cast %mul3A_327 : i32 to index
      %swap3A_329 = tpu.vector_load %arg11[%swap3A_328] {strides = array<i32>} : memref<640xi32, #tpu.memory_space<vmem>>, vector<16xi32>,
      tpu.vector_store %arg11[%swap3A_328], %add3A_325 {strides = array<i32>} : memref<640xi32, #tpu.memory_space<vmem>>, vector<16xi32>,
      %scan3A_330 = arith.constant 0 : i32
      scf.yield %scan3A_330 : i32
    }
    %scan3A_258 = arith.constant 40 : i32
    %run_scoped3A_259 = arith.constant 12 : i32
    "tpu.region"() ({
      %run_scoped3A_315 = tpu.sem_alloc : memref<!tpu.dma_semaphore, #tpu.memory_space<semaphore_mem>>
      %dma_start3A = tpu.memref_slice %arg14[%run_scoped3A_259, %mul3A_41] : memref<16x10240xi32, #tpu.memory_space<vmem_shared>> -> memref<1x640xi32, #tpu.memory_space<vmem_shared>>
      %dma_start3A_316 = tpu.memref_squeeze %dma_start3A : memref<1x640xi32, #tpu.memory_space<vmem_shared>> -> memref<640xi32, #tpu.memory_space<vmem_shared>>
      %dma_start3A_317 = tpu.memref_slice %arg14[%run_scoped3A_259, %mul3A_41] : memref<16x10240xi32, #tpu.memory_space<vmem_shared>> -> memref<1x640xi32, #tpu.memory_space<vmem_shared>>
      %dma_start3A_318 = tpu.memref_squeeze %dma_start3A_317 : memref<1x640xi32, #tpu.memory_space<vmem_shared>> -> memref<640xi32, #tpu.memory_space<vmem_shared>>
      tpu.enqueue_dma source(%dma_start3A_318 : memref<640xi32, #tpu.memory_space<vmem_shared>>) target(%arg10 : memref<640xi32, #tpu.memory_space<vmem>>) target_semaphore(%run_scoped3A_315 : memref<!tpu.dma_semaphore, #tpu.memory_space<semaphore_mem>>)
      %dma_wait3A = tpu.memref_slice %arg14[%run_scoped3A_259, %mul3A_41] : memref<16x10240xi32, #tpu.memory_space<vmem_shared>> -> memref<1x640xi32, #tpu.memory_space<vmem_shared>>
      %dma_wait3A_319 = tpu.memref_squeeze %dma_wait3A : memref<1x640xi32, #tpu.memory_space<vmem_shared>> -> memref<640xi32, #tpu.memory_space<vmem_shared>>
      %dma_wait3A_320 = tpu.memref_slice %arg14[%run_scoped3A_259, %mul3A_41] : memref<16x10240xi32, #tpu.memory_space<vmem_shared>> -> memref<1x640xi32, #tpu.memory_space<vmem_shared>>
      %dma_wait3A_321 = tpu.memref_squeeze %dma_wait3A_320 : memref<1x640xi32, #tpu.memory_space<vmem_shared>> -> memref<640xi32, #tpu.memory_space<vmem_shared>>
      tpu.wait_dma2 semaphore(%run_scoped3A_315 : memref<!tpu.dma_semaphore, #tpu.memory_space<semaphore_mem>>) src(%dma_wait3A_321 : memref<640xi32, #tpu.memory_space<vmem_shared>>) dst(%arg10 : memref<640xi32, #tpu.memory_space<vmem>>)
      tpu.yield
    }) : () -> ()
    %scan3A_260 = arith.constant 0 : i32
    %scan3A_261 = arith.constant 0 : i32
    %scan3A_262 = arith.constant 40 : i32
    %scan3A_263 = arith.addi %scan3A_261, %scan3A_262 : i32
    %scan3A_264 = arith.constant 1 : i32
    %scan3A_265 = scf.for %scan3A_315 = %scan3A_261 to %scan3A_263 step %scan3A_264 iter_args(%scan3A_316 = %scan3A_260) -> (i32)  : i32 {
      %mul3A_317 = arith.constant 16 : i32
      %mul3A_318 = arith.muli %scan3A_315, %mul3A_317 : i32
      %get3A_319 = arith.index_cast %mul3A_318 : i32 to index
      %get3A_320 = tpu.vector_load %arg12[%get3A_319] {strides = array<i32>} : memref<640xi32, #tpu.memory_space<vmem>>, vector<16xi32>,
      %mul3A_321 = arith.constant 16 : i32
      %mul3A_322 = arith.muli %scan3A_315, %mul3A_321 : i32
      %get3A_323 = arith.index_cast %mul3A_322 : i32 to index
      %get3A_324 = tpu.vector_load %arg10[%get3A_323] {strides = array<i32>} : memref<640xi32, #tpu.memory_space<vmem>>, vector<16xi32>,
      %add3A_325 = arith.addi %get3A_320, %get3A_324 : vector<16xi32>
      %mul3A_326 = arith.constant 16 : i32
      %mul3A_327 = arith.muli %scan3A_315, %mul3A_326 : i32
      %swap3A_328 = arith.index_cast %mul3A_327 : i32 to index
      %swap3A_329 = tpu.vector_load %arg12[%swap3A_328] {strides = array<i32>} : memref<640xi32, #tpu.memory_space<vmem>>, vector<16xi32>,
      tpu.vector_store %arg12[%swap3A_328], %add3A_325 {strides = array<i32>} : memref<640xi32, #tpu.memory_space<vmem>>, vector<16xi32>,
      %scan3A_330 = arith.constant 0 : i32
      scf.yield %scan3A_330 : i32
    }
    %scan3A_266 = arith.constant 40 : i32
    %run_scoped3A_267 = arith.constant 13 : i32
    "tpu.region"() ({
      %run_scoped3A_315 = tpu.sem_alloc : memref<!tpu.dma_semaphore, #tpu.memory_space<semaphore_mem>>
      %dma_start3A = tpu.memref_slice %arg13[%run_scoped3A_267, %mul3A_41] : memref<16x10240xi32, #tpu.memory_space<vmem_shared>> -> memref<1x640xi32, #tpu.memory_space<vmem_shared>>
      %dma_start3A_316 = tpu.memref_squeeze %dma_start3A : memref<1x640xi32, #tpu.memory_space<vmem_shared>> -> memref<640xi32, #tpu.memory_space<vmem_shared>>
      %dma_start3A_317 = tpu.memref_slice %arg13[%run_scoped3A_267, %mul3A_41] : memref<16x10240xi32, #tpu.memory_space<vmem_shared>> -> memref<1x640xi32, #tpu.memory_space<vmem_shared>>
      %dma_start3A_318 = tpu.memref_squeeze %dma_start3A_317 : memref<1x640xi32, #tpu.memory_space<vmem_shared>> -> memref<640xi32, #tpu.memory_space<vmem_shared>>
      tpu.enqueue_dma source(%dma_start3A_318 : memref<640xi32, #tpu.memory_space<vmem_shared>>) target(%arg10 : memref<640xi32, #tpu.memory_space<vmem>>) target_semaphore(%run_scoped3A_315 : memref<!tpu.dma_semaphore, #tpu.memory_space<semaphore_mem>>)
      %dma_wait3A = tpu.memref_slice %arg13[%run_scoped3A_267, %mul3A_41] : memref<16x10240xi32, #tpu.memory_space<vmem_shared>> -> memref<1x640xi32, #tpu.memory_space<vmem_shared>>
      %dma_wait3A_319 = tpu.memref_squeeze %dma_wait3A : memref<1x640xi32, #tpu.memory_space<vmem_shared>> -> memref<640xi32, #tpu.memory_space<vmem_shared>>
      %dma_wait3A_320 = tpu.memref_slice %arg13[%run_scoped3A_267, %mul3A_41] : memref<16x10240xi32, #tpu.memory_space<vmem_shared>> -> memref<1x640xi32, #tpu.memory_space<vmem_shared>>
      %dma_wait3A_321 = tpu.memref_squeeze %dma_wait3A_320 : memref<1x640xi32, #tpu.memory_space<vmem_shared>> -> memref<640xi32, #tpu.memory_space<vmem_shared>>
      tpu.wait_dma2 semaphore(%run_scoped3A_315 : memref<!tpu.dma_semaphore, #tpu.memory_space<semaphore_mem>>) src(%dma_wait3A_321 : memref<640xi32, #tpu.memory_space<vmem_shared>>) dst(%arg10 : memref<640xi32, #tpu.memory_space<vmem>>)
      tpu.yield
    }) : () -> ()
    %scan3A_268 = arith.constant 0 : i32
    %scan3A_269 = arith.constant 0 : i32
    %scan3A_270 = arith.constant 40 : i32
    %scan3A_271 = arith.addi %scan3A_269, %scan3A_270 : i32
    %scan3A_272 = arith.constant 1 : i32
    %scan3A_273 = scf.for %scan3A_315 = %scan3A_269 to %scan3A_271 step %scan3A_272 iter_args(%scan3A_316 = %scan3A_268) -> (i32)  : i32 {
      %mul3A_317 = arith.constant 16 : i32
      %mul3A_318 = arith.muli %scan3A_315, %mul3A_317 : i32
      %get3A_319 = arith.index_cast %mul3A_318 : i32 to index
      %get3A_320 = tpu.vector_load %arg11[%get3A_319] {strides = array<i32>} : memref<640xi32, #tpu.memory_space<vmem>>, vector<16xi32>,
      %mul3A_321 = arith.constant 16 : i32
      %mul3A_322 = arith.muli %scan3A_315, %mul3A_321 : i32
      %get3A_323 = arith.index_cast %mul3A_322 : i32 to index
      %get3A_324 = tpu.vector_load %arg10[%get3A_323] {strides = array<i32>} : memref<640xi32, #tpu.memory_space<vmem>>, vector<16xi32>,
      %add3A_325 = arith.addi %get3A_320, %get3A_324 : vector<16xi32>
      %mul3A_326 = arith.constant 16 : i32
      %mul3A_327 = arith.muli %scan3A_315, %mul3A_326 : i32
      %swap3A_328 = arith.index_cast %mul3A_327 : i32 to index
      %swap3A_329 = tpu.vector_load %arg11[%swap3A_328] {strides = array<i32>} : memref<640xi32, #tpu.memory_space<vmem>>, vector<16xi32>,
      tpu.vector_store %arg11[%swap3A_328], %add3A_325 {strides = array<i32>} : memref<640xi32, #tpu.memory_space<vmem>>, vector<16xi32>,
      %scan3A_330 = arith.constant 0 : i32
      scf.yield %scan3A_330 : i32
    }
    %scan3A_274 = arith.constant 40 : i32
    %run_scoped3A_275 = arith.constant 13 : i32
    "tpu.region"() ({
      %run_scoped3A_315 = tpu.sem_alloc : memref<!tpu.dma_semaphore, #tpu.memory_space<semaphore_mem>>
      %dma_start3A = tpu.memref_slice %arg14[%run_scoped3A_275, %mul3A_41] : memref<16x10240xi32, #tpu.memory_space<vmem_shared>> -> memref<1x640xi32, #tpu.memory_space<vmem_shared>>
      %dma_start3A_316 = tpu.memref_squeeze %dma_start3A : memref<1x640xi32, #tpu.memory_space<vmem_shared>> -> memref<640xi32, #tpu.memory_space<vmem_shared>>
      %dma_start3A_317 = tpu.memref_slice %arg14[%run_scoped3A_275, %mul3A_41] : memref<16x10240xi32, #tpu.memory_space<vmem_shared>> -> memref<1x640xi32, #tpu.memory_space<vmem_shared>>
      %dma_start3A_318 = tpu.memref_squeeze %dma_start3A_317 : memref<1x640xi32, #tpu.memory_space<vmem_shared>> -> memref<640xi32, #tpu.memory_space<vmem_shared>>
      tpu.enqueue_dma source(%dma_start3A_318 : memref<640xi32, #tpu.memory_space<vmem_shared>>) target(%arg10 : memref<640xi32, #tpu.memory_space<vmem>>) target_semaphore(%run_scoped3A_315 : memref<!tpu.dma_semaphore, #tpu.memory_space<semaphore_mem>>)
      %dma_wait3A = tpu.memref_slice %arg14[%run_scoped3A_275, %mul3A_41] : memref<16x10240xi32, #tpu.memory_space<vmem_shared>> -> memref<1x640xi32, #tpu.memory_space<vmem_shared>>
      %dma_wait3A_319 = tpu.memref_squeeze %dma_wait3A : memref<1x640xi32, #tpu.memory_space<vmem_shared>> -> memref<640xi32, #tpu.memory_space<vmem_shared>>
      %dma_wait3A_320 = tpu.memref_slice %arg14[%run_scoped3A_275, %mul3A_41] : memref<16x10240xi32, #tpu.memory_space<vmem_shared>> -> memref<1x640xi32, #tpu.memory_space<vmem_shared>>
      %dma_wait3A_321 = tpu.memref_squeeze %dma_wait3A_320 : memref<1x640xi32, #tpu.memory_space<vmem_shared>> -> memref<640xi32, #tpu.memory_space<vmem_shared>>
      tpu.wait_dma2 semaphore(%run_scoped3A_315 : memref<!tpu.dma_semaphore, #tpu.memory_space<semaphore_mem>>) src(%dma_wait3A_321 : memref<640xi32, #tpu.memory_space<vmem_shared>>) dst(%arg10 : memref<640xi32, #tpu.memory_space<vmem>>)
      tpu.yield
    }) : () -> ()
    %scan3A_276 = arith.constant 0 : i32
    %scan3A_277 = arith.constant 0 : i32
    %scan3A_278 = arith.constant 40 : i32
    %scan3A_279 = arith.addi %scan3A_277, %scan3A_278 : i32
    %scan3A_280 = arith.constant 1 : i32
    %scan3A_281 = scf.for %scan3A_315 = %scan3A_277 to %scan3A_279 step %scan3A_280 iter_args(%scan3A_316 = %scan3A_276) -> (i32)  : i32 {
      %mul3A_317 = arith.constant 16 : i32
      %mul3A_318 = arith.muli %scan3A_315, %mul3A_317 : i32
      %get3A_319 = arith.index_cast %mul3A_318 : i32 to index
      %get3A_320 = tpu.vector_load %arg12[%get3A_319] {strides = array<i32>} : memref<640xi32, #tpu.memory_space<vmem>>, vector<16xi32>,
      %mul3A_321 = arith.constant 16 : i32
      %mul3A_322 = arith.muli %scan3A_315, %mul3A_321 : i32
      %get3A_323 = arith.index_cast %mul3A_322 : i32 to index
      %get3A_324 = tpu.vector_load %arg10[%get3A_323] {strides = array<i32>} : memref<640xi32, #tpu.memory_space<vmem>>, vector<16xi32>,
      %add3A_325 = arith.addi %get3A_320, %get3A_324 : vector<16xi32>
      %mul3A_326 = arith.constant 16 : i32
      %mul3A_327 = arith.muli %scan3A_315, %mul3A_326 : i32
      %swap3A_328 = arith.index_cast %mul3A_327 : i32 to index
      %swap3A_329 = tpu.vector_load %arg12[%swap3A_328] {strides = array<i32>} : memref<640xi32, #tpu.memory_space<vmem>>, vector<16xi32>,
      tpu.vector_store %arg12[%swap3A_328], %add3A_325 {strides = array<i32>} : memref<640xi32, #tpu.memory_space<vmem>>, vector<16xi32>,
      %scan3A_330 = arith.constant 0 : i32
      scf.yield %scan3A_330 : i32
    }
    %scan3A_282 = arith.constant 40 : i32
    %run_scoped3A_283 = arith.constant 14 : i32
    "tpu.region"() ({
      %run_scoped3A_315 = tpu.sem_alloc : memref<!tpu.dma_semaphore, #tpu.memory_space<semaphore_mem>>
      %dma_start3A = tpu.memref_slice %arg13[%run_scoped3A_283, %mul3A_41] : memref<16x10240xi32, #tpu.memory_space<vmem_shared>> -> memref<1x640xi32, #tpu.memory_space<vmem_shared>>
      %dma_start3A_316 = tpu.memref_squeeze %dma_start3A : memref<1x640xi32, #tpu.memory_space<vmem_shared>> -> memref<640xi32, #tpu.memory_space<vmem_shared>>
      %dma_start3A_317 = tpu.memref_slice %arg13[%run_scoped3A_283, %mul3A_41] : memref<16x10240xi32, #tpu.memory_space<vmem_shared>> -> memref<1x640xi32, #tpu.memory_space<vmem_shared>>
      %dma_start3A_318 = tpu.memref_squeeze %dma_start3A_317 : memref<1x640xi32, #tpu.memory_space<vmem_shared>> -> memref<640xi32, #tpu.memory_space<vmem_shared>>
      tpu.enqueue_dma source(%dma_start3A_318 : memref<640xi32, #tpu.memory_space<vmem_shared>>) target(%arg10 : memref<640xi32, #tpu.memory_space<vmem>>) target_semaphore(%run_scoped3A_315 : memref<!tpu.dma_semaphore, #tpu.memory_space<semaphore_mem>>)
      %dma_wait3A = tpu.memref_slice %arg13[%run_scoped3A_283, %mul3A_41] : memref<16x10240xi32, #tpu.memory_space<vmem_shared>> -> memref<1x640xi32, #tpu.memory_space<vmem_shared>>
      %dma_wait3A_319 = tpu.memref_squeeze %dma_wait3A : memref<1x640xi32, #tpu.memory_space<vmem_shared>> -> memref<640xi32, #tpu.memory_space<vmem_shared>>
      %dma_wait3A_320 = tpu.memref_slice %arg13[%run_scoped3A_283, %mul3A_41] : memref<16x10240xi32, #tpu.memory_space<vmem_shared>> -> memref<1x640xi32, #tpu.memory_space<vmem_shared>>
      %dma_wait3A_321 = tpu.memref_squeeze %dma_wait3A_320 : memref<1x640xi32, #tpu.memory_space<vmem_shared>> -> memref<640xi32, #tpu.memory_space<vmem_shared>>
      tpu.wait_dma2 semaphore(%run_scoped3A_315 : memref<!tpu.dma_semaphore, #tpu.memory_space<semaphore_mem>>) src(%dma_wait3A_321 : memref<640xi32, #tpu.memory_space<vmem_shared>>) dst(%arg10 : memref<640xi32, #tpu.memory_space<vmem>>)
      tpu.yield
    }) : () -> ()
    %scan3A_284 = arith.constant 0 : i32
    %scan3A_285 = arith.constant 0 : i32
    %scan3A_286 = arith.constant 40 : i32
    %scan3A_287 = arith.addi %scan3A_285, %scan3A_286 : i32
    %scan3A_288 = arith.constant 1 : i32
    %scan3A_289 = scf.for %scan3A_315 = %scan3A_285 to %scan3A_287 step %scan3A_288 iter_args(%scan3A_316 = %scan3A_284) -> (i32)  : i32 {
      %mul3A_317 = arith.constant 16 : i32
      %mul3A_318 = arith.muli %scan3A_315, %mul3A_317 : i32
      %get3A_319 = arith.index_cast %mul3A_318 : i32 to index
      %get3A_320 = tpu.vector_load %arg11[%get3A_319] {strides = array<i32>} : memref<640xi32, #tpu.memory_space<vmem>>, vector<16xi32>,
      %mul3A_321 = arith.constant 16 : i32
      %mul3A_322 = arith.muli %scan3A_315, %mul3A_321 : i32
      %get3A_323 = arith.index_cast %mul3A_322 : i32 to index
      %get3A_324 = tpu.vector_load %arg10[%get3A_323] {strides = array<i32>} : memref<640xi32, #tpu.memory_space<vmem>>, vector<16xi32>,
      %add3A_325 = arith.addi %get3A_320, %get3A_324 : vector<16xi32>
      %mul3A_326 = arith.constant 16 : i32
      %mul3A_327 = arith.muli %scan3A_315, %mul3A_326 : i32
      %swap3A_328 = arith.index_cast %mul3A_327 : i32 to index
      %swap3A_329 = tpu.vector_load %arg11[%swap3A_328] {strides = array<i32>} : memref<640xi32, #tpu.memory_space<vmem>>, vector<16xi32>,
      tpu.vector_store %arg11[%swap3A_328], %add3A_325 {strides = array<i32>} : memref<640xi32, #tpu.memory_space<vmem>>, vector<16xi32>,
      %scan3A_330 = arith.constant 0 : i32
      scf.yield %scan3A_330 : i32
    }
    %scan3A_290 = arith.constant 40 : i32
    %run_scoped3A_291 = arith.constant 14 : i32
    "tpu.region"() ({
      %run_scoped3A_315 = tpu.sem_alloc : memref<!tpu.dma_semaphore, #tpu.memory_space<semaphore_mem>>
      %dma_start3A = tpu.memref_slice %arg14[%run_scoped3A_291, %mul3A_41] : memref<16x10240xi32, #tpu.memory_space<vmem_shared>> -> memref<1x640xi32, #tpu.memory_space<vmem_shared>>
      %dma_start3A_316 = tpu.memref_squeeze %dma_start3A : memref<1x640xi32, #tpu.memory_space<vmem_shared>> -> memref<640xi32, #tpu.memory_space<vmem_shared>>
      %dma_start3A_317 = tpu.memref_slice %arg14[%run_scoped3A_291, %mul3A_41] : memref<16x10240xi32, #tpu.memory_space<vmem_shared>> -> memref<1x640xi32, #tpu.memory_space<vmem_shared>>
      %dma_start3A_318 = tpu.memref_squeeze %dma_start3A_317 : memref<1x640xi32, #tpu.memory_space<vmem_shared>> -> memref<640xi32, #tpu.memory_space<vmem_shared>>
      tpu.enqueue_dma source(%dma_start3A_318 : memref<640xi32, #tpu.memory_space<vmem_shared>>) target(%arg10 : memref<640xi32, #tpu.memory_space<vmem>>) target_semaphore(%run_scoped3A_315 : memref<!tpu.dma_semaphore, #tpu.memory_space<semaphore_mem>>)
      %dma_wait3A = tpu.memref_slice %arg14[%run_scoped3A_291, %mul3A_41] : memref<16x10240xi32, #tpu.memory_space<vmem_shared>> -> memref<1x640xi32, #tpu.memory_space<vmem_shared>>
      %dma_wait3A_319 = tpu.memref_squeeze %dma_wait3A : memref<1x640xi32, #tpu.memory_space<vmem_shared>> -> memref<640xi32, #tpu.memory_space<vmem_shared>>
      %dma_wait3A_320 = tpu.memref_slice %arg14[%run_scoped3A_291, %mul3A_41] : memref<16x10240xi32, #tpu.memory_space<vmem_shared>> -> memref<1x640xi32, #tpu.memory_space<vmem_shared>>
      %dma_wait3A_321 = tpu.memref_squeeze %dma_wait3A_320 : memref<1x640xi32, #tpu.memory_space<vmem_shared>> -> memref<640xi32, #tpu.memory_space<vmem_shared>>
      tpu.wait_dma2 semaphore(%run_scoped3A_315 : memref<!tpu.dma_semaphore, #tpu.memory_space<semaphore_mem>>) src(%dma_wait3A_321 : memref<640xi32, #tpu.memory_space<vmem_shared>>) dst(%arg10 : memref<640xi32, #tpu.memory_space<vmem>>)
      tpu.yield
    }) : () -> ()
    %scan3A_292 = arith.constant 0 : i32
    %scan3A_293 = arith.constant 0 : i32
    %scan3A_294 = arith.constant 40 : i32
    %scan3A_295 = arith.addi %scan3A_293, %scan3A_294 : i32
    %scan3A_296 = arith.constant 1 : i32
    %scan3A_297 = scf.for %scan3A_315 = %scan3A_293 to %scan3A_295 step %scan3A_296 iter_args(%scan3A_316 = %scan3A_292) -> (i32)  : i32 {
      %mul3A_317 = arith.constant 16 : i32
      %mul3A_318 = arith.muli %scan3A_315, %mul3A_317 : i32
      %get3A_319 = arith.index_cast %mul3A_318 : i32 to index
      %get3A_320 = tpu.vector_load %arg12[%get3A_319] {strides = array<i32>} : memref<640xi32, #tpu.memory_space<vmem>>, vector<16xi32>,
      %mul3A_321 = arith.constant 16 : i32
      %mul3A_322 = arith.muli %scan3A_315, %mul3A_321 : i32
      %get3A_323 = arith.index_cast %mul3A_322 : i32 to index
      %get3A_324 = tpu.vector_load %arg10[%get3A_323] {strides = array<i32>} : memref<640xi32, #tpu.memory_space<vmem>>, vector<16xi32>,
      %add3A_325 = arith.addi %get3A_320, %get3A_324 : vector<16xi32>
      %mul3A_326 = arith.constant 16 : i32
      %mul3A_327 = arith.muli %scan3A_315, %mul3A_326 : i32
      %swap3A_328 = arith.index_cast %mul3A_327 : i32 to index
      %swap3A_329 = tpu.vector_load %arg12[%swap3A_328] {strides = array<i32>} : memref<640xi32, #tpu.memory_space<vmem>>, vector<16xi32>,
      tpu.vector_store %arg12[%swap3A_328], %add3A_325 {strides = array<i32>} : memref<640xi32, #tpu.memory_space<vmem>>, vector<16xi32>,
      %scan3A_330 = arith.constant 0 : i32
      scf.yield %scan3A_330 : i32
    }
    %scan3A_298 = arith.constant 40 : i32
    %run_scoped3A_299 = arith.constant 15 : i32
    "tpu.region"() ({
      %run_scoped3A_315 = tpu.sem_alloc : memref<!tpu.dma_semaphore, #tpu.memory_space<semaphore_mem>>
      %dma_start3A = tpu.memref_slice %arg13[%run_scoped3A_299, %mul3A_41] : memref<16x10240xi32, #tpu.memory_space<vmem_shared>> -> memref<1x640xi32, #tpu.memory_space<vmem_shared>>
      %dma_start3A_316 = tpu.memref_squeeze %dma_start3A : memref<1x640xi32, #tpu.memory_space<vmem_shared>> -> memref<640xi32, #tpu.memory_space<vmem_shared>>
      %dma_start3A_317 = tpu.memref_slice %arg13[%run_scoped3A_299, %mul3A_41] : memref<16x10240xi32, #tpu.memory_space<vmem_shared>> -> memref<1x640xi32, #tpu.memory_space<vmem_shared>>
      %dma_start3A_318 = tpu.memref_squeeze %dma_start3A_317 : memref<1x640xi32, #tpu.memory_space<vmem_shared>> -> memref<640xi32, #tpu.memory_space<vmem_shared>>
      tpu.enqueue_dma source(%dma_start3A_318 : memref<640xi32, #tpu.memory_space<vmem_shared>>) target(%arg10 : memref<640xi32, #tpu.memory_space<vmem>>) target_semaphore(%run_scoped3A_315 : memref<!tpu.dma_semaphore, #tpu.memory_space<semaphore_mem>>)
      %dma_wait3A = tpu.memref_slice %arg13[%run_scoped3A_299, %mul3A_41] : memref<16x10240xi32, #tpu.memory_space<vmem_shared>> -> memref<1x640xi32, #tpu.memory_space<vmem_shared>>
      %dma_wait3A_319 = tpu.memref_squeeze %dma_wait3A : memref<1x640xi32, #tpu.memory_space<vmem_shared>> -> memref<640xi32, #tpu.memory_space<vmem_shared>>
      %dma_wait3A_320 = tpu.memref_slice %arg13[%run_scoped3A_299, %mul3A_41] : memref<16x10240xi32, #tpu.memory_space<vmem_shared>> -> memref<1x640xi32, #tpu.memory_space<vmem_shared>>
      %dma_wait3A_321 = tpu.memref_squeeze %dma_wait3A_320 : memref<1x640xi32, #tpu.memory_space<vmem_shared>> -> memref<640xi32, #tpu.memory_space<vmem_shared>>
      tpu.wait_dma2 semaphore(%run_scoped3A_315 : memref<!tpu.dma_semaphore, #tpu.memory_space<semaphore_mem>>) src(%dma_wait3A_321 : memref<640xi32, #tpu.memory_space<vmem_shared>>) dst(%arg10 : memref<640xi32, #tpu.memory_space<vmem>>)
      tpu.yield
    }) : () -> ()
    %scan3A_300 = arith.constant 0 : i32
    %scan3A_301 = arith.constant 0 : i32
    %scan3A_302 = arith.constant 40 : i32
    %scan3A_303 = arith.addi %scan3A_301, %scan3A_302 : i32
    %scan3A_304 = arith.constant 1 : i32
    %scan3A_305 = scf.for %scan3A_315 = %scan3A_301 to %scan3A_303 step %scan3A_304 iter_args(%scan3A_316 = %scan3A_300) -> (i32)  : i32 {
      %mul3A_317 = arith.constant 16 : i32
      %mul3A_318 = arith.muli %scan3A_315, %mul3A_317 : i32
      %get3A_319 = arith.index_cast %mul3A_318 : i32 to index
      %get3A_320 = tpu.vector_load %arg11[%get3A_319] {strides = array<i32>} : memref<640xi32, #tpu.memory_space<vmem>>, vector<16xi32>,
      %mul3A_321 = arith.constant 16 : i32
      %mul3A_322 = arith.muli %scan3A_315, %mul3A_321 : i32
      %get3A_323 = arith.index_cast %mul3A_322 : i32 to index
      %get3A_324 = tpu.vector_load %arg10[%get3A_323] {strides = array<i32>} : memref<640xi32, #tpu.memory_space<vmem>>, vector<16xi32>,
      %add3A_325 = arith.addi %get3A_320, %get3A_324 : vector<16xi32>
      %mul3A_326 = arith.constant 16 : i32
      %mul3A_327 = arith.muli %scan3A_315, %mul3A_326 : i32
      %swap3A_328 = arith.index_cast %mul3A_327 : i32 to index
      %swap3A_329 = tpu.vector_load %arg11[%swap3A_328] {strides = array<i32>} : memref<640xi32, #tpu.memory_space<vmem>>, vector<16xi32>,
      tpu.vector_store %arg11[%swap3A_328], %add3A_325 {strides = array<i32>} : memref<640xi32, #tpu.memory_space<vmem>>, vector<16xi32>,
      %scan3A_330 = arith.constant 0 : i32
      scf.yield %scan3A_330 : i32
    }
    %scan3A_306 = arith.constant 40 : i32
    %run_scoped3A_307 = arith.constant 15 : i32
    "tpu.region"() ({
      %run_scoped3A_315 = tpu.sem_alloc : memref<!tpu.dma_semaphore, #tpu.memory_space<semaphore_mem>>
      %dma_start3A = tpu.memref_slice %arg14[%run_scoped3A_307, %mul3A_41] : memref<16x10240xi32, #tpu.memory_space<vmem_shared>> -> memref<1x640xi32, #tpu.memory_space<vmem_shared>>
      %dma_start3A_316 = tpu.memref_squeeze %dma_start3A : memref<1x640xi32, #tpu.memory_space<vmem_shared>> -> memref<640xi32, #tpu.memory_space<vmem_shared>>
      %dma_start3A_317 = tpu.memref_slice %arg14[%run_scoped3A_307, %mul3A_41] : memref<16x10240xi32, #tpu.memory_space<vmem_shared>> -> memref<1x640xi32, #tpu.memory_space<vmem_shared>>
      %dma_start3A_318 = tpu.memref_squeeze %dma_start3A_317 : memref<1x640xi32, #tpu.memory_space<vmem_shared>> -> memref<640xi32, #tpu.memory_space<vmem_shared>>
      tpu.enqueue_dma source(%dma_start3A_318 : memref<640xi32, #tpu.memory_space<vmem_shared>>) target(%arg10 : memref<640xi32, #tpu.memory_space<vmem>>) target_semaphore(%run_scoped3A_315 : memref<!tpu.dma_semaphore, #tpu.memory_space<semaphore_mem>>)
      %dma_wait3A = tpu.memref_slice %arg14[%run_scoped3A_307, %mul3A_41] : memref<16x10240xi32, #tpu.memory_space<vmem_shared>> -> memref<1x640xi32, #tpu.memory_space<vmem_shared>>
      %dma_wait3A_319 = tpu.memref_squeeze %dma_wait3A : memref<1x640xi32, #tpu.memory_space<vmem_shared>> -> memref<640xi32, #tpu.memory_space<vmem_shared>>
      %dma_wait3A_320 = tpu.memref_slice %arg14[%run_scoped3A_307, %mul3A_41] : memref<16x10240xi32, #tpu.memory_space<vmem_shared>> -> memref<1x640xi32, #tpu.memory_space<vmem_shared>>
      %dma_wait3A_321 = tpu.memref_squeeze %dma_wait3A_320 : memref<1x640xi32, #tpu.memory_space<vmem_shared>> -> memref<640xi32, #tpu.memory_space<vmem_shared>>
      tpu.wait_dma2 semaphore(%run_scoped3A_315 : memref<!tpu.dma_semaphore, #tpu.memory_space<semaphore_mem>>) src(%dma_wait3A_321 : memref<640xi32, #tpu.memory_space<vmem_shared>>) dst(%arg10 : memref<640xi32, #tpu.memory_space<vmem>>)
      tpu.yield
    }) : () -> ()
    %scan3A_308 = arith.constant 0 : i32
    %scan3A_309 = arith.constant 0 : i32
    %scan3A_310 = arith.constant 40 : i32
    %scan3A_311 = arith.addi %scan3A_309, %scan3A_310 : i32
    %scan3A_312 = arith.constant 1 : i32
    %scan3A_313 = scf.for %scan3A_315 = %scan3A_309 to %scan3A_311 step %scan3A_312 iter_args(%scan3A_316 = %scan3A_308) -> (i32)  : i32 {
      %mul3A_317 = arith.constant 16 : i32
      %mul3A_318 = arith.muli %scan3A_315, %mul3A_317 : i32
      %get3A_319 = arith.index_cast %mul3A_318 : i32 to index
      %get3A_320 = tpu.vector_load %arg12[%get3A_319] {strides = array<i32>} : memref<640xi32, #tpu.memory_space<vmem>>, vector<16xi32>,
      %mul3A_321 = arith.constant 16 : i32
      %mul3A_322 = arith.muli %scan3A_315, %mul3A_321 : i32
      %get3A_323 = arith.index_cast %mul3A_322 : i32 to index
      %get3A_324 = tpu.vector_load %arg10[%get3A_323] {strides = array<i32>} : memref<640xi32, #tpu.memory_space<vmem>>, vector<16xi32>,
      %add3A_325 = arith.addi %get3A_320, %get3A_324 : vector<16xi32>
      %mul3A_326 = arith.constant 16 : i32
      %mul3A_327 = arith.muli %scan3A_315, %mul3A_326 : i32
      %swap3A_328 = arith.index_cast %mul3A_327 : i32 to index
      %swap3A_329 = tpu.vector_load %arg12[%swap3A_328] {strides = array<i32>} : memref<640xi32, #tpu.memory_space<vmem>>, vector<16xi32>,
      tpu.vector_store %arg12[%swap3A_328], %add3A_325 {strides = array<i32>} : memref<640xi32, #tpu.memory_space<vmem>>, vector<16xi32>,
      %scan3A_330 = arith.constant 0 : i32
      scf.yield %scan3A_330 : i32
    }
    %scan3A_314 = arith.constant 40 : i32
    "tpu.region"() ({
      %run_scoped3A_315 = tpu.sem_alloc : memref<!tpu.dma_semaphore, #tpu.memory_space<semaphore_mem>>
      %dma_start3A = tpu.memref_slice %arg4[%arg0, %mul3A_41] : memref<2x10240xi32, #tpu.memory_space<hbm>> -> memref<1x640xi32, #tpu.memory_space<hbm>>
      %dma_start3A_316 = tpu.memref_squeeze %dma_start3A : memref<1x640xi32, #tpu.memory_space<hbm>> -> memref<640xi32, #tpu.memory_space<hbm>>
      %dma_start3A_317 = tpu.memref_slice %arg4[%arg0, %mul3A_41] : memref<2x10240xi32, #tpu.memory_space<hbm>> -> memref<1x640xi32, #tpu.memory_space<hbm>>
      %dma_start3A_318 = tpu.memref_squeeze %dma_start3A_317 : memref<1x640xi32, #tpu.memory_space<hbm>> -> memref<640xi32, #tpu.memory_space<hbm>>
      tpu.enqueue_dma source(%arg11 : memref<640xi32, #tpu.memory_space<vmem>>) target(%dma_start3A_318 : memref<640xi32, #tpu.memory_space<hbm>>) target_semaphore(%run_scoped3A_315 : memref<!tpu.dma_semaphore, #tpu.memory_space<semaphore_mem>>)
      %dma_wait3A = tpu.memref_slice %arg4[%arg0, %mul3A_41] : memref<2x10240xi32, #tpu.memory_space<hbm>> -> memref<1x640xi32, #tpu.memory_space<hbm>>
      %dma_wait3A_319 = tpu.memref_squeeze %dma_wait3A : memref<1x640xi32, #tpu.memory_space<hbm>> -> memref<640xi32, #tpu.memory_space<hbm>>
      %dma_wait3A_320 = tpu.memref_slice %arg4[%arg0, %mul3A_41] : memref<2x10240xi32, #tpu.memory_space<hbm>> -> memref<1x640xi32, #tpu.memory_space<hbm>>
      %dma_wait3A_321 = tpu.memref_squeeze %dma_wait3A_320 : memref<1x640xi32, #tpu.memory_space<hbm>> -> memref<640xi32, #tpu.memory_space<hbm>>
      tpu.wait_dma2 semaphore(%run_scoped3A_315 : memref<!tpu.dma_semaphore, #tpu.memory_space<semaphore_mem>>) src(%arg11 : memref<640xi32, #tpu.memory_space<vmem>>) dst(%dma_wait3A_321 : memref<640xi32, #tpu.memory_space<hbm>>)
      tpu.yield
    }) : () -> ()
    "tpu.region"() ({
      %run_scoped3A_315 = tpu.sem_alloc : memref<!tpu.dma_semaphore, #tpu.memory_space<semaphore_mem>>
      %dma_start3A = tpu.memref_slice %arg5[%arg0, %mul3A_41] : memref<2x10240xi32, #tpu.memory_space<hbm>> -> memref<1x640xi32, #tpu.memory_space<hbm>>
      %dma_start3A_316 = tpu.memref_squeeze %dma_start3A : memref<1x640xi32, #tpu.memory_space<hbm>> -> memref<640xi32, #tpu.memory_space<hbm>>
      %dma_start3A_317 = tpu.memref_slice %arg5[%arg0, %mul3A_41] : memref<2x10240xi32, #tpu.memory_space<hbm>> -> memref<1x640xi32, #tpu.memory_space<hbm>>
      %dma_start3A_318 = tpu.memref_squeeze %dma_start3A_317 : memref<1x640xi32, #tpu.memory_space<hbm>> -> memref<640xi32, #tpu.memory_space<hbm>>
      tpu.enqueue_dma source(%arg12 : memref<640xi32, #tpu.memory_space<vmem>>) target(%dma_start3A_318 : memref<640xi32, #tpu.memory_space<hbm>>) target_semaphore(%run_scoped3A_315 : memref<!tpu.dma_semaphore, #tpu.memory_space<semaphore_mem>>)
      %dma_wait3A = tpu.memref_slice %arg5[%arg0, %mul3A_41] : memref<2x10240xi32, #tpu.memory_space<hbm>> -> memref<1x640xi32, #tpu.memory_space<hbm>>
      %dma_wait3A_319 = tpu.memref_squeeze %dma_wait3A : memref<1x640xi32, #tpu.memory_space<hbm>> -> memref<640xi32, #tpu.memory_space<hbm>>
      %dma_wait3A_320 = tpu.memref_slice %arg5[%arg0, %mul3A_41] : memref<2x10240xi32, #tpu.memory_space<hbm>> -> memref<1x640xi32, #tpu.memory_space<hbm>>
      %dma_wait3A_321 = tpu.memref_squeeze %dma_wait3A_320 : memref<1x640xi32, #tpu.memory_space<hbm>> -> memref<640xi32, #tpu.memory_space<hbm>>
      tpu.wait_dma2 semaphore(%run_scoped3A_315 : memref<!tpu.dma_semaphore, #tpu.memory_space<semaphore_mem>>) src(%arg12 : memref<640xi32, #tpu.memory_space<vmem>>) dst(%dma_wait3A_321 : memref<640xi32, #tpu.memory_space<hbm>>)
      tpu.yield
    }) : () -> ()
    return
  }
}

</mosaic_0001>

<sc_bundles>
// kernel: _deg_call.3.cloned.1.call-start
scs
__scs_entry_jumppad:
0x0: {  	(pc) =	sbr.rel $0x88, $3  }
0x1: {  	(tag) =	ssettag $0x0;
	lr =	simm.s32 $0x1  }
0x2: {  	[smem:$0x3F9F] =	sst lr;
	_ =	strace $0xD0000000  }
0x3: {  	_ = 	snop  }
0x4: {  	_ = 	snop  }
0x5: {  	_ = 	snop  }
0x6: {  	_ = 	snop  }
0x7: {  	_ = 	snop  }
__scs_overlays_trampoline_lowered:
0x8: {  	[smem:$0x3FAE] =	sst s0  }
0x9: {  	[smem:$0x3FAF] =	sst s1  }
0xa: {  	[smem:$0x3FB0] =	sst s2  }
0xb: {  	[smem:$0x3FB1] =	sst s3  }
0xc: {  	[smem:$0x3FB2] =	sst s4  }
0xd: {  	[smem:$0x3FB3] =	sst s5  }
0xe: {  	[smem:$0x3FB4] =	sst s6  }
0xf: {  	[smem:$0x3FB5] =	sst s7  }
0x10: {  	[smem:$0x3FB6] =	sst s8  }
0x11: {  	[smem:$0x3FB7] =	sst s9;
	s0 =	simm.s32 @!p0 $0x0  }
0x12: {  	s1 =	sld [smem:$0x3F9D];
	s0 =	simm.s32 @p0 $0x1  }
0x13: {  	[smem:$0x3FB8] =	sst s0;
	s0 =	simm.s32 @!p1 $0x0  }
0x14: {  	s2 =	sld [smem:$0x3F9C];
	s0 =	simm.s32 @p1 $0x1  }
0x15: {  	[smem:$0x3FB9] =	sst s0;
	s0 =	simm.s32 @!p2 $0x0  }
0x16: {  	s3 =	sld [smem:$0x3FDB];
	s0 =	simm.s32 @p2 $0x1  }
0x17: {  	s4 =	simm.s32 $0x1BF5;
	[smem:$0x3FBB] =	sst s0  }
0x18: {  	s0 =	sld [smem:$0x3F9E];
	_ =	swait.ge [sflag:s4], $0x0  }
0x19: {  	s7 =	sld [smem:$0x3F9F]  }
0x1a: {  	s8 =	sadd.s32 $0xFFFFE003, lr  }
0x1b: {  	s9 =	sadd.s32 $0xFFFFFEF7, lr;
	s5 =	simm.s32 $0xFFFFFFFF;
	p2 =	slt.u32 s8, $0xFFFFF086  }
0x1c: {  	p1 =	slt.u32 s9, $0xF7A;
	s5 =	simm.s32 @!p2 $0x0  }
0x1d: {  	s5 =	simm.s32 @p1 $0x1;
	p0 =	seq.s32 s7, s2  }
0x1e: {  	s7 =	smul.u32 @!p0 $0xF7A, s2;
	p2 =	seq.s32 @!p0 s5, $0x0  }
0x1f: {  	s9 =	smul.u32 $0xF7A, s1;
	s8 =	simm.s32 @!p0 $0x1BF5;
	p2 =	por !p2, p0  }
0x20: {  	[sflag:s8] =	ssyncset.s32 @!p0 $0xFFFFF086;
	s6 =	sadd.s32 @!p0 s3, s7;
	s7 =	simm.s32 @!p0 $0x108  }
0x21: {  	s3 =	sadd.s32 s3, s9;
	s6 =	sadd.s32 @!p0 $0x88, s6;
	s7 =	simm.s32 @p2 $0x1082  }
0x22: {  	[simem:s7], [sflag:s8] =	dma.local @!p0 [hbm:s6], $0xF7A  }
0x23: {  	s9 =	sor.u32 $0xD0000000, s2;
	s6 =	simm.s32 $0x108;
	_ =	swait.ge @!p0 [sflag:s8], $0x0  }
0x24: {  	s3 =	sadd.s32 $0x88, s3;
	s6 =	simm.s32 @!p1 $0x1082;
	[sflag:s4] =	ssyncset.s32 $0xFFFFF086  }
0x25: {  	[simem:s6], [sflag:s4] =	dma.local [hbm:s3], $0xF7A  }
0x26: {  	[smem:$0x3F9F] =	sst s1;
	(tag) =	ssettag s2;
	_ =	strace s9  }
0x27: {  	s1 =	sld [smem:$0x3FAF]  }
0x28: {  	s2 =	sld [smem:$0x3FB0]  }
0x29: {  	s4 =	sld [smem:$0x3FB2]  }
0x2a: {  	p0 =	seq.s32 s5, $0x0;
	s5 =	sld [smem:$0x3FB3]  }
0x2b: {  	s6 =	sld [smem:$0x3FB4]  }
0x2c: {  	s7 =	sld [smem:$0x3FB5]  }
0x2d: {  	s3 =	simm.s32 $0x108;
	s8 =	sld [smem:$0x3FB6]  }
0x2e: {  	s3 =	simm.s32 @!p0 $0x1082;
	s9 =	sld [smem:$0x3FB7]  }
0x2f: {  	lr =	sadd.s32 s0, s3;
	s0 =	sld [smem:$0x3FAE]  }
0x30: {  	s3 =	sld [smem:$0x3FB1]  }
0x31: {  	[smem:$0x3FBA] =	sst s10  }
0x32: {  	s10 =	sld [smem:$0x3FB8];
	_ =	sdelay $0x3  }
0x33: {  	p0 =	seq.s32 s10, $0x1;
	s10 =	sld [smem:$0x3FBA];
	_ =	sdelay $0x3  }
0x34: {  	[smem:$0x3FBA] =	sst s10  }
0x35: {  	s10 =	sld [smem:$0x3FB9];
	_ =	sdelay $0x3  }
0x36: {  	p1 =	seq.s32 s10, $0x1;
	s10 =	sld [smem:$0x3FBA];
	_ =	sdelay $0x3  }
0x37: {  	[smem:$0x3FBA] =	sst s10  }
0x38: {  	s10 =	sld [smem:$0x3FBB]  }
0x39: {  	_ = 	snop;
	(pc) =	sbr.ind lr, $3  }
0x3a: {  	_ = 	snop  }
0x3b: {  	_ = 	snop  }
0x3c: {  	p2 =	seq.s32 s10, $0x1;
	s10 =	sld [smem:$0x3FBA]  }
0x3d: {  	_ =	shalt  }
0x3e: {  	_ =	shalt  }
0x3f: {  	_ =	shalt  }
0x40: {  	_ =	shalt  }
0x41: {  	_ =	shalt  }
0x42: {  	_ =	shalt  }
0x43: {  	_ =	shalt  }
0x44: {  	_ =	shalt  }
0x45: {  	_ =	shalt  }
0x46: {  	_ =	shalt  }
0x47: {  	_ =	shalt  }
0x48: {  	_ =	shalt  }
0x49: {  	_ =	shalt  }
0x4a: {  	_ =	shalt  }
0x4b: {  	_ =	shalt  }
0x4c: {  	_ =	shalt  }
0x4d: {  	_ =	shalt  }
0x4e: {  	_ =	shalt  }
0x4f: {  	_ =	shalt  }
0x50: {  	_ =	shalt  }
0x51: {  	_ =	shalt  }
0x52: {  	_ =	shalt  }
0x53: {  	_ =	shalt  }
0x54: {  	_ =	shalt  }
0x55: {  	_ =	shalt  }
0x56: {  	_ =	shalt  }
0x57: {  	_ =	shalt  }
0x58: {  	_ =	shalt  }
0x59: {  	_ =	shalt  }
0x5a: {  	_ =	shalt  }
0x5b: {  	_ =	shalt  }
0x5c: {  	_ =	shalt  }
0x5d: {  	_ =	shalt  }
0x5e: {  	_ =	shalt  }
0x5f: {  	_ =	shalt  }
0x60: {  	_ =	shalt  }
0x61: {  	_ =	shalt  }
0x62: {  	_ =	shalt  }
0x63: {  	_ =	shalt  }
0x64: {  	_ =	shalt  }
0x65: {  	_ =	shalt  }
0x66: {  	_ =	shalt  }
0x67: {  	_ =	shalt  }
0x68: {  	_ =	shalt  }
0x69: {  	_ =	shalt  }
0x6a: {  	_ =	shalt  }
0x6b: {  	_ =	shalt  }
0x6c: {  	_ =	shalt  }
0x6d: {  	_ =	shalt  }
0x6e: {  	_ =	shalt  }
0x6f: {  	_ =	shalt  }
0x70: {  	_ =	shalt  }
0x71: {  	_ =	shalt  }
0x72: {  	_ =	shalt  }
0x73: {  	_ =	shalt  }
0x74: {  	_ =	shalt  }
0x75: {  	_ =	shalt  }
0x76: {  	_ =	shalt  }
0x77: {  	_ =	shalt  }
0x78: {  	_ =	shalt  }
0x79: {  	_ =	shalt  }
0x7a: {  	_ =	shalt  }
0x7b: {  	_ =	shalt  }
0x7c: {  	_ =	shalt  }
0x7d: {  	_ =	shalt  }
0x7e: {  	_ =	shalt  }
0x7f: {  	_ =	shalt  }
0x80: {  	_ =	shalt  }
0x81: {  	_ =	shalt  }
0x82: {  	_ =	shalt  }
0x83: {  	_ =	shalt  }
0x84: {  	_ =	shalt  }
0x85: {  	_ =	shalt  }
0x86: {  	_ =	shalt  }
0x87: {  	_ =	shalt  }
.Lfunc_end0:
.L_simem_size_0:
called_computation_lowered:
.L_overlay_start_0:
0x88: {  	s2 =	sld [smem:$0x3FD9]  }
0x89: {  	s3 =	sld [smem:$0x3FFE];
	_ =	sdelay $0x1  }
0x8a: {  	s1 =	srdreg.scid  }
0x8b: {  	s0 =	sand.u32 $0x1, s1  }
0x8c: {  	s15 =	sshll.u32 s0, $0xA;
	s2 =	sadd.s32 s3, s2  }
0x8d: {  	s2 =	sadd.s32 s2, s15  }
0x8e: {  	[smem:$0x3FC6] =	sst s2  }
0x8f: {  	_ = 	snop  }
0x90: {  	s2 =	sld [smem:$0x3FD0];
	_ =	sdelay $0x1  }
0x91: {  	s16 =	sld [smem:$0x3FC9]  }
0x92: {  	s5 =	simm.s32 $0xA;
	s6 =	simm.s32 $0x10;
	s4 =	sld [smem:$0x3FC8]  }
0x93: {  	[smem:s6], [sflag:s5] =	dma.local [hbm:s2], $0x1  }
0x94: {  	_ =	swait.eq [sflag:s5], $0x1  }
0x95: {  	[sflag:s5] =	ssyncset.done $0x0  }
0x96: {  	s17 =	sld [smem:$0x10];
	[sflag:s5] =	ssyncadd.s32 $0xFFFFFFFF  }
0x97: {  	s18 =	sld [smem:$0x11];
	(tm) =	ssettm $0x1  }
0x98: {  	s19 =	sld [smem:$0x3FFB];
	_ =	sdelay $0x3  }
0x99: {  	_ =	strace s19  }
0x9a: {  	s6 =	sld [smem:$0x3FFC];
	_ =	sdelay $0x3  }
0x9b: {  	_ =	strace s6  }
0x9c: {  	s6 =	sld [smem:$0x3FFD];
	_ =	sdelay $0x3  }
0x9d: {  	_ =	strace s6  }
0x9e: {  	_ =	strace $0x8FFFFFFF  }
0x9f: {  	s20 =	sld [smem:$0x3FDB];
	_ =	sdelay $0x1  }
0xa0: {  	s7 =	simm.s32 $_scs_section_size  }
0xa1: {  	s8 =	simm.s32 $_size__tile_overlayer_lowered;
	s9 =	simm.s32 $_tile_overlayer_lowered  }
0xa2: {  	s23 =	simm.s32 $0x1BFF;
	s22 =	sshll.u32 s9, $0x1;
	s6 =	sadd.s32 s7, s20  }
0xa3: {  	s10 =	simm.s32 $0x0;
	s21 =	sshll.u32 s8, $0x1;
	s8 =	sadd.s32 s22, s6  }
0xa4: {  	[timem:s10], [sflag:s23] =	dma.local [hbm:s8], s21  }
0xa5: {  	_ =	swait.ge [sflag:s23], s21  }
0xa6: {  	s7 =	ssub.s32 $0x0, s21;
	[sflag:s23] =	ssyncset.done $0x0  }
0xa7: {  	[sflag:s23] =	ssyncadd.s32 s7;
	_ =	sdelay $0x1  }
0xa8: {  	s24 =	simm.s32 $0x1B8B  }
0xa9: {  	_ =	swait.ge [sflag:s24], $0x1  }
0xaa: {  	[sflag:s24] =	ssyncset.done $0x0  }
0xab: {  	s25 =	simm.s32 $0x1B8E;
	[sflag:s24] =	ssyncadd.s32 $0xFFFFFFFF  }
0xac: {  	s26 =	simm.s32 $execute0_lowered;
	[smem:$0x3FD2] =	sst s25  }
0xad: {  	s7 =	sshll.u32 s26, $0x1;
	_ =	strace $0x80000046;
	[dreg:$0x1] =	wrdreg $0xFFFFFFFF  }
0xae: {  	s28 =	simm.s32 $_size_execute0_lowered;
	s6 =	sadd.s32 s6, s7;
	[dreg:$0x0] =	wrdreg $0x0  }
0xaf: {  	s7 =	sshll.u32 s28, $0x1;
	[dreg:$0x2] =	wrdreg s6  }
0xb0: {  	[dreg:$0x3] =	wrdreg s7  }
0xb1: {  	[dreg:$0x4] =	wrdreg $0xC0  }
0xb2: {  	_ =	task [dreg:s10], $0x5FFFF  }
0xb3: {  	[dreg:$0x1] =	wrdreg $0xFFFFFFFF  }
0xb4: {  	[dreg:$0x0] =	wrdreg $0x60  }
0xb5: {  	[dreg:$0x2] =	wrdreg s16  }
0xb6: {  	[dreg:$0x3] =	wrdreg s4  }
0xb7: {  	[dreg:$0x4] =	wrdreg s17  }
0xb8: {  	[dreg:$0x5] =	wrdreg s18  }
0xb9: {  	[dreg:$0x6] =	wrdreg $0x7F800  }
0xba: {  	[dreg:$0x7] =	wrdreg $0xA7800  }
0xbb: {  	[dreg:$0x8] =	wrdreg $0x9  }
0xbc: {  	_ =	task.clear_ibuf [dreg:s10], $0x9FFFF;
	_ =	strace $0x90000046  }
0xbd: {  	s29 =	simm.s32 $0x9;
	_ =	strace $0x80000048  }
0xbe: {  	_ =	swait.ge [sflag:s29], $0x1  }
0xbf: {  	[sflag:s29] =	ssyncadd.s32 $0xFFFFFFFF  }
0xc0: {  	_ =	strace $0x90000048  }
0xc1: {  	_ =	sfence  }
0xc2: {  	s30 =	sld [smem:$0x0];
	_ =	sdelay $0x2  }
0xc3: {  	s31 =	sshll.u32 s1, $0xD;
	s1 =	sshrl.u32 s1, $0x2  }
0xc4: {  	s3 =	sand.u32 $0x4000, s31;
	s1 =	sadd.s32 s1, s30  }
0xc5: {  	s0 =	sor.u32 s3, s0;
	s1 =	sshll.u32 s1, $0x11  }
0xc6: {  	s0 =	sor.u32 s1, s0  }
0xc7: {  	s0 =	sadd.s32 $0x8F2B, s0  }
0xc8: {  	[sflag:s0] =	ssyncadd.remote.s32 $0x1  }
0xc9: {  	_ =	sfence.sel $0xFFFF  }
0xca: {  	[dreg:$0x0] =	wrdreg $0xFFFFFFFF;
	(pc) =	sbr.abs _section_cstart, $3  }
0xcb: {  	[dreg:$0x1] =	wrdreg $0xFFFFFFFF  }
0xcc: {  	_ =	task.clear_ibuf [dreg:s10], $0x2FFFF;
	_ =	strace $0x9FFFFFFF  }
0xcd: {  	(tm) =	ssettm $0x7FFFFFFF  }
tec
execute0_lowered:
.L_overlay_start_1:
0x0: {  	(tag) =	ssettag $0x1  }
0x1: {  	s0 =	rddreg [dreg:$0x0]  }
0x2: {  	s2 =	rddreg [dreg:$0x1]  }
0x3: {  	s1 =	srdreg.scid;
	s5 =	rddreg [dreg:$0x4]  }
0x4: {  	s11 =	stileid.u32;
	s6 =	rddreg [dreg:$0x5];
	s4 =	simm.s32 $0x0  }
0x5: {  	s1 =	sand.u32 $0x1, s1;
	[smem:$0x7FF] =	sst s4;
	s10 =	smul.u32 $0x1400, s11  }
0x6: {  	s21 =	sshrl.u32 s11, $0x3;
	s8 =	sshll.u32 s11, $0x7;
	s17 =	smul.u32 $0x500, s11  }
0x7: {  	s3 =	sshll.u32 s1, $0x4;
	s7 =	ssub.s32 $0x2, s1;
	s4 =	smul.u32 $0x14000, s21  }
0x8: {  	s8 =	sand.u32 $0x380, s8;
	s1 =	sshll.u32 s1, $0x7;
	s3 =	sor.u32 s11, s3  }
0x9: {  	s9 =	sshrl.u32 s7, $0x1;
	s24 =	sor.u32 $0x80, s10;
	s26 =	sor.u32 $0x100, s10  }
0xa: {  	s13 =	sor.u32 $0x280, s10;
	s15 =	sor.u32 $0x300, s10;
	s18 =	sor.u32 $0x380, s10  }
0xb: {  	s20 =	sor.u32 s1, s17;
	s11 =	sadd.s32 $0x14080, s10;
	s1 =	sadd.s32 s10, s5  }
0xc: {  	s17 =	sadd.s32 $0x14380, s10;
	s3 =	smul.u32 $0x271, s3;
	s9 =	ssub.s32 s7, s9  }
0xd: {  	s22 =	sor.u32 s8, s4;
	s25 =	sadd.s32 s24, s5;
	s4 =	sor.u32 $0x180, s10  }
0xe: {  	s8 =	sor.u32 $0x200, s10;
	s14 =	sadd.s32 s13, s5;
	[dreg:$0xb] =	wrdreg s25  }
0xf: {  	s16 =	sadd.s32 s15, s5;
	s19 =	sadd.s32 s18, s5;
	[dreg:$0x13] =	wrdreg s14  }
0x10: {  	s20 =	sshrl.u32 s20, $0x3;
	s23 =	sadd.s32 s22, s5;
	[dreg:$0x15] =	wrdreg s16  }
0x11: {  	s7 =	sadd.s32 s4, s5;
	s12 =	sadd.s32 s8, s5;
	[dreg:$0x17] =	wrdreg s19  }
0x12: {  	s14 =	sadd.s32 $0x14200, s10;
	s16 =	sadd.s32 $0x14300, s10;
	s19 =	rddreg [dreg:$0x3]  }
0x13: {  	s9 =	smax.u32 s9, $0x1;
	s0 =	sadd.s32 s0, s3;
	[dreg:$0x9] =	wrdreg s23  }
0x14: {  	s2 =	sadd.s32 s2, s3;
	s3 =	sadd.s32 s26, s5;
	[dreg:$0xf] =	wrdreg s7  }
0x15: {  	[dreg:$0x11] =	wrdreg s12;
	s12 =	sadd.s32 $0x14100, s10;
	s23 =	sadd.s32 s11, s6  }
0x16: {  	s29 =	sadd.s32 s14, s5;
	s30 =	sadd.s32 s14, s6;
	[dreg:$0x7] =	wrdreg s0  }
0x17: {  	s14 =	simm.s32 $0x400;
	[dreg:$0x8] =	wrdreg s2;
	s0 =	sadd.s32 s22, s6  }
0x18: {  	s2 =	sadd.s32 s24, s6;
	[dreg:$0xd] =	wrdreg s3;
	s22 =	sadd.s32 s11, s5  }
0x19: {  	s24 =	sadd.s32 s12, s5;
	s25 =	sadd.s32 s12, s6;
	[dreg:$0xa] =	wrdreg s0  }
0x1a: {  	s3 =	sadd.s32 s16, s5;
	[dreg:$0xc] =	wrdreg s2;
	s0 =	sadd.s32 s26, s6  }
0x1b: {  	s11 =	simm.s32 $0x2800;
	s2 =	sadd.s32 s4, s6;
	[dreg:$0xe] =	wrdreg s0  }
0x1c: {  	s12 =	simm.s32 $0x5000;
	s4 =	sadd.s32 $0x14000, s10;
	[dreg:$0x10] =	wrdreg s2  }
0x1d: {  	s0 =	sadd.s32 s8, s6;
	s2 =	sadd.s32 s13, s6;
	s8 =	sadd.s32 s4, s5  }
0x1e: {  	s21 =	sadd.s32 s4, s6;
	s13 =	sadd.s32 $0x14180, s10;
	[dreg:$0x12] =	wrdreg s0  }
0x1f: {  	s4 =	sadd.s32 s16, s6;
	s16 =	simm.s32 $0x100;
	[dreg:$0x14] =	wrdreg s2  }
0x20: {  	s0 =	sadd.s32 s15, s6;
	[dreg:$0x19] =	wrdreg s8;
	s26 =	sadd.s32 s13, s5  }
0x21: {  	s28 =	sadd.s32 s13, s6;
	s15 =	sadd.s32 $0x14280, s10;
	s2 =	sadd.s32 s10, s6  }
0x22: {  	s8 =	sadd.s32 s19, s20;
	s10 =	simm.s32 $0x1;
	[dreg:$0x16] =	wrdreg s0  }
0x23: {  	s13 =	simm.s32 $0x80;
	s0 =	sadd.s32 s18, s6;
	s18 =	rddreg [dreg:$0x2]  }
0x24: {  	s31 =	sadd.s32 s15, s5;
	s5 =	sadd.s32 s17, s5;
	[dreg:$0x18] =	wrdreg s0  }
0x25: {  	s0 =	sadd.s32 s15, s6;
	s6 =	sadd.s32 s17, s6;
	s7 =	sadd.s32 s18, s20  }
0x26: {  	v0 =	vimm.s32 $0x0;
	v1 =	vimm.s32 $0x1;
	s15 =	simm.s32 $0x7800;
	s17 =	simm.s32 $0x0;
	_ =	strace $0x80000047  }
.LBB2_1:
0x27: {  	s18 =	simm.s32 $0x0;
	s19 =	rddreg [dreg:$0x7]  }
0x28: {  	[tilespmem:s18], [sflag:$0x1] =	stream.linear.gather [hbm4b:s19+s18], $0x1388, $0x38;
	[tilespmem:$0xCF80] =	vst v63  }
0x29: {  	_ =	swait.ge [sflag:s10], $0x1388  }
0x2a: {  	[sflag:s10] =	ssyncset.done $0x0  }
0x2b: {  	s20 =	simm.s32 $0x1400;
	s19 =	rddreg [dreg:$0x8];
	[sflag:s10] =	ssyncadd.s32 $0xFFFFEC78  }
0x2c: {  	[tilespmem:s20], [sflag:$0x1] =	stream.linear.gather [hbm4b:s19+s18], $0x1388, $0x38;
	[tilespmem:$0xCF80] =	vst v63  }
0x2d: {  	_ =	swait.ge [sflag:s10], $0x1388  }
0x2e: {  	[sflag:s10] =	ssyncset.done $0x0  }
0x2f: {  	s18 =	simm.s32 $0x40;
	s19 =	simm.s32 $0x0;
	[sflag:s10] =	ssyncadd.s32 $0xFFFFEC78  }
.LBB2_2:
0x30: {  	p0 =	sne.s32 s18, $0x9FC0;
	[tilespmem:s19+$0x2800] =	vst v0;
	s19 =	smov.u32 s18;
	s18 =	sadd.s32 $0x40, s18  }
.Ltmp0:
0x31: {  	(pc) =	sbr.rel @p0 .LBB2_2-.Ltmp0, $2  }
0x32: {  	_ =	sdelay $0x2  }
0x33: {  	s19 =	sshra.s32 s19, $0x2  }
0x34: {  	[tilespmem:s19+$0x2800] =	vst v0;
	s18 =	simm.s32 $0x40;
	s19 =	simm.s32 $0x0  }
.LBB2_4:
0x35: {  	p0 =	sne.s32 s18, $0x9FC0;
	[tilespmem:s19+$0x5000] =	vst v0;
	s19 =	smov.u32 s18;
	s18 =	sadd.s32 $0x40, s18  }
.Ltmp1:
0x36: {  	(pc) =	sbr.rel @p0 .LBB2_4-.Ltmp1, $2  }
0x37: {  	_ =	sdelay $0x2  }
0x38: {  	s19 =	sshra.s32 s19, $0x2  }
0x39: {  	[tilespmem:s19+$0x5000] =	vst v0;
	s19 =	simm.s32 $0x0  }
0x3a: {  	s18 =	simm.s32 $0x40;
	v2 =	vld [tilespmem:s19+$0x0]  }
.LBB2_6:
0x3b: {  	p0 =	sne.s32 s18, $0x4DC0;
	v3 =	vld [tilespmem:s19+$0x1400];
	_ =	sdelay $0x4  }
.Ltmp2:
0x3c: {  	(pc) =	sbr.rel @p0 .LBB2_6-.Ltmp2, $4  }
0x3d: {  	_ = 	snop  }
0x3e: {  	[tilespmem:v2+s11+$0x0] =	vst.idx.add.s32.msk $0xffff, v1  }
0x3f: {  	s19 =	sshra.s32 s18, $0x2;
	[tilespmem:v3+s12+$0x0] =	vst.idx.add.s32.msk $0xffff, v1  }
0x40: {  	s18 =	sadd.s32 $0x40, s18;
	v2 =	vld [tilespmem:s19+$0x0]  }
0x41: {  	_ = 	snop  }
0x42: {  	v3 =	vld [tilespmem:s19+$0x1400];
	_ =	sdelay $0x6  }
0x43: {  	[tilespmem:v2+s11+$0x0] =	vst.idx.add.s32.msk $0xffff, v1  }
0x44: {  	[tilespmem:v3+s12+$0x0] =	vst.idx.add.s32.msk $0xffff, v1  }
0x45: {  	[tilespmem:$0x1388] =	vst v0  }
0x46: {  	[tilespmem:$0x2788] =	vst v0;
	v2 =	vld [tilespmem:$0x1380]  }
0x47: {  	v3 =	vld [tilespmem:$0x2780];
	_ =	sdelay $0x6  }
0x48: {  	[tilespmem:v2+s11+$0x0] =	vst.idx.add.s32.msk $0xff, v1  }
0x49: {  	s18 =	rddreg [dreg:$0x9];
	[tilespmem:v3+s12+$0x0] =	vst.idx.add.s32.msk $0xff, v1  }
0x4a: {  	[spmem:s18] =	stream.strided.scatter [tilespmem:s11], [sflag:$0x1], $0x2800, s14, s13, $0x38;
	[tilespmem:$0xCF80] =	vst v63  }
0x4b: {  	_ =	swait.ge [sflag:s10], $0x2800  }
0x4c: {  	[sflag:s10] =	ssyncset.done $0x0  }
0x4d: {  	s20 =	rddreg [dreg:$0xa];
	[sflag:s10] =	ssyncadd.s32 $0xFFFFD800  }
0x4e: {  	[spmem:s20] =	stream.strided.scatter [tilespmem:s12], [sflag:$0x1], $0x2800, s14, s13, $0x38;
	[tilespmem:$0xCF80] =	vst v63  }
0x4f: {  	_ =	swait.ge [sflag:s10], $0x2800  }
0x50: {  	[sflag:s10] =	ssyncset.done $0x0  }
0x51: {  	[sflag:s10] =	ssyncadd.s32 $0xFFFFD800  }
0x52: {  	[bflag:$0x0] =	sbarrier.arrive $0xFFFF  }
0x53: {  	[tilespmem:$0x7A80] =	vst v0  }
0x54: {  	[tilespmem:$0x7A90] =	vst v0  }
0x55: {  	[tilespmem:$0x7AA0] =	vst v0  }
0x56: {  	[tilespmem:$0x7AB0] =	vst v0  }
0x57: {  	[tilespmem:$0x7AC0] =	vst v0  }
0x58: {  	[tilespmem:$0x7AD0] =	vst v0  }
0x59: {  	[tilespmem:$0x7AE0] =	vst v0  }
0x5a: {  	[tilespmem:$0x7AF0] =	vst v0  }
0x5b: {  	[tilespmem:$0x7B00] =	vst v0  }
0x5c: {  	[tilespmem:$0x7B10] =	vst v0  }
0x5d: {  	[tilespmem:$0x7B20] =	vst v0  }
0x5e: {  	[tilespmem:$0x7B30] =	vst v0  }
0x5f: {  	[tilespmem:$0x7B40] =	vst v0  }
0x60: {  	[tilespmem:$0x7B50] =	vst v0  }
0x61: {  	[tilespmem:$0x7B60] =	vst v0  }
0x62: {  	[tilespmem:$0x7B70] =	vst v0  }
0x63: {  	[tilespmem:$0x7B80] =	vst v0  }
0x64: {  	[tilespmem:$0x7B90] =	vst v0  }
0x65: {  	[tilespmem:$0x7BA0] =	vst v0  }
0x66: {  	[tilespmem:$0x7BB0] =	vst v0  }
0x67: {  	[tilespmem:$0x7BC0] =	vst v0  }
0x68: {  	[tilespmem:$0x7BD0] =	vst v0  }
0x69: {  	[tilespmem:$0x7BE0] =	vst v0  }
0x6a: {  	[tilespmem:$0x7BF0] =	vst v0  }
0x6b: {  	[tilespmem:$0x7C00] =	vst v0  }
0x6c: {  	[tilespmem:$0x7C10] =	vst v0  }
0x6d: {  	[tilespmem:$0x7C20] =	vst v0  }
0x6e: {  	[tilespmem:$0x7C30] =	vst v0  }
0x6f: {  	[tilespmem:$0x7C40] =	vst v0  }
0x70: {  	[tilespmem:$0x7C50] =	vst v0  }
0x71: {  	[tilespmem:$0x7C60] =	vst v0  }
0x72: {  	[tilespmem:$0x7C70] =	vst v0  }
0x73: {  	[tilespmem:$0x7C80] =	vst v0  }
0x74: {  	[tilespmem:$0x7C90] =	vst v0  }
0x75: {  	[tilespmem:$0x7CA0] =	vst v0  }
0x76: {  	[tilespmem:$0x7CB0] =	vst v0  }
0x77: {  	[tilespmem:$0x7CC0] =	vst v0  }
0x78: {  	[tilespmem:$0x7CD0] =	vst v0  }
0x79: {  	[tilespmem:$0x7CE0] =	vst v0  }
0x7a: {  	[tilespmem:$0x7CF0] =	vst v0  }
0x7b: {  	[tilespmem:$0x7D00] =	vst v0  }
0x7c: {  	[tilespmem:$0x7D10] =	vst v0  }
0x7d: {  	[tilespmem:$0x7D20] =	vst v0  }
0x7e: {  	[tilespmem:$0x7D30] =	vst v0  }
0x7f: {  	[tilespmem:$0x7D40] =	vst v0  }
0x80: {  	[tilespmem:$0x7D50] =	vst v0  }
0x81: {  	[tilespmem:$0x7D60] =	vst v0  }
0x82: {  	[tilespmem:$0x7D70] =	vst v0  }
0x83: {  	[tilespmem:$0x7D80] =	vst v0  }
0x84: {  	[tilespmem:$0x7D90] =	vst v0  }
0x85: {  	[tilespmem:$0x7DA0] =	vst v0  }
0x86: {  	[tilespmem:$0x7DB0] =	vst v0  }
0x87: {  	[tilespmem:$0x7DC0] =	vst v0  }
0x88: {  	[tilespmem:$0x7DD0] =	vst v0  }
0x89: {  	[tilespmem:$0x7DE0] =	vst v0  }
0x8a: {  	[tilespmem:$0x7DF0] =	vst v0  }
0x8b: {  	[tilespmem:$0x7E00] =	vst v0  }
0x8c: {  	[tilespmem:$0x7E10] =	vst v0  }
0x8d: {  	[tilespmem:$0x7E20] =	vst v0  }
0x8e: {  	[tilespmem:$0x7E30] =	vst v0  }
0x8f: {  	[tilespmem:$0x7E40] =	vst v0  }
0x90: {  	[tilespmem:$0x7E50] =	vst v0  }
0x91: {  	[tilespmem:$0x7E60] =	vst v0  }
0x92: {  	[tilespmem:$0x7E70] =	vst v0  }
0x93: {  	[tilespmem:$0x7E80] =	vst v0  }
0x94: {  	[tilespmem:$0x7E90] =	vst v0  }
0x95: {  	[tilespmem:$0x7EA0] =	vst v0  }
0x96: {  	[tilespmem:$0x7EB0] =	vst v0  }
0x97: {  	[tilespmem:$0x7EC0] =	vst v0  }
0x98: {  	[tilespmem:$0x7ED0] =	vst v0  }
0x99: {  	[tilespmem:$0x7EE0] =	vst v0  }
0x9a: {  	[tilespmem:$0x7EF0] =	vst v0  }
0x9b: {  	[tilespmem:$0x7F00] =	vst v0  }
0x9c: {  	[tilespmem:$0x7F10] =	vst v0  }
0x9d: {  	[tilespmem:$0x7F20] =	vst v0  }
0x9e: {  	[tilespmem:$0x7F30] =	vst v0  }
0x9f: {  	[tilespmem:$0x7F40] =	vst v0  }
0xa0: {  	[tilespmem:$0x7F50] =	vst v0  }
0xa1: {  	[tilespmem:$0x7F60] =	vst v0  }
0xa2: {  	[tilespmem:$0x7F70] =	vst v0  }
0xa3: {  	[tilespmem:s15], [sflag:$0x1] =	stream.strided.gather [spmem:s1], $0x280, s14, s13, $0x38;
	[tilespmem:$0xCF80] =	vst v63  }
0xa4: {  	_ =	swait.ge [sflag:s10], $0x280  }
0xa5: {  	[sflag:s10] =	ssyncset.done $0x0  }
0xa6: {  	s18 =	simm.s32 $0x0;
	[sflag:s10] =	ssyncadd.s32 $0xFFFFFD80  }
0xa7: {  	s19 =	simm.s32 $0x40;
	v2 =	vld [tilespmem:s18+$0x7800]  }
.LBB2_8:
0xa8: {  	p0 =	sne.s32 s19, $0x9C0;
	v3 =	vld [tilespmem:s18+$0x7A80];
	_ =	sdelay $0x1  }
.Ltmp3:
0xa9: {  	(pc) =	sbr.rel @p0 .LBB2_8-.Ltmp3, $3  }
0xaa: {  	_ =	sdelay $0x1  }
0xab: {  	s20 =	sshra.s32 s19, $0x2;
	v3 =	vadd.s32 v3, v2  }
0xac: {  	s19 =	sadd.s32 $0x40, s19;
	v2 =	vld [tilespmem:s20+$0x7800];
	[tilespmem:s18+$0x7A80] =	vst v3;
	s18 =	smov.u32 s20  }
0xad: {  	v3 =	vld [tilespmem:s18+$0x7A80];
	_ =	sdelay $0x4  }
0xae: {  	v2 =	vadd.s32 v3, v2  }
0xaf: {  	[tilespmem:s18+$0x7A80] =	vst v2  }
0xb0: {  	[tilespmem:s15], [sflag:$0x1] =	stream.strided.gather [spmem:s2], $0x280, s14, s13, $0x38;
	[tilespmem:$0xCF80] =	vst v63  }
0xb1: {  	_ =	swait.ge [sflag:s10], $0x280  }
0xb2: {  	[sflag:s10] =	ssyncset.done $0x0  }
0xb3: {  	s18 =	simm.s32 $0x0;
	[sflag:s10] =	ssyncadd.s32 $0xFFFFFD80  }
0xb4: {  	s19 =	simm.s32 $0x40;
	v2 =	vld [tilespmem:s18+$0x7800]  }
.LBB2_10:
0xb5: {  	p0 =	sne.s32 s19, $0x9C0;
	v3 =	vld [tilespmem:s18+$0x7D00];
	_ =	sdelay $0x1  }
.Ltmp4:
0xb6: {  	(pc) =	sbr.rel @p0 .LBB2_10-.Ltmp4, $3  }
0xb7: {  	_ =	sdelay $0x1  }
0xb8: {  	s20 =	sshra.s32 s19, $0x2;
	v3 =	vadd.s32 v3, v2  }
0xb9: {  	s19 =	sadd.s32 $0x40, s19;
	v2 =	vld [tilespmem:s20+$0x7800];
	[tilespmem:s18+$0x7D00] =	vst v3;
	s18 =	smov.u32 s20  }
0xba: {  	v3 =	vld [tilespmem:s18+$0x7D00];
	_ =	sdelay $0x4  }
0xbb: {  	v2 =	vadd.s32 v3, v2  }
0xbc: {  	s20 =	rddreg [dreg:$0xb];
	[tilespmem:s18+$0x7D00] =	vst v2  }
0xbd: {  	[tilespmem:s15], [sflag:$0x1] =	stream.strided.gather [spmem:s20], $0x280, s14, s13, $0x38;
	[tilespmem:$0xCF80] =	vst v63  }
0xbe: {  	_ =	swait.ge [sflag:s10], $0x280  }
0xbf: {  	[sflag:s10] =	ssyncset.done $0x0  }
0xc0: {  	s18 =	simm.s32 $0x0;
	[sflag:s10] =	ssyncadd.s32 $0xFFFFFD80  }
0xc1: {  	s19 =	simm.s32 $0x40;
	v2 =	vld [tilespmem:s18+$0x7800]  }
.LBB2_12:
0xc2: {  	p0 =	sne.s32 s19, $0x9C0;
	v3 =	vld [tilespmem:s18+$0x7A80];
	_ =	sdelay $0x1  }
.Ltmp5:
0xc3: {  	(pc) =	sbr.rel @p0 .LBB2_12-.Ltmp5, $3  }
0xc4: {  	_ =	sdelay $0x1  }
0xc5: {  	s20 =	sshra.s32 s19, $0x2;
	v3 =	vadd.s32 v3, v2  }
0xc6: {  	s19 =	sadd.s32 $0x40, s19;
	v2 =	vld [tilespmem:s20+$0x7800];
	[tilespmem:s18+$0x7A80] =	vst v3;
	s18 =	smov.u32 s20  }
0xc7: {  	v3 =	vld [tilespmem:s18+$0x7A80];
	_ =	sdelay $0x4  }
0xc8: {  	v2 =	vadd.s32 v3, v2  }
0xc9: {  	s20 =	rddreg [dreg:$0xc];
	[tilespmem:s18+$0x7A80] =	vst v2  }
0xca: {  	[tilespmem:s15], [sflag:$0x1] =	stream.strided.gather [spmem:s20], $0x280, s14, s13, $0x38;
	[tilespmem:$0xCF80] =	vst v63  }
0xcb: {  	_ =	swait.ge [sflag:s10], $0x280  }
0xcc: {  	[sflag:s10] =	ssyncset.done $0x0  }
0xcd: {  	s18 =	simm.s32 $0x0;
	[sflag:s10] =	ssyncadd.s32 $0xFFFFFD80  }
0xce: {  	s19 =	simm.s32 $0x40;
	v2 =	vld [tilespmem:s18+$0x7800]  }
.LBB2_14:
0xcf: {  	p0 =	sne.s32 s19, $0x9C0;
	v3 =	vld [tilespmem:s18+$0x7D00];
	_ =	sdelay $0x1  }
.Ltmp6:
0xd0: {  	(pc) =	sbr.rel @p0 .LBB2_14-.Ltmp6, $3  }
0xd1: {  	_ =	sdelay $0x1  }
0xd2: {  	s20 =	sshra.s32 s19, $0x2;
	v3 =	vadd.s32 v3, v2  }
0xd3: {  	s19 =	sadd.s32 $0x40, s19;
	v2 =	vld [tilespmem:s20+$0x7800];
	[tilespmem:s18+$0x7D00] =	vst v3;
	s18 =	smov.u32 s20  }
0xd4: {  	v3 =	vld [tilespmem:s18+$0x7D00];
	_ =	sdelay $0x4  }
0xd5: {  	v2 =	vadd.s32 v3, v2  }
0xd6: {  	s20 =	rddreg [dreg:$0xd];
	[tilespmem:s18+$0x7D00] =	vst v2  }
0xd7: {  	[tilespmem:s15], [sflag:$0x1] =	stream.strided.gather [spmem:s20], $0x280, s14, s13, $0x38;
	[tilespmem:$0xCF80] =	vst v63  }
0xd8: {  	_ =	swait.ge [sflag:s10], $0x280  }
0xd9: {  	[sflag:s10] =	ssyncset.done $0x0  }
0xda: {  	s18 =	simm.s32 $0x0;
	[sflag:s10] =	ssyncadd.s32 $0xFFFFFD80  }
0xdb: {  	s19 =	simm.s32 $0x40;
	v2 =	vld [tilespmem:s18+$0x7800]  }
.LBB2_16:
0xdc: {  	p0 =	sne.s32 s19, $0x9C0;
	v3 =	vld [tilespmem:s18+$0x7A80];
	_ =	sdelay $0x1  }
.Ltmp7:
0xdd: {  	(pc) =	sbr.rel @p0 .LBB2_16-.Ltmp7, $3  }
0xde: {  	_ =	sdelay $0x1  }
0xdf: {  	s20 =	sshra.s32 s19, $0x2;
	v3 =	vadd.s32 v3, v2  }
0xe0: {  	s19 =	sadd.s32 $0x40, s19;
	v2 =	vld [tilespmem:s20+$0x7800];
	[tilespmem:s18+$0x7A80] =	vst v3;
	s18 =	smov.u32 s20  }
0xe1: {  	v3 =	vld [tilespmem:s18+$0x7A80];
	_ =	sdelay $0x4  }
0xe2: {  	v2 =	vadd.s32 v3, v2  }
0xe3: {  	s20 =	rddreg [dreg:$0xe];
	[tilespmem:s18+$0x7A80] =	vst v2  }
0xe4: {  	[tilespmem:s15], [sflag:$0x1] =	stream.strided.gather [spmem:s20], $0x280, s14, s13, $0x38;
	[tilespmem:$0xCF80] =	vst v63  }
0xe5: {  	_ =	swait.ge [sflag:s10], $0x280  }
0xe6: {  	[sflag:s10] =	ssyncset.done $0x0  }
0xe7: {  	s18 =	simm.s32 $0x0;
	[sflag:s10] =	ssyncadd.s32 $0xFFFFFD80  }
0xe8: {  	s19 =	simm.s32 $0x40;
	v2 =	vld [tilespmem:s18+$0x7800]  }
.LBB2_18:
0xe9: {  	p0 =	sne.s32 s19, $0x9C0;
	v3 =	vld [tilespmem:s18+$0x7D00];
	_ =	sdelay $0x1  }
.Ltmp8:
0xea: {  	(pc) =	sbr.rel @p0 .LBB2_18-.Ltmp8, $3  }
0xeb: {  	_ =	sdelay $0x1  }
0xec: {  	s20 =	sshra.s32 s19, $0x2;
	v3 =	vadd.s32 v3, v2  }
0xed: {  	s19 =	sadd.s32 $0x40, s19;
	v2 =	vld [tilespmem:s20+$0x7800];
	[tilespmem:s18+$0x7D00] =	vst v3;
	s18 =	smov.u32 s20  }
0xee: {  	v3 =	vld [tilespmem:s18+$0x7D00];
	_ =	sdelay $0x4  }
0xef: {  	v2 =	vadd.s32 v3, v2  }
0xf0: {  	s20 =	rddreg [dreg:$0xf];
	[tilespmem:s18+$0x7D00] =	vst v2  }
0xf1: {  	[tilespmem:s15], [sflag:$0x1] =	stream.strided.gather [spmem:s20], $0x280, s14, s13, $0x38;
	[tilespmem:$0xCF80] =	vst v63  }
0xf2: {  	_ =	swait.ge [sflag:s10], $0x280  }
0xf3: {  	[sflag:s10] =	ssyncset.done $0x0  }
0xf4: {  	s18 =	simm.s32 $0x0;
	[sflag:s10] =	ssyncadd.s32 $0xFFFFFD80  }
0xf5: {  	s19 =	simm.s32 $0x40;
	v2 =	vld [tilespmem:s18+$0x7800]  }
.LBB2_20:
0xf6: {  	p0 =	sne.s32 s19, $0x9C0;
	v3 =	vld [tilespmem:s18+$0x7A80];
	_ =	sdelay $0x1  }
.Ltmp9:
0xf7: {  	(pc) =	sbr.rel @p0 .LBB2_20-.Ltmp9, $3  }
0xf8: {  	_ =	sdelay $0x1  }
0xf9: {  	s20 =	sshra.s32 s19, $0x2;
	v3 =	vadd.s32 v3, v2  }
0xfa: {  	s19 =	sadd.s32 $0x40, s19;
	v2 =	vld [tilespmem:s20+$0x7800];
	[tilespmem:s18+$0x7A80] =	vst v3;
	s18 =	smov.u32 s20  }
0xfb: {  	v3 =	vld [tilespmem:s18+$0x7A80];
	_ =	sdelay $0x4  }
0xfc: {  	v2 =	vadd.s32 v3, v2  }
0xfd: {  	s20 =	rddreg [dreg:$0x10];
	[tilespmem:s18+$0x7A80] =	vst v2  }
0xfe: {  	[tilespmem:s15], [sflag:$0x1] =	stream.strided.gather [spmem:s20], $0x280, s14, s13, $0x38;
	[tilespmem:$0xCF80] =	vst v63  }
0xff: {  	_ =	swait.ge [sflag:s10], $0x280  }
0x100: {  	[sflag:s10] =	ssyncset.done $0x0  }
0x101: {  	s18 =	simm.s32 $0x0;
	[sflag:s10] =	ssyncadd.s32 $0xFFFFFD80  }
0x102: {  	s19 =	simm.s32 $0x40;
	v2 =	vld [tilespmem:s18+$0x7800]  }
.LBB2_22:
0x103: {  	p0 =	sne.s32 s19, $0x9C0;
	v3 =	vld [tilespmem:s18+$0x7D00];
	_ =	sdelay $0x1  }
.Ltmp10:
0x104: {  	(pc) =	sbr.rel @p0 .LBB2_22-.Ltmp10, $3  }
0x105: {  	_ =	sdelay $0x1  }
0x106: {  	s20 =	sshra.s32 s19, $0x2;
	v3 =	vadd.s32 v3, v2  }
0x107: {  	s19 =	sadd.s32 $0x40, s19;
	v2 =	vld [tilespmem:s20+$0x7800];
	[tilespmem:s18+$0x7D00] =	vst v3;
	s18 =	smov.u32 s20  }
0x108: {  	v3 =	vld [tilespmem:s18+$0x7D00];
	_ =	sdelay $0x4  }
0x109: {  	v2 =	vadd.s32 v3, v2  }
0x10a: {  	s20 =	rddreg [dreg:$0x11];
	[tilespmem:s18+$0x7D00] =	vst v2  }
0x10b: {  	[tilespmem:s15], [sflag:$0x1] =	stream.strided.gather [spmem:s20], $0x280, s14, s13, $0x38;
	[tilespmem:$0xCF80] =	vst v63  }
0x10c: {  	_ =	swait.ge [sflag:s10], $0x280  }
0x10d: {  	[sflag:s10] =	ssyncset.done $0x0  }
0x10e: {  	s18 =	simm.s32 $0x0;
	[sflag:s10] =	ssyncadd.s32 $0xFFFFFD80  }
0x10f: {  	s19 =	simm.s32 $0x40;
	v2 =	vld [tilespmem:s18+$0x7800]  }
.LBB2_24:
0x110: {  	p0 =	sne.s32 s19, $0x9C0;
	v3 =	vld [tilespmem:s18+$0x7A80];
	_ =	sdelay $0x1  }
.Ltmp11:
0x111: {  	(pc) =	sbr.rel @p0 .LBB2_24-.Ltmp11, $3  }
0x112: {  	_ =	sdelay $0x1  }
0x113: {  	s20 =	sshra.s32 s19, $0x2;
	v3 =	vadd.s32 v3, v2  }
0x114: {  	s19 =	sadd.s32 $0x40, s19;
	v2 =	vld [tilespmem:s20+$0x7800];
	[tilespmem:s18+$0x7A80] =	vst v3;
	s18 =	smov.u32 s20  }
0x115: {  	v3 =	vld [tilespmem:s18+$0x7A80];
	_ =	sdelay $0x4  }
0x116: {  	v2 =	vadd.s32 v3, v2  }
0x117: {  	s20 =	rddreg [dreg:$0x12];
	[tilespmem:s18+$0x7A80] =	vst v2  }
0x118: {  	[tilespmem:s15], [sflag:$0x1] =	stream.strided.gather [spmem:s20], $0x280, s14, s13, $0x38;
	[tilespmem:$0xCF80] =	vst v63  }
0x119: {  	_ =	swait.ge [sflag:s10], $0x280  }
0x11a: {  	[sflag:s10] =	ssyncset.done $0x0  }
0x11b: {  	s18 =	simm.s32 $0x0;
	[sflag:s10] =	ssyncadd.s32 $0xFFFFFD80  }
0x11c: {  	s19 =	simm.s32 $0x40;
	v2 =	vld [tilespmem:s18+$0x7800]  }
.LBB2_26:
0x11d: {  	p0 =	sne.s32 s19, $0x9C0;
	v3 =	vld [tilespmem:s18+$0x7D00];
	_ =	sdelay $0x1  }
.Ltmp12:
0x11e: {  	(pc) =	sbr.rel @p0 .LBB2_26-.Ltmp12, $3  }
0x11f: {  	_ =	sdelay $0x1  }
0x120: {  	s20 =	sshra.s32 s19, $0x2;
	v3 =	vadd.s32 v3, v2  }
0x121: {  	s19 =	sadd.s32 $0x40, s19;
	v2 =	vld [tilespmem:s20+$0x7800];
	[tilespmem:s18+$0x7D00] =	vst v3;
	s18 =	smov.u32 s20  }
0x122: {  	v3 =	vld [tilespmem:s18+$0x7D00];
	_ =	sdelay $0x4  }
0x123: {  	v2 =	vadd.s32 v3, v2  }
0x124: {  	s20 =	rddreg [dreg:$0x13];
	[tilespmem:s18+$0x7D00] =	vst v2  }
0x125: {  	[tilespmem:s15], [sflag:$0x1] =	stream.strided.gather [spmem:s20], $0x280, s14, s13, $0x38;
	[tilespmem:$0xCF80] =	vst v63  }
0x126: {  	_ =	swait.ge [sflag:s10], $0x280  }
0x127: {  	[sflag:s10] =	ssyncset.done $0x0  }
0x128: {  	s18 =	simm.s32 $0x0;
	[sflag:s10] =	ssyncadd.s32 $0xFFFFFD80  }
0x129: {  	s19 =	simm.s32 $0x40;
	v2 =	vld [tilespmem:s18+$0x7800]  }
.LBB2_28:
0x12a: {  	p0 =	sne.s32 s19, $0x9C0;
	v3 =	vld [tilespmem:s18+$0x7A80];
	_ =	sdelay $0x1  }
.Ltmp13:
0x12b: {  	(pc) =	sbr.rel @p0 .LBB2_28-.Ltmp13, $3  }
0x12c: {  	_ =	sdelay $0x1  }
0x12d: {  	s20 =	sshra.s32 s19, $0x2;
	v3 =	vadd.s32 v3, v2  }
0x12e: {  	s19 =	sadd.s32 $0x40, s19;
	v2 =	vld [tilespmem:s20+$0x7800];
	[tilespmem:s18+$0x7A80] =	vst v3;
	s18 =	smov.u32 s20  }
0x12f: {  	v3 =	vld [tilespmem:s18+$0x7A80];
	_ =	sdelay $0x4  }
0x130: {  	v2 =	vadd.s32 v3, v2  }
0x131: {  	s20 =	rddreg [dreg:$0x14];
	[tilespmem:s18+$0x7A80] =	vst v2  }
0x132: {  	[tilespmem:s15], [sflag:$0x1] =	stream.strided.gather [spmem:s20], $0x280, s14, s13, $0x38;
	[tilespmem:$0xCF80] =	vst v63  }
0x133: {  	_ =	swait.ge [sflag:s10], $0x280  }
0x134: {  	[sflag:s10] =	ssyncset.done $0x0  }
0x135: {  	s18 =	simm.s32 $0x0;
	[sflag:s10] =	ssyncadd.s32 $0xFFFFFD80  }
0x136: {  	s19 =	simm.s32 $0x40;
	v2 =	vld [tilespmem:s18+$0x7800]  }
.LBB2_30:
0x137: {  	p0 =	sne.s32 s19, $0x9C0;
	v3 =	vld [tilespmem:s18+$0x7D00];
	_ =	sdelay $0x1  }
.Ltmp14:
0x138: {  	(pc) =	sbr.rel @p0 .LBB2_30-.Ltmp14, $3  }
0x139: {  	_ =	sdelay $0x1  }
0x13a: {  	s20 =	sshra.s32 s19, $0x2;
	v3 =	vadd.s32 v3, v2  }
0x13b: {  	s19 =	sadd.s32 $0x40, s19;
	v2 =	vld [tilespmem:s20+$0x7800];
	[tilespmem:s18+$0x7D00] =	vst v3;
	s18 =	smov.u32 s20  }
0x13c: {  	v3 =	vld [tilespmem:s18+$0x7D00];
	_ =	sdelay $0x4  }
0x13d: {  	v2 =	vadd.s32 v3, v2  }
0x13e: {  	s20 =	rddreg [dreg:$0x15];
	[tilespmem:s18+$0x7D00] =	vst v2  }
0x13f: {  	[tilespmem:s15], [sflag:$0x1] =	stream.strided.gather [spmem:s20], $0x280, s14, s13, $0x38;
	[tilespmem:$0xCF80] =	vst v63  }
0x140: {  	_ =	swait.ge [sflag:s10], $0x280  }
0x141: {  	[sflag:s10] =	ssyncset.done $0x0  }
0x142: {  	s18 =	simm.s32 $0x0;
	[sflag:s10] =	ssyncadd.s32 $0xFFFFFD80  }
0x143: {  	s19 =	simm.s32 $0x40;
	v2 =	vld [tilespmem:s18+$0x7800]  }
.LBB2_32:
0x144: {  	p0 =	sne.s32 s19, $0x9C0;
	v3 =	vld [tilespmem:s18+$0x7A80];
	_ =	sdelay $0x1  }
.Ltmp15:
0x145: {  	(pc) =	sbr.rel @p0 .LBB2_32-.Ltmp15, $3  }
0x146: {  	_ =	sdelay $0x1  }
0x147: {  	s20 =	sshra.s32 s19, $0x2;
	v3 =	vadd.s32 v3, v2  }
0x148: {  	s19 =	sadd.s32 $0x40, s19;
	v2 =	vld [tilespmem:s20+$0x7800];
	[tilespmem:s18+$0x7A80] =	vst v3;
	s18 =	smov.u32 s20  }
0x149: {  	v3 =	vld [tilespmem:s18+$0x7A80];
	_ =	sdelay $0x4  }
0x14a: {  	v2 =	vadd.s32 v3, v2  }
0x14b: {  	s20 =	rddreg [dreg:$0x16];
	[tilespmem:s18+$0x7A80] =	vst v2  }
0x14c: {  	[tilespmem:s15], [sflag:$0x1] =	stream.strided.gather [spmem:s20], $0x280, s14, s13, $0x38;
	[tilespmem:$0xCF80] =	vst v63  }
0x14d: {  	_ =	swait.ge [sflag:s10], $0x280  }
0x14e: {  	[sflag:s10] =	ssyncset.done $0x0  }
0x14f: {  	s18 =	simm.s32 $0x0;
	[sflag:s10] =	ssyncadd.s32 $0xFFFFFD80  }
0x150: {  	s19 =	simm.s32 $0x40;
	v2 =	vld [tilespmem:s18+$0x7800]  }
.LBB2_34:
0x151: {  	p0 =	sne.s32 s19, $0x9C0;
	v3 =	vld [tilespmem:s18+$0x7D00];
	_ =	sdelay $0x1  }
.Ltmp16:
0x152: {  	(pc) =	sbr.rel @p0 .LBB2_34-.Ltmp16, $3  }
0x153: {  	_ =	sdelay $0x1  }
0x154: {  	s20 =	sshra.s32 s19, $0x2;
	v3 =	vadd.s32 v3, v2  }
0x155: {  	s19 =	sadd.s32 $0x40, s19;
	v2 =	vld [tilespmem:s20+$0x7800];
	[tilespmem:s18+$0x7D00] =	vst v3;
	s18 =	smov.u32 s20  }
0x156: {  	v3 =	vld [tilespmem:s18+$0x7D00];
	_ =	sdelay $0x4  }
0x157: {  	v2 =	vadd.s32 v3, v2  }
0x158: {  	s20 =	rddreg [dreg:$0x17];
	[tilespmem:s18+$0x7D00] =	vst v2  }
0x159: {  	[tilespmem:s15], [sflag:$0x1] =	stream.strided.gather [spmem:s20], $0x280, s14, s13, $0x38;
	[tilespmem:$0xCF80] =	vst v63  }
0x15a: {  	_ =	swait.ge [sflag:s10], $0x280  }
0x15b: {  	[sflag:s10] =	ssyncset.done $0x0  }
0x15c: {  	s18 =	simm.s32 $0x0;
	[sflag:s10] =	ssyncadd.s32 $0xFFFFFD80  }
0x15d: {  	s19 =	simm.s32 $0x40;
	v2 =	vld [tilespmem:s18+$0x7800]  }
.LBB2_36:
0x15e: {  	p0 =	sne.s32 s19, $0x9C0;
	v3 =	vld [tilespmem:s18+$0x7A80];
	_ =	sdelay $0x1  }
.Ltmp17:
0x15f: {  	(pc) =	sbr.rel @p0 .LBB2_36-.Ltmp17, $3  }
0x160: {  	_ =	sdelay $0x1  }
0x161: {  	s20 =	sshra.s32 s19, $0x2;
	v3 =	vadd.s32 v3, v2  }
0x162: {  	s19 =	sadd.s32 $0x40, s19;
	v2 =	vld [tilespmem:s20+$0x7800];
	[tilespmem:s18+$0x7A80] =	vst v3;
	s18 =	smov.u32 s20  }
0x163: {  	v3 =	vld [tilespmem:s18+$0x7A80];
	_ =	sdelay $0x4  }
0x164: {  	v2 =	vadd.s32 v3, v2  }
0x165: {  	s20 =	rddreg [dreg:$0x18];
	[tilespmem:s18+$0x7A80] =	vst v2  }
0x166: {  	[tilespmem:s15], [sflag:$0x1] =	stream.strided.gather [spmem:s20], $0x280, s14, s13, $0x38;
	[tilespmem:$0xCF80] =	vst v63  }
0x167: {  	_ =	swait.ge [sflag:s10], $0x280  }
0x168: {  	[sflag:s10] =	ssyncset.done $0x0  }
0x169: {  	s18 =	simm.s32 $0x0;
	[sflag:s10] =	ssyncadd.s32 $0xFFFFFD80  }
0x16a: {  	s19 =	simm.s32 $0x40;
	v2 =	vld [tilespmem:s18+$0x7800]  }
.LBB2_38:
0x16b: {  	p0 =	sne.s32 s19, $0x9C0;
	v3 =	vld [tilespmem:s18+$0x7D00];
	_ =	sdelay $0x1  }
.Ltmp18:
0x16c: {  	(pc) =	sbr.rel @p0 .LBB2_38-.Ltmp18, $3  }
0x16d: {  	_ =	sdelay $0x1  }
0x16e: {  	s20 =	sshra.s32 s19, $0x2;
	v3 =	vadd.s32 v3, v2  }
0x16f: {  	s19 =	sadd.s32 $0x40, s19;
	v2 =	vld [tilespmem:s20+$0x7800];
	[tilespmem:s18+$0x7D00] =	vst v3;
	s18 =	smov.u32 s20  }
0x170: {  	v3 =	vld [tilespmem:s18+$0x7D00];
	_ =	sdelay $0x4  }
0x171: {  	v2 =	vadd.s32 v3, v2  }
0x172: {  	s20 =	rddreg [dreg:$0x19];
	[tilespmem:s18+$0x7D00] =	vst v2  }
0x173: {  	[tilespmem:s15], [sflag:$0x1] =	stream.strided.gather [spmem:s20], $0x280, s14, s13, $0x38;
	[tilespmem:$0xCF80] =	vst v63  }
0x174: {  	_ =	swait.ge [sflag:s10], $0x280  }
0x175: {  	[sflag:s10] =	ssyncset.done $0x0  }
0x176: {  	s18 =	simm.s32 $0x0;
	[sflag:s10] =	ssyncadd.s32 $0xFFFFFD80  }
0x177: {  	s19 =	simm.s32 $0x40;
	v2 =	vld [tilespmem:s18+$0x7800]  }
.LBB2_40:
0x178: {  	p0 =	sne.s32 s19, $0x9C0;
	v3 =	vld [tilespmem:s18+$0x7A80];
	_ =	sdelay $0x1  }
.Ltmp19:
0x179: {  	(pc) =	sbr.rel @p0 .LBB2_40-.Ltmp19, $3  }
0x17a: {  	_ =	sdelay $0x1  }
0x17b: {  	s20 =	sshra.s32 s19, $0x2;
	v3 =	vadd.s32 v3, v2  }
0x17c: {  	s19 =	sadd.s32 $0x40, s19;
	v2 =	vld [tilespmem:s20+$0x7800];
	[tilespmem:s18+$0x7A80] =	vst v3;
	s18 =	smov.u32 s20  }
0x17d: {  	v3 =	vld [tilespmem:s18+$0x7A80];
	_ =	sdelay $0x4  }
0x17e: {  	v2 =	vadd.s32 v3, v2  }
0x17f: {  	[tilespmem:s18+$0x7A80] =	vst v2  }
0x180: {  	[tilespmem:s15], [sflag:$0x1] =	stream.strided.gather [spmem:s21], $0x280, s14, s13, $0x38;
	[tilespmem:$0xCF80] =	vst v63  }
0x181: {  	_ =	swait.ge [sflag:s10], $0x280  }
0x182: {  	[sflag:s10] =	ssyncset.done $0x0  }
0x183: {  	s18 =	simm.s32 $0x0;
	[sflag:s10] =	ssyncadd.s32 $0xFFFFFD80  }
0x184: {  	s19 =	simm.s32 $0x40;
	v2 =	vld [tilespmem:s18+$0x7800]  }
.LBB2_42:
0x185: {  	p0 =	sne.s32 s19, $0x9C0;
	v3 =	vld [tilespmem:s18+$0x7D00];
	_ =	sdelay $0x1  }
.Ltmp20:
0x186: {  	(pc) =	sbr.rel @p0 .LBB2_42-.Ltmp20, $3  }
0x187: {  	_ =	sdelay $0x1  }
0x188: {  	s20 =	sshra.s32 s19, $0x2;
	v3 =	vadd.s32 v3, v2  }
0x189: {  	s19 =	sadd.s32 $0x40, s19;
	v2 =	vld [tilespmem:s20+$0x7800];
	[tilespmem:s18+$0x7D00] =	vst v3;
	s18 =	smov.u32 s20  }
0x18a: {  	v3 =	vld [tilespmem:s18+$0x7D00];
	_ =	sdelay $0x4  }
0x18b: {  	v2 =	vadd.s32 v3, v2  }
0x18c: {  	[tilespmem:s18+$0x7D00] =	vst v2  }
0x18d: {  	[tilespmem:s15], [sflag:$0x1] =	stream.strided.gather [spmem:s22], $0x280, s14, s13, $0x38;
	[tilespmem:$0xCF80] =	vst v63  }
0x18e: {  	_ =	swait.ge [sflag:s10], $0x280  }
0x18f: {  	[sflag:s10] =	ssyncset.done $0x0  }
0x190: {  	s18 =	simm.s32 $0x0;
	[sflag:s10] =	ssyncadd.s32 $0xFFFFFD80  }
0x191: {  	s19 =	simm.s32 $0x40;
	v2 =	vld [tilespmem:s18+$0x7800]  }
.LBB2_44:
0x192: {  	p0 =	sne.s32 s19, $0x9C0;
	v3 =	vld [tilespmem:s18+$0x7A80];
	_ =	sdelay $0x1  }
.Ltmp21:
0x193: {  	(pc) =	sbr.rel @p0 .LBB2_44-.Ltmp21, $3  }
0x194: {  	_ =	sdelay $0x1  }
0x195: {  	s20 =	sshra.s32 s19, $0x2;
	v3 =	vadd.s32 v3, v2  }
0x196: {  	s19 =	sadd.s32 $0x40, s19;
	v2 =	vld [tilespmem:s20+$0x7800];
	[tilespmem:s18+$0x7A80] =	vst v3;
	s18 =	smov.u32 s20  }
0x197: {  	v3 =	vld [tilespmem:s18+$0x7A80];
	_ =	sdelay $0x4  }
0x198: {  	v2 =	vadd.s32 v3, v2  }
0x199: {  	[tilespmem:s18+$0x7A80] =	vst v2  }
0x19a: {  	[tilespmem:s15], [sflag:$0x1] =	stream.strided.gather [spmem:s23], $0x280, s14, s13, $0x38;
	[tilespmem:$0xCF80] =	vst v63  }
0x19b: {  	_ =	swait.ge [sflag:s10], $0x280  }
0x19c: {  	[sflag:s10] =	ssyncset.done $0x0  }
0x19d: {  	s18 =	simm.s32 $0x0;
	[sflag:s10] =	ssyncadd.s32 $0xFFFFFD80  }
0x19e: {  	s19 =	simm.s32 $0x40;
	v2 =	vld [tilespmem:s18+$0x7800]  }
.LBB2_46:
0x19f: {  	p0 =	sne.s32 s19, $0x9C0;
	v3 =	vld [tilespmem:s18+$0x7D00];
	_ =	sdelay $0x1  }
.Ltmp22:
0x1a0: {  	(pc) =	sbr.rel @p0 .LBB2_46-.Ltmp22, $3  }
0x1a1: {  	_ =	sdelay $0x1  }
0x1a2: {  	s20 =	sshra.s32 s19, $0x2;
	v3 =	vadd.s32 v3, v2  }
0x1a3: {  	s19 =	sadd.s32 $0x40, s19;
	v2 =	vld [tilespmem:s20+$0x7800];
	[tilespmem:s18+$0x7D00] =	vst v3;
	s18 =	smov.u32 s20  }
0x1a4: {  	v3 =	vld [tilespmem:s18+$0x7D00];
	_ =	sdelay $0x4  }
0x1a5: {  	v2 =	vadd.s32 v3, v2  }
0x1a6: {  	[tilespmem:s18+$0x7D00] =	vst v2  }
0x1a7: {  	[tilespmem:s15], [sflag:$0x1] =	stream.strided.gather [spmem:s24], $0x280, s14, s13, $0x38;
	[tilespmem:$0xCF80] =	vst v63  }
0x1a8: {  	_ =	swait.ge [sflag:s10], $0x280  }
0x1a9: {  	[sflag:s10] =	ssyncset.done $0x0  }
0x1aa: {  	s18 =	simm.s32 $0x0;
	[sflag:s10] =	ssyncadd.s32 $0xFFFFFD80  }
0x1ab: {  	s19 =	simm.s32 $0x40;
	v2 =	vld [tilespmem:s18+$0x7800]  }
.LBB2_48:
0x1ac: {  	p0 =	sne.s32 s19, $0x9C0;
	v3 =	vld [tilespmem:s18+$0x7A80];
	_ =	sdelay $0x1  }
.Ltmp23:
0x1ad: {  	(pc) =	sbr.rel @p0 .LBB2_48-.Ltmp23, $3  }
0x1ae: {  	_ =	sdelay $0x1  }
0x1af: {  	s20 =	sshra.s32 s19, $0x2;
	v3 =	vadd.s32 v3, v2  }
0x1b0: {  	s19 =	sadd.s32 $0x40, s19;
	v2 =	vld [tilespmem:s20+$0x7800];
	[tilespmem:s18+$0x7A80] =	vst v3;
	s18 =	smov.u32 s20  }
0x1b1: {  	v3 =	vld [tilespmem:s18+$0x7A80];
	_ =	sdelay $0x4  }
0x1b2: {  	v2 =	vadd.s32 v3, v2  }
0x1b3: {  	[tilespmem:s18+$0x7A80] =	vst v2  }
0x1b4: {  	[tilespmem:s15], [sflag:$0x1] =	stream.strided.gather [spmem:s25], $0x280, s14, s13, $0x38;
	[tilespmem:$0xCF80] =	vst v63  }
0x1b5: {  	_ =	swait.ge [sflag:s10], $0x280  }
0x1b6: {  	[sflag:s10] =	ssyncset.done $0x0  }
0x1b7: {  	s18 =	simm.s32 $0x0;
	[sflag:s10] =	ssyncadd.s32 $0xFFFFFD80  }
0x1b8: {  	s19 =	simm.s32 $0x40;
	v2 =	vld [tilespmem:s18+$0x7800]  }
.LBB2_50:
0x1b9: {  	p0 =	sne.s32 s19, $0x9C0;
	v3 =	vld [tilespmem:s18+$0x7D00];
	_ =	sdelay $0x1  }
.Ltmp24:
0x1ba: {  	(pc) =	sbr.rel @p0 .LBB2_50-.Ltmp24, $3  }
0x1bb: {  	_ =	sdelay $0x1  }
0x1bc: {  	s20 =	sshra.s32 s19, $0x2;
	v3 =	vadd.s32 v3, v2  }
0x1bd: {  	s19 =	sadd.s32 $0x40, s19;
	v2 =	vld [tilespmem:s20+$0x7800];
	[tilespmem:s18+$0x7D00] =	vst v3;
	s18 =	smov.u32 s20  }
0x1be: {  	v3 =	vld [tilespmem:s18+$0x7D00];
	_ =	sdelay $0x4  }
0x1bf: {  	v2 =	vadd.s32 v3, v2  }
0x1c0: {  	[tilespmem:s18+$0x7D00] =	vst v2  }
0x1c1: {  	[tilespmem:s15], [sflag:$0x1] =	stream.strided.gather [spmem:s26], $0x280, s14, s13, $0x38;
	[tilespmem:$0xCF80] =	vst v63  }
0x1c2: {  	_ =	swait.ge [sflag:s10], $0x280  }
0x1c3: {  	[sflag:s10] =	ssyncset.done $0x0  }
0x1c4: {  	s18 =	simm.s32 $0x0;
	[sflag:s10] =	ssyncadd.s32 $0xFFFFFD80  }
0x1c5: {  	s19 =	simm.s32 $0x40;
	v2 =	vld [tilespmem:s18+$0x7800]  }
.LBB2_52:
0x1c6: {  	p0 =	sne.s32 s19, $0x9C0;
	v3 =	vld [tilespmem:s18+$0x7A80];
	_ =	sdelay $0x1  }
.Ltmp25:
0x1c7: {  	(pc) =	sbr.rel @p0 .LBB2_52-.Ltmp25, $3  }
0x1c8: {  	_ =	sdelay $0x1  }
0x1c9: {  	s20 =	sshra.s32 s19, $0x2;
	v3 =	vadd.s32 v3, v2  }
0x1ca: {  	s19 =	sadd.s32 $0x40, s19;
	v2 =	vld [tilespmem:s20+$0x7800];
	[tilespmem:s18+$0x7A80] =	vst v3;
	s18 =	smov.u32 s20  }
0x1cb: {  	v3 =	vld [tilespmem:s18+$0x7A80];
	_ =	sdelay $0x4  }
0x1cc: {  	v2 =	vadd.s32 v3, v2  }
0x1cd: {  	[tilespmem:s18+$0x7A80] =	vst v2  }
0x1ce: {  	[tilespmem:s15], [sflag:$0x1] =	stream.strided.gather [spmem:s28], $0x280, s14, s13, $0x38;
	[tilespmem:$0xCF80] =	vst v63  }
0x1cf: {  	_ =	swait.ge [sflag:s10], $0x280  }
0x1d0: {  	[sflag:s10] =	ssyncset.done $0x0  }
0x1d1: {  	s18 =	simm.s32 $0x0;
	[sflag:s10] =	ssyncadd.s32 $0xFFFFFD80  }
0x1d2: {  	s19 =	simm.s32 $0x40;
	v2 =	vld [tilespmem:s18+$0x7800]  }
.LBB2_54:
0x1d3: {  	p0 =	sne.s32 s19, $0x9C0;
	v3 =	vld [tilespmem:s18+$0x7D00];
	_ =	sdelay $0x1  }
.Ltmp26:
0x1d4: {  	(pc) =	sbr.rel @p0 .LBB2_54-.Ltmp26, $3  }
0x1d5: {  	_ =	sdelay $0x1  }
0x1d6: {  	s20 =	sshra.s32 s19, $0x2;
	v3 =	vadd.s32 v3, v2  }
0x1d7: {  	s19 =	sadd.s32 $0x40, s19;
	v2 =	vld [tilespmem:s20+$0x7800];
	[tilespmem:s18+$0x7D00] =	vst v3;
	s18 =	smov.u32 s20  }
0x1d8: {  	v3 =	vld [tilespmem:s18+$0x7D00];
	_ =	sdelay $0x4  }
0x1d9: {  	v2 =	vadd.s32 v3, v2  }
0x1da: {  	[tilespmem:s18+$0x7D00] =	vst v2  }
0x1db: {  	[tilespmem:s15], [sflag:$0x1] =	stream.strided.gather [spmem:s29], $0x280, s14, s13, $0x38;
	[tilespmem:$0xCF80] =	vst v63  }
0x1dc: {  	_ =	swait.ge [sflag:s10], $0x280  }
0x1dd: {  	[sflag:s10] =	ssyncset.done $0x0  }
0x1de: {  	s18 =	simm.s32 $0x0;
	[sflag:s10] =	ssyncadd.s32 $0xFFFFFD80  }
0x1df: {  	s19 =	simm.s32 $0x40;
	v2 =	vld [tilespmem:s18+$0x7800]  }
.LBB2_56:
0x1e0: {  	p0 =	sne.s32 s19, $0x9C0;
	v3 =	vld [tilespmem:s18+$0x7A80];
	_ =	sdelay $0x1  }
.Ltmp27:
0x1e1: {  	(pc) =	sbr.rel @p0 .LBB2_56-.Ltmp27, $3  }
0x1e2: {  	_ =	sdelay $0x1  }
0x1e3: {  	s20 =	sshra.s32 s19, $0x2;
	v3 =	vadd.s32 v3, v2  }
0x1e4: {  	s19 =	sadd.s32 $0x40, s19;
	v2 =	vld [tilespmem:s20+$0x7800];
	[tilespmem:s18+$0x7A80] =	vst v3;
	s18 =	smov.u32 s20  }
0x1e5: {  	v3 =	vld [tilespmem:s18+$0x7A80];
	_ =	sdelay $0x4  }
0x1e6: {  	v2 =	vadd.s32 v3, v2  }
0x1e7: {  	[tilespmem:s18+$0x7A80] =	vst v2  }
0x1e8: {  	[tilespmem:s15], [sflag:$0x1] =	stream.strided.gather [spmem:s30], $0x280, s14, s13, $0x38;
	[tilespmem:$0xCF80] =	vst v63  }
0x1e9: {  	_ =	swait.ge [sflag:s10], $0x280  }
0x1ea: {  	[sflag:s10] =	ssyncset.done $0x0  }
0x1eb: {  	s18 =	simm.s32 $0x0;
	[sflag:s10] =	ssyncadd.s32 $0xFFFFFD80  }
0x1ec: {  	s19 =	simm.s32 $0x40;
	v2 =	vld [tilespmem:s18+$0x7800]  }
.LBB2_58:
0x1ed: {  	p0 =	sne.s32 s19, $0x9C0;
	v3 =	vld [tilespmem:s18+$0x7D00];
	_ =	sdelay $0x1  }
.Ltmp28:
0x1ee: {  	(pc) =	sbr.rel @p0 .LBB2_58-.Ltmp28, $3  }
0x1ef: {  	_ =	sdelay $0x1  }
0x1f0: {  	s20 =	sshra.s32 s19, $0x2;
	v3 =	vadd.s32 v3, v2  }
0x1f1: {  	s19 =	sadd.s32 $0x40, s19;
	v2 =	vld [tilespmem:s20+$0x7800];
	[tilespmem:s18+$0x7D00] =	vst v3;
	s18 =	smov.u32 s20  }
0x1f2: {  	v3 =	vld [tilespmem:s18+$0x7D00];
	_ =	sdelay $0x4  }
0x1f3: {  	v2 =	vadd.s32 v3, v2  }
0x1f4: {  	[tilespmem:s18+$0x7D00] =	vst v2  }
0x1f5: {  	[tilespmem:s15], [sflag:$0x1] =	stream.strided.gather [spmem:s31], $0x280, s14, s13, $0x38;
	[tilespmem:$0xCF80] =	vst v63  }
0x1f6: {  	_ =	swait.ge [sflag:s10], $0x280  }
0x1f7: {  	[sflag:s10] =	ssyncset.done $0x0  }
0x1f8: {  	s18 =	simm.s32 $0x0;
	[sflag:s10] =	ssyncadd.s32 $0xFFFFFD80  }
0x1f9: {  	s19 =	simm.s32 $0x40;
	v2 =	vld [tilespmem:s18+$0x7800]  }
.LBB2_60:
0x1fa: {  	p0 =	sne.s32 s19, $0x9C0;
	v3 =	vld [tilespmem:s18+$0x7A80];
	_ =	sdelay $0x1  }
.Ltmp29:
0x1fb: {  	(pc) =	sbr.rel @p0 .LBB2_60-.Ltmp29, $3  }
0x1fc: {  	_ =	sdelay $0x1  }
0x1fd: {  	s20 =	sshra.s32 s19, $0x2;
	v3 =	vadd.s32 v3, v2  }
0x1fe: {  	s19 =	sadd.s32 $0x40, s19;
	v2 =	vld [tilespmem:s20+$0x7800];
	[tilespmem:s18+$0x7A80] =	vst v3;
	s18 =	smov.u32 s20  }
0x1ff: {  	v3 =	vld [tilespmem:s18+$0x7A80];
	_ =	sdelay $0x4  }
0x200: {  	v2 =	vadd.s32 v3, v2  }
0x201: {  	[tilespmem:s18+$0x7A80] =	vst v2  }
0x202: {  	[tilespmem:s15], [sflag:$0x1] =	stream.strided.gather [spmem:s0], $0x280, s14, s13, $0x38;
	[tilespmem:$0xCF80] =	vst v63  }
0x203: {  	_ =	swait.ge [sflag:s10], $0x280  }
0x204: {  	[sflag:s10] =	ssyncset.done $0x0  }
0x205: {  	s18 =	simm.s32 $0x0;
	[sflag:s10] =	ssyncadd.s32 $0xFFFFFD80  }
0x206: {  	s19 =	simm.s32 $0x40;
	v2 =	vld [tilespmem:s18+$0x7800]  }
.LBB2_62:
0x207: {  	p0 =	sne.s32 s19, $0x9C0;
	v3 =	vld [tilespmem:s18+$0x7D00];
	_ =	sdelay $0x1  }
.Ltmp30:
0x208: {  	(pc) =	sbr.rel @p0 .LBB2_62-.Ltmp30, $3  }
0x209: {  	_ =	sdelay $0x1  }
0x20a: {  	s20 =	sshra.s32 s19, $0x2;
	v3 =	vadd.s32 v3, v2  }
0x20b: {  	s19 =	sadd.s32 $0x40, s19;
	v2 =	vld [tilespmem:s20+$0x7800];
	[tilespmem:s18+$0x7D00] =	vst v3;
	s18 =	smov.u32 s20  }
0x20c: {  	v3 =	vld [tilespmem:s18+$0x7D00];
	_ =	sdelay $0x4  }
0x20d: {  	v2 =	vadd.s32 v3, v2  }
0x20e: {  	[tilespmem:s18+$0x7D00] =	vst v2  }
0x20f: {  	[tilespmem:s15], [sflag:$0x1] =	stream.strided.gather [spmem:s3], $0x280, s14, s13, $0x38;
	[tilespmem:$0xCF80] =	vst v63  }
0x210: {  	_ =	swait.ge [sflag:s10], $0x280  }
0x211: {  	[sflag:s10] =	ssyncset.done $0x0  }
0x212: {  	s18 =	simm.s32 $0x0;
	[sflag:s10] =	ssyncadd.s32 $0xFFFFFD80  }
0x213: {  	s19 =	simm.s32 $0x40;
	v2 =	vld [tilespmem:s18+$0x7800]  }
.LBB2_64:
0x214: {  	p0 =	sne.s32 s19, $0x9C0;
	v3 =	vld [tilespmem:s18+$0x7A80];
	_ =	sdelay $0x1  }
.Ltmp31:
0x215: {  	(pc) =	sbr.rel @p0 .LBB2_64-.Ltmp31, $3  }
0x216: {  	_ =	sdelay $0x1  }
0x217: {  	s20 =	sshra.s32 s19, $0x2;
	v3 =	vadd.s32 v3, v2  }
0x218: {  	s19 =	sadd.s32 $0x40, s19;
	v2 =	vld [tilespmem:s20+$0x7800];
	[tilespmem:s18+$0x7A80] =	vst v3;
	s18 =	smov.u32 s20  }
0x219: {  	v3 =	vld [tilespmem:s18+$0x7A80];
	_ =	sdelay $0x4  }
0x21a: {  	v2 =	vadd.s32 v3, v2  }
0x21b: {  	[tilespmem:s18+$0x7A80] =	vst v2  }
0x21c: {  	[tilespmem:s15], [sflag:$0x1] =	stream.strided.gather [spmem:s4], $0x280, s14, s13, $0x38;
	[tilespmem:$0xCF80] =	vst v63  }
0x21d: {  	_ =	swait.ge [sflag:s10], $0x280  }
0x21e: {  	[sflag:s10] =	ssyncset.done $0x0  }
0x21f: {  	s18 =	simm.s32 $0x0;
	[sflag:s10] =	ssyncadd.s32 $0xFFFFFD80  }
0x220: {  	s19 =	simm.s32 $0x40;
	v2 =	vld [tilespmem:s18+$0x7800]  }
.LBB2_66:
0x221: {  	p0 =	sne.s32 s19, $0x9C0;
	v3 =	vld [tilespmem:s18+$0x7D00];
	_ =	sdelay $0x1  }
.Ltmp32:
0x222: {  	(pc) =	sbr.rel @p0 .LBB2_66-.Ltmp32, $3  }
0x223: {  	_ =	sdelay $0x1  }
0x224: {  	s20 =	sshra.s32 s19, $0x2;
	v3 =	vadd.s32 v3, v2  }
0x225: {  	s19 =	sadd.s32 $0x40, s19;
	v2 =	vld [tilespmem:s20+$0x7800];
	[tilespmem:s18+$0x7D00] =	vst v3;
	s18 =	smov.u32 s20  }
0x226: {  	v3 =	vld [tilespmem:s18+$0x7D00];
	_ =	sdelay $0x4  }
0x227: {  	v2 =	vadd.s32 v3, v2  }
0x228: {  	[tilespmem:s18+$0x7D00] =	vst v2  }
0x229: {  	[tilespmem:s15], [sflag:$0x1] =	stream.strided.gather [spmem:s5], $0x280, s14, s13, $0x38;
	[tilespmem:$0xCF80] =	vst v63  }
0x22a: {  	_ =	swait.ge [sflag:s10], $0x280  }
0x22b: {  	[sflag:s10] =	ssyncset.done $0x0  }
0x22c: {  	s18 =	simm.s32 $0x0;
	[sflag:s10] =	ssyncadd.s32 $0xFFFFFD80  }
0x22d: {  	s19 =	simm.s32 $0x40;
	v2 =	vld [tilespmem:s18+$0x7800]  }
.LBB2_68:
0x22e: {  	p0 =	sne.s32 s19, $0x9C0;
	v3 =	vld [tilespmem:s18+$0x7A80];
	_ =	sdelay $0x1  }
.Ltmp33:
0x22f: {  	(pc) =	sbr.rel @p0 .LBB2_68-.Ltmp33, $3  }
0x230: {  	_ =	sdelay $0x1  }
0x231: {  	s20 =	sshra.s32 s19, $0x2;
	v3 =	vadd.s32 v3, v2  }
0x232: {  	s19 =	sadd.s32 $0x40, s19;
	v2 =	vld [tilespmem:s20+$0x7800];
	[tilespmem:s18+$0x7A80] =	vst v3;
	s18 =	smov.u32 s20  }
0x233: {  	v3 =	vld [tilespmem:s18+$0x7A80];
	_ =	sdelay $0x4  }
0x234: {  	v2 =	vadd.s32 v3, v2  }
0x235: {  	[tilespmem:s18+$0x7A80] =	vst v2  }
0x236: {  	[tilespmem:s15], [sflag:$0x1] =	stream.strided.gather [spmem:s6], $0x280, s14, s13, $0x38;
	[tilespmem:$0xCF80] =	vst v63  }
0x237: {  	_ =	swait.ge [sflag:s10], $0x280  }
0x238: {  	[sflag:s10] =	ssyncset.done $0x0  }
0x239: {  	s18 =	simm.s32 $0x0;
	[sflag:s10] =	ssyncadd.s32 $0xFFFFFD80  }
0x23a: {  	s19 =	simm.s32 $0x40;
	v2 =	vld [tilespmem:s18+$0x7800]  }
.LBB2_70:
0x23b: {  	p0 =	sne.s32 s19, $0x9C0;
	v3 =	vld [tilespmem:s18+$0x7D00];
	_ =	sdelay $0x1  }
.Ltmp34:
0x23c: {  	(pc) =	sbr.rel @p0 .LBB2_70-.Ltmp34, $3  }
0x23d: {  	_ =	sdelay $0x1  }
0x23e: {  	s20 =	sshra.s32 s19, $0x2;
	v3 =	vadd.s32 v3, v2  }
0x23f: {  	s19 =	sadd.s32 $0x40, s19;
	v2 =	vld [tilespmem:s20+$0x7800];
	[tilespmem:s18+$0x7D00] =	vst v3;
	s18 =	smov.u32 s20  }
0x240: {  	v3 =	vld [tilespmem:s18+$0x7D00];
	_ =	sdelay $0x4  }
0x241: {  	v2 =	vadd.s32 v3, v2  }
0x242: {  	s19 =	simm.s32 $0x7A80;
	[tilespmem:s18+$0x7D00] =	vst v2  }
0x243: {  	[hbm4b:s7+s13] =	stream.strided.scatter [tilespmem:s19], [sflag:$0x1], $0x280, s16, s13, $0x38;
	[tilespmem:$0xCF80] =	vst v63  }
0x244: {  	s17 =	sadd.s32 $0x1, s17;
	_ =	swait.ge [sflag:s10], $0x280  }
0x245: {  	p0 =	sne.s32 s17, s9;
	[sflag:s10] =	ssyncset.done $0x0  }
.Ltmp35:
0x246: {  	s20 =	simm.s32 $0x7D00;
	[sflag:s10] =	ssyncadd.s32 $0xFFFFFD80;
	(pc) =	sbr.rel @p0 .LBB2_1-.Ltmp35, $4  }
0x247: {  	[hbm4b:s8+s13] =	stream.strided.scatter [tilespmem:s20], [sflag:$0x1], $0x280, s16, s13, $0x38;
	[tilespmem:$0xCF80] =	vst v63  }
0x248: {  	_ =	swait.ge [sflag:s10], $0x280  }
0x249: {  	[sflag:s10] =	ssyncset.done $0x0  }
0x24a: {  	[sflag:s10] =	ssyncadd.s32 $0xFFFFFD80  }
0x24b: {  	_ =	sfence.sel $0x180000  }
0x24c: {  	[bflag:$0x0] =	sbarrier.arrive $0xFFFF  }
0x24d: {  	_ =	strace $0x90000047  }
0x24e: {  	s0 =	stileid.u32;
	[bflag:$0x2] =	sbarrier.arrive $0xFFFF  }
0x24f: {  	p0 =	sne.s32 s0, $0x0;
	s0 =	rddreg [dreg:$0x6]  }
0x250: {  	s0 =	sadd.s32 @!p0 $0x100000, s0  }
0x251: {  	[sflag:s0] =	ssyncadd.tile.s32 @!p0 $0x1;
	_ =	shalt  }
.Lfunc_end2:
_tile_overlayer_lowered:
.L_overlay_start_2:
0x252: {  	(tag) =	ssettag $0x2  }
0x253: {  	s0 =	rddreg [dreg:$0x0];
	s2 =	stileid.u32  }
0x254: {  	s1 =	rddreg [dreg:$0x1];
	p0 =	sne.s32 s2, $0x0  }
0x255: {  	s3 =	rddreg [dreg:$0x2];
	[bflag:$0x3] =	sbarrier.arrive $0xFFFF;
	s2 =	simm.s32 @!p0 $0x1C01  }
0x256: {  	[timem:s3], [sflag:s2] =	dma.local @!p0 [hbm:s0], s1  }
0x257: {  	s0 =	simm.s32 @!p0 $0x1  }
0x258: {  	_ =	swait.ge @!p0 [sflag:s0], s1  }
0x259: {  	s1 =	ssub.s32 @!p0 $0x0, s1;
	[sflag:s0] =	ssyncset.done @!p0 $0x0  }
0x25a: {  	[sflag:s0] =	ssyncadd.s32 @!p0 s1  }
0x25b: {  	[bflag:$0x3] =	sbarrier.arrive $0xFFFF  }
0x25c: {  	_ =	shalt  }

</sc_bundles>
